<compile_context>
chip_gen: v7x
topology: tpu7x:2x2x1
jax: 0.10.2.dev20260603
libtpu: 0.0.44.dev20260713+nightly
codegen_flags: <defaults>
</compile_context>

<pallas_src>
import functools

import jax
import jax.numpy as jnp
from jax import lax
from jax.experimental import pallas as pl
from jax.experimental.pallas import tpu as pltpu
from jax.experimental.pallas import tpu_sc as plsc

_NC = 2
_NS = 16
_NW = _NC * _NS
_BLK = 128
_NBUF = 8
_LAG = 2
_RB = 1000



def _tile_blocks(w, NB):
    nfull = NB // _NW
    rem = NB % _NW
    base = nfull * w + jnp.minimum(w, rem)
    cnt = nfull + jnp.where(w < rem, 1, 0)
    return base, cnt


def _make_sc_deg(n, RPT, NB, NBT):
    mesh = plsc.VectorSubcoreMesh(core_axis_name="c", subcore_axis_name="s")
    nh = n // 2

    @functools.partial(
        pl.kernel,
        out_type=[
            jax.ShapeDtypeStruct((_NC, n, 16), jnp.float32),
            jax.ShapeDtypeStruct((NB, _BLK), jnp.int32),
            jax.ShapeDtypeStruct((NB, _BLK), jnp.int32),
        ],
        mesh=mesh,
        scratch_types=[
            pltpu.VMEM((NBT, _BLK), jnp.int32),
            pltpu.VMEM((NBT, _BLK), jnp.int32),
            pltpu.VMEM((NBT, _BLK), jnp.int32),
            pltpu.VMEM((_BLK, 16), jnp.float32),
            pltpu.VMEM_SHARED((n, 16), jnp.float32),
            pltpu.SemaphoreType.DMA,
        ],
        compiler_params=pltpu.CompilerParams(use_tc_tiling_on_sc=False),
    )
    def deg_kernel(ei2_hbm, zeros_hbm, out_hbm, srct_hbm, dstt_hbm,
                   sidx, didx, didx_t, ones_b, acc, sem_s):
        c = lax.axis_index("c")
        s = lax.axis_index("s")
        w = c * _NS + s
        base, cnt = _tile_blocks(w, NB)
        pltpu.sync_copy(ei2_hbm.at[pl.ds(base, NBT - 1)],
                        sidx.at[pl.ds(0, NBT - 1)])
        pltpu.sync_copy(ei2_hbm.at[pl.ds(NB + base, NBT - 1)],
                        didx.at[pl.ds(0, NBT - 1)])

        @pl.when(cnt == NBT)
        def _():
            pltpu.sync_copy(ei2_hbm.at[pl.ds(base + NBT - 1, 1)],
                            sidx.at[pl.ds(NBT - 1, 1)])
            pltpu.sync_copy(ei2_hbm.at[pl.ds(NB + base + NBT - 1, 1)],
                            didx.at[pl.ds(NBT - 1, 1)])

        ov = jnp.ones((16,), jnp.float32)

        def fill(r, _):
            ones_b[r, :] = ov
            return 0

        lax.fori_loop(0, _BLK, fill, 0)

        pltpu.sync_copy(zeros_hbm.at[pl.ds(s * RPT, RPT)],
                        acc.at[pl.ds(s * RPT, RPT)])
        plsc.subcore_barrier()

        lag_d = 4

        def body(i, _):
            @pl.when(i >= lag_d)
            def _():
                pltpu.make_async_copy(ones_b, acc.at[didx.at[i - lag_d]],
                                      sem_s).wait()

            pltpu.async_copy(ones_b, acc.at[didx.at[i]], sem_s, add=True)
            for j in range(_BLK // 16):
                v = sidx[i, pl.ds(16 * j, 16)]
                t = v + v
                sidx[i, pl.ds(16 * j, 16)] = jnp.where(v >= nh, t - (n - 1), t)
                u = didx[i, pl.ds(16 * j, 16)]
                t2 = u + u
                didx_t[i, pl.ds(16 * j, 16)] = jnp.where(
                    u >= nh, t2 - (n - 1), t2)
            return 0

        lax.fori_loop(0, cnt, body, 0)

        def drain_deg(k, _):
            i = jnp.maximum(cnt - lag_d, 0) + k
            @pl.when(i < cnt)
            def _():
                pltpu.make_async_copy(ones_b, acc.at[didx.at[i]],
                                      sem_s).wait()
            return 0

        lax.fori_loop(0, lag_d, drain_deg, 0)

        pltpu.sync_copy(sidx.at[pl.ds(0, NBT - 1)],
                        srct_hbm.at[pl.ds(base, NBT - 1)])
        pltpu.sync_copy(didx_t.at[pl.ds(0, NBT - 1)],
                        dstt_hbm.at[pl.ds(base, NBT - 1)])

        @pl.when(cnt == NBT)
        def _():
            pltpu.sync_copy(sidx.at[pl.ds(NBT - 1, 1)],
                            srct_hbm.at[pl.ds(base + NBT - 1, 1)])
            pltpu.sync_copy(didx_t.at[pl.ds(NBT - 1, 1)],
                            dstt_hbm.at[pl.ds(base + NBT - 1, 1)])

        plsc.subcore_barrier()
        pltpu.sync_copy(acc.at[pl.ds(s * RPT, RPT)],
                        out_hbm.at[c].at[pl.ds(s * RPT, RPT)])

    return deg_kernel


def _make_sc_agg(n, RPT, NB, NBT, D):
    mesh = plsc.VectorSubcoreMesh(core_axis_name="c", subcore_axis_name="s")

    @functools.partial(
        pl.kernel,
        out_type=jax.ShapeDtypeStruct((_NC, n, D), jnp.float32),
        mesh=mesh,
        scratch_types=[
            pltpu.VMEM((NBT, _BLK), jnp.int32),
            pltpu.VMEM((NBT, _BLK), jnp.int32),
            pltpu.VMEM((_NBUF, _BLK, D), jnp.float32),
            pltpu.VMEM_SHARED((n, D), jnp.float32),
            pltpu.SemaphoreType.DMA,
            pltpu.SemaphoreType.DMA,
        ],
        compiler_params=pltpu.CompilerParams(use_tc_tiling_on_sc=False),
    )
    def agg_kernel(g_hbm, src_hbm, dst_hbm, zeros_hbm, out_hbm, sidx, didx,
                   rows, acc, sem_g, sem_s):
        c = lax.axis_index("c")
        s = lax.axis_index("s")
        w = c * _NS + s
        base, cnt = _tile_blocks(w, NB)
        pltpu.sync_copy(src_hbm.at[pl.ds(base, NBT - 1)],
                        sidx.at[pl.ds(0, NBT - 1)])
        pltpu.sync_copy(dst_hbm.at[pl.ds(base, NBT - 1)],
                        didx.at[pl.ds(0, NBT - 1)])

        @pl.when(cnt == NBT)
        def _():
            pltpu.sync_copy(src_hbm.at[pl.ds(base + NBT - 1, 1)],
                            sidx.at[pl.ds(NBT - 1, 1)])
            pltpu.sync_copy(dst_hbm.at[pl.ds(base + NBT - 1, 1)],
                            didx.at[pl.ds(NBT - 1, 1)])

        pltpu.sync_copy(zeros_hbm.at[pl.ds(s * RPT, RPT)],
                        acc.at[pl.ds(s * RPT, RPT)])
        plsc.subcore_barrier()

        for b in range(_NBUF):
            pltpu.async_copy(g_hbm.at[sidx.at[b]], rows.at[b], sem_g)

        def body(i, _):
            @pl.when(i >= _LAG)
            def _():
                pltpu.make_async_copy(rows.at[lax.rem(i - _LAG, _NBUF)],
                                      acc.at[didx.at[i - _LAG]], sem_s).wait()
                nxt = i + _NBUF - _LAG

                @pl.when(nxt < cnt)
                def _():
                    pltpu.async_copy(g_hbm.at[sidx.at[nxt]],
                                     rows.at[lax.rem(nxt, _NBUF)], sem_g)

            slot = lax.rem(i, _NBUF)
            pltpu.make_async_copy(g_hbm.at[sidx.at[i]], rows.at[slot],
                                  sem_g).wait()
            pltpu.async_copy(rows.at[slot], acc.at[didx.at[i]], sem_s,
                             add=True)
            return 0

        lax.fori_loop(0, cnt, body, 0)

        def drain(k, _):
            i = cnt - _LAG + k
            pltpu.make_async_copy(rows.at[lax.rem(i, _NBUF)],
                                  acc.at[didx.at[i]], sem_s).wait()
            return 0

        lax.fori_loop(0, _LAG, drain, 0)
        plsc.subcore_barrier()

        pltpu.sync_copy(acc.at[pl.ds(s * RPT, RPT)],
                        out_hbm.at[c].at[pl.ds(s * RPT, RPT)])

    return agg_kernel



def _mm_body(x_ref, w_ref, o_ref):
    o_ref[...] = jnp.dot(x_ref[...], w_ref[...],
                         preferred_element_type=jnp.float32)


def _scale_body(dpl_ref, dpr_ref, h0l_ref, h0r_ref, g_ref, dis_ref):
    degl = dpl_ref[0, :, 0:1] + dpl_ref[1, :, 0:1] + 1.0
    degr = dpr_ref[0, :, 0:1] + dpr_ref[1, :, 0:1] + 1.0
    disl = lax.rsqrt(degl)
    disr = lax.rsqrt(degr)
    b = disl.shape[0]
    dis_ref[...] = jnp.concatenate(
        [jnp.broadcast_to(disl, (b, 64)), jnp.broadcast_to(disr, (b, 64))],
        axis=1)
    g_ref[...] = jnp.concatenate(
        [h0l_ref[...] * disl, h0r_ref[...] * disr], axis=1)


def _layer2_body(p_ref, g1_ref, dis_ref, b1_ref, w2_ref, g2_ref):
    dis = dis_ref[...]
    agg = p_ref[0] + p_ref[1] + g1_ref[...]
    h1 = jnp.maximum(agg * dis + b1_ref[...], 0.0)
    g2_ref[...] = jnp.dot(h1, w2_ref[...],
                          preferred_element_type=jnp.float32) * dis


def _final_body(p_ref, g2_ref, dis_ref, b2_ref, bl_ref2, br_ref2, wl_ref,
                blb_ref, o_ref, acc, cnt):
    i = pl.program_id(0)

    @pl.when(i == 0)
    def _():
        acc[...] = jnp.zeros_like(acc)
        cnt[...] = jnp.zeros_like(cnt)

    agg = p_ref[0] + p_ref[1] + g2_ref[...]
    h2 = jnp.maximum(agg * dis_ref[...] + b2_ref[...], 0.0)
    h2l = h2[:, 0:64]
    h2r = h2[:, 64:128]
    iota = lax.broadcasted_iota(jnp.int32, (1, 64), 1)
    ohl = (bl_ref2[...].astype(jnp.int32) == iota).astype(jnp.float32)
    ohr = (br_ref2[...].astype(jnp.int32) == iota).astype(jnp.float32)
    acc[...] += (
        lax.dot_general(ohl, h2l, (((0,), (0,)), ((), ())),
                        preferred_element_type=jnp.float32)
        + lax.dot_general(ohr, h2r, (((0,), (0,)), ((), ())),
                          preferred_element_type=jnp.float32))
    ones = jnp.ones((ohl.shape[0], 1), jnp.float32)
    cnt[...] += lax.dot_general(ohl + ohr, ones, (((0,), (0,)), ((), ())),
                                preferred_element_type=jnp.float32)

    @pl.when(i == pl.num_programs(0) - 1)
    def _():
        pooled = jnp.dot(acc[...], wl_ref[...],
                         preferred_element_type=jnp.float32)
        o_ref[...] = pooled / jnp.maximum(cnt[...], 1.0) + blb_ref[...]



def kernel(x, edge_index, batch, W1, b1, W2, b2, Wl, bl):
    n, d_in = x.shape
    d_hid = W1.shape[1]
    e = edge_index.shape[1]
    g_graphs = 64
    nh = n // 2
    dp2 = 2 * d_hid

    NB = e // _BLK
    NBT = NB // _NW + 1
    rpt = n // _NS

    ei2 = edge_index.reshape(2 * NB, _BLK)
    zeros_acc = jnp.zeros((n, d_hid), jnp.float32)
    zeros16 = jnp.zeros((n, 16), jnp.float32)

    deg_parts, src_t, dst_t = _make_sc_deg(n, rpt, NB, NBT)(ei2, zeros16)

    grid = nh // _RB
    h0 = pl.pallas_call(
        _mm_body,
        grid=(2 * grid,),
        in_specs=[
            pl.BlockSpec((_RB, d_in), lambda i: (i, 0)),
            pl.BlockSpec((d_in, d_hid), lambda i: (0, 0)),
        ],
        out_specs=pl.BlockSpec((_RB, d_hid), lambda i: (i, 0)),
        out_shape=jax.ShapeDtypeStruct((n, d_hid), jnp.float32),
    )(x, W1)

    g1p, disp = pl.pallas_call(
        _scale_body,
        grid=(grid,),
        in_specs=[
            pl.BlockSpec((2, _RB, 16), lambda i: (0, i, 0)),
            pl.BlockSpec((2, _RB, 16), lambda i, g=grid: (0, i + g, 0)),
            pl.BlockSpec((_RB, d_hid), lambda i: (i, 0)),
            pl.BlockSpec((_RB, d_hid), lambda i, g=grid: (i + g, 0)),
        ],
        out_specs=[
            pl.BlockSpec((_RB, dp2), lambda i: (i, 0)),
            pl.BlockSpec((_RB, dp2), lambda i: (i, 0)),
        ],
        out_shape=[
            jax.ShapeDtypeStruct((nh, dp2), jnp.float32),
            jax.ShapeDtypeStruct((nh, dp2), jnp.float32),
        ],
    )(deg_parts, deg_parts, h0, h0)

    agg = _make_sc_agg(n, rpt, NB, NBT, d_hid)
    p1 = agg(g1p.reshape(n, d_hid), src_t, dst_t, zeros_acc)
    p1p = p1.reshape(_NC, nh, dp2)

    w2blk = jnp.zeros((dp2, dp2), jnp.float32)
    w2blk = w2blk.at[:d_hid, :d_hid].set(W2).at[d_hid:, d_hid:].set(W2)
    b1p = jnp.tile(b1, 2).reshape(1, dp2)
    b2p = jnp.tile(b2, 2).reshape(1, dp2)

    g2p = pl.pallas_call(
        _layer2_body,
        grid=(grid,),
        in_specs=[
            pl.BlockSpec((2, _RB, dp2), lambda i: (0, i, 0)),
            pl.BlockSpec((_RB, dp2), lambda i: (i, 0)),
            pl.BlockSpec((_RB, dp2), lambda i: (i, 0)),
            pl.BlockSpec((1, dp2), lambda i: (0, 0)),
            pl.BlockSpec((dp2, dp2), lambda i: (0, 0)),
        ],
        out_specs=pl.BlockSpec((_RB, dp2), lambda i: (i, 0)),
        out_shape=jax.ShapeDtypeStruct((nh, dp2), jnp.float32),
    )(p1p, g1p, disp, b1p, w2blk)

    p2 = agg(g2p.reshape(n, d_hid), src_t, dst_t, zeros_acc)
    p2p = p2.reshape(_NC, nh, dp2)

    batch2 = batch.astype(jnp.int8).reshape(-1, 1)
    out = pl.pallas_call(
        _final_body,
        grid=(grid,),
        in_specs=[
            pl.BlockSpec((2, _RB, dp2), lambda i: (0, i, 0)),
            pl.BlockSpec((_RB, dp2), lambda i: (i, 0)),
            pl.BlockSpec((_RB, dp2), lambda i: (i, 0)),
            pl.BlockSpec((1, dp2), lambda i: (0, 0)),
            pl.BlockSpec((_RB, 1), lambda i: (i, 0)),
            pl.BlockSpec((_RB, 1), lambda i, g=grid: (i + g, 0)),
            pl.BlockSpec((d_hid, 1), lambda i: (0, 0)),
            pl.BlockSpec((1, 1), lambda i: (0, 0)),
        ],
        out_specs=pl.BlockSpec((g_graphs, 1), lambda i: (0, 0)),
        out_shape=jax.ShapeDtypeStruct((g_graphs, 1), jnp.float32),
        scratch_shapes=[
            pltpu.VMEM((g_graphs, d_hid), jnp.float32),
            pltpu.VMEM((g_graphs, 1), jnp.float32),
        ],
    )(p2p, g2p, disp, b2p, batch2, batch2, Wl, bl.reshape(1, 1))

    return out.reshape(-1)

# --- scband reference (transcript-rebuilt; emitter-appended) ---
"""Pipeline reference for scband-gnnmodel-72327249265173 (READ-ONLY COPY).

The authoritative reference and input builder live on the scoring server;
editing this copy changes nothing except your own understanding.
"""

import jax, jax.numpy as jnp
import numpy as np

N_NODES = 10000
N_EDGES = 320000
N_GRAPHS = 64
D_IN = 128
D_HID = 64


def gcn_conv(x, edge_index, W, b):
    n = x.shape[0]
    loop = jnp.arange(n, dtype=edge_index.dtype)
    src = jnp.concatenate([edge_index[0], loop])
    dst = jnp.concatenate([edge_index[1], loop])
    deg = jnp.zeros((n,), dtype=x.dtype).at[dst].add(1.0)
    dis = jnp.where(deg > 0, jax.lax.rsqrt(jnp.maximum(deg, 1e-12)), 0.0)
    norm = dis[src] * dis[dst]
    h = x @ W
    msg = h[src] * norm[:, None]
    out = jnp.zeros((n, W.shape[1]), dtype=x.dtype).at[dst].add(msg)
    return out + b


def setup_inputs(seed: int = 0) -> dict:
    key = jax.random.key(seed)
    ks = jax.random.split(key, 9)
    x = jax.random.normal(ks[0], (N_NODES, D_IN), dtype=jnp.float32)
    edge_index = jax.random.randint(ks[1], (2, N_EDGES), 0, N_NODES, dtype=jnp.int32)
    batch = jnp.sort(jax.random.randint(ks[2], (N_NODES,), 0, N_GRAPHS, dtype=jnp.int32))
    W1 = jax.random.normal(ks[3], (D_IN, D_HID), dtype=jnp.float32) * (1.0 / np.sqrt(D_IN))
    b1 = jnp.zeros((D_HID,), dtype=jnp.float32)
    W2 = jax.random.normal(ks[4], (D_HID, D_HID), dtype=jnp.float32) * (1.0 / np.sqrt(D_HID))
    b2 = jnp.zeros((D_HID,), dtype=jnp.float32)
    Wl = jax.random.normal(ks[5], (D_HID, 1), dtype=jnp.float32) * (1.0 / np.sqrt(D_HID))
    bl = jnp.zeros((1,), dtype=jnp.float32)
    return {"x": x, "edge_index": edge_index, "batch": batch, "W1": W1, "b1": b1, "W2": W2, "b2": b2, "Wl": Wl, "bl": bl}


def reference(x, edge_index, batch, W1, b1, W2, b2, Wl, bl):
    # conv1 + relu (dropout is identity in eval mode)
    h = jax.nn.relu(gcn_conv(x, edge_index, W1, b1))
    # conv2 + relu
    h = jax.nn.relu(gcn_conv(h, edge_index, W2, b2))
    # global_mean_pool over batch assignment
    sums = jax.ops.segment_sum(h, batch, num_segments=N_GRAPHS)
    counts = jax.ops.segment_sum(jnp.ones((h.shape[0],), dtype=h.dtype), batch, num_segments=N_GRAPHS)
    pooled = sums / jnp.maximum(counts, 1.0)[:, None]
    out = pooled @ Wl + bl
    return out.reshape(-1)

if __name__ == "__main__":
    import jax
    _d = setup_inputs()
    print(jax.jit(kernel)(*tuple(_d.values())))

</pallas_src>

<mosaic_0001>
#map = affine_map<(d0, d1) -> (0, 0)>
#map1 = affine_map<(d0, d1) -> (0, 0, 0)>
module attributes {stable_mosaic.version = 14 : i64} {
  func.func @deg_kernel(%arg0: i32, %arg1: i32, %arg2: memref<5000x128xi32, #tpu.memory_space<hbm>>, %arg3: memref<10000x16xf32, #tpu.memory_space<hbm>>, %arg4: memref<2x10000x16xf32, #tpu.memory_space<hbm>>, %arg5: memref<2500x128xi32, #tpu.memory_space<hbm>>, %arg6: memref<2500x128xi32, #tpu.memory_space<hbm>>, %arg7: memref<79x128xi32, #tpu.memory_space<vmem>>, %arg8: memref<79x128xi32, #tpu.memory_space<vmem>>, %arg9: memref<79x128xi32, #tpu.memory_space<vmem>>, %arg10: memref<128x16xf32, #tpu.memory_space<vmem>>, %arg11: memref<10000x16xf32, #tpu.memory_space<vmem_shared>>, %arg12: memref<!tpu.dma_semaphore, #tpu.memory_space<semaphore_mem>>) attributes {dimension_semantics = [#tpu.dimension_semantics<core_parallel>, #tpu.dimension_semantics<subcore_parallel>], iteration_bounds = array<i64: 2, 16>, scalar_prefetch = 0 : i64, scratch_operands = 6 : i64, tpu.core_type = #tpu.core_type<sc_vector_subcore>, window_params = [{transform_indices = #map}, {transform_indices = #map}, {transform_indices = #map1}, {transform_indices = #map}, {transform_indices = #map}]} {
    %mul3A = arith.constant 16 : i32
    %mul3A_0 = arith.muli %arg0, %mul3A : i32
    %add3A = arith.addi %mul3A_0, %arg1 : i32
    %mul3A_1 = arith.constant 78 : i32
    %mul3A_2 = arith.muli %mul3A_1, %add3A : i32
    %min3A = arith.constant 4 : i32
    %min3A_3 = arith.minsi %add3A, %min3A : i32
    %add3A_4 = arith.addi %mul3A_2, %min3A_3 : i32
    %lt3A = arith.constant 4 : i32
    %lt3A_5 = arith.cmpi slt, %add3A, %lt3A : i32
    %jit3A = arith.constant 1 : i32
    %jit3A_6 = arith.constant 0 : i32
    %select_n3A = arith.select %lt3A_5, %jit3A, %jit3A_6 : i32
    %add3A_7 = arith.constant 78 : i32
    %add3A_8 = arith.addi %add3A_7, %select_n3A : i32
    "tpu.region"() ({
      %run_scoped3A = tpu.sem_alloc : memref<!tpu.dma_semaphore, #tpu.memory_space<semaphore_mem>>
      %dma_start3A = arith.constant 0 : i32
      %dma_start3A_52 = arith.constant 0 : i32
      %dma_start3A_53 = tpu.memref_slice %arg7[%dma_start3A, %dma_start3A_52] : memref<79x128xi32, #tpu.memory_space<vmem>> -> memref<78x128xi32, #tpu.memory_space<vmem>>
      %dma_start3A_54 = arith.constant 0 : i32
      %dma_start3A_55 = tpu.memref_slice %arg2[%add3A_4, %dma_start3A_54] : memref<5000x128xi32, #tpu.memory_space<hbm>> -> memref<78x128xi32, #tpu.memory_space<hbm>>
      %dma_start3A_56 = arith.constant 0 : i32
      %dma_start3A_57 = arith.constant 0 : i32
      %dma_start3A_58 = tpu.memref_slice %arg7[%dma_start3A_56, %dma_start3A_57] : memref<79x128xi32, #tpu.memory_space<vmem>> -> memref<78x128xi32, #tpu.memory_space<vmem>>
      %dma_start3A_59 = arith.constant 0 : i32
      %dma_start3A_60 = tpu.memref_slice %arg2[%add3A_4, %dma_start3A_59] : memref<5000x128xi32, #tpu.memory_space<hbm>> -> memref<78x128xi32, #tpu.memory_space<hbm>>
      tpu.enqueue_dma source(%dma_start3A_60 : memref<78x128xi32, #tpu.memory_space<hbm>>) target(%dma_start3A_58 : memref<78x128xi32, #tpu.memory_space<vmem>>) target_semaphore(%run_scoped3A : memref<!tpu.dma_semaphore, #tpu.memory_space<semaphore_mem>>)
      %dma_wait3A = arith.constant 0 : i32
      %dma_wait3A_61 = arith.constant 0 : i32
      %dma_wait3A_62 = tpu.memref_slice %arg7[%dma_wait3A, %dma_wait3A_61] : memref<79x128xi32, #tpu.memory_space<vmem>> -> memref<78x128xi32, #tpu.memory_space<vmem>>
      %dma_wait3A_63 = arith.constant 0 : i32
      %dma_wait3A_64 = tpu.memref_slice %arg2[%add3A_4, %dma_wait3A_63] : memref<5000x128xi32, #tpu.memory_space<hbm>> -> memref<78x128xi32, #tpu.memory_space<hbm>>
      %dma_wait3A_65 = arith.constant 0 : i32
      %dma_wait3A_66 = arith.constant 0 : i32
      %dma_wait3A_67 = tpu.memref_slice %arg7[%dma_wait3A_65, %dma_wait3A_66] : memref<79x128xi32, #tpu.memory_space<vmem>> -> memref<78x128xi32, #tpu.memory_space<vmem>>
      %dma_wait3A_68 = arith.constant 0 : i32
      %dma_wait3A_69 = tpu.memref_slice %arg2[%add3A_4, %dma_wait3A_68] : memref<5000x128xi32, #tpu.memory_space<hbm>> -> memref<78x128xi32, #tpu.memory_space<hbm>>
      tpu.wait_dma2 semaphore(%run_scoped3A : memref<!tpu.dma_semaphore, #tpu.memory_space<semaphore_mem>>) src(%dma_wait3A_69 : memref<78x128xi32, #tpu.memory_space<hbm>>) dst(%dma_wait3A_67 : memref<78x128xi32, #tpu.memory_space<vmem>>)
      tpu.yield
    }) : () -> ()
    %add3A_9 = arith.constant 2500 : i32
    %add3A_10 = arith.addi %add3A_9, %add3A_4 : i32
    "tpu.region"() ({
      %run_scoped3A = tpu.sem_alloc : memref<!tpu.dma_semaphore, #tpu.memory_space<semaphore_mem>>
      %dma_start3A = arith.constant 0 : i32
      %dma_start3A_52 = arith.constant 0 : i32
      %dma_start3A_53 = tpu.memref_slice %arg8[%dma_start3A, %dma_start3A_52] : memref<79x128xi32, #tpu.memory_space<vmem>> -> memref<78x128xi32, #tpu.memory_space<vmem>>
      %dma_start3A_54 = arith.constant 0 : i32
      %dma_start3A_55 = tpu.memref_slice %arg2[%add3A_10, %dma_start3A_54] : memref<5000x128xi32, #tpu.memory_space<hbm>> -> memref<78x128xi32, #tpu.memory_space<hbm>>
      %dma_start3A_56 = arith.constant 0 : i32
      %dma_start3A_57 = arith.constant 0 : i32
      %dma_start3A_58 = tpu.memref_slice %arg8[%dma_start3A_56, %dma_start3A_57] : memref<79x128xi32, #tpu.memory_space<vmem>> -> memref<78x128xi32, #tpu.memory_space<vmem>>
      %dma_start3A_59 = arith.constant 0 : i32
      %dma_start3A_60 = tpu.memref_slice %arg2[%add3A_10, %dma_start3A_59] : memref<5000x128xi32, #tpu.memory_space<hbm>> -> memref<78x128xi32, #tpu.memory_space<hbm>>
      tpu.enqueue_dma source(%dma_start3A_60 : memref<78x128xi32, #tpu.memory_space<hbm>>) target(%dma_start3A_58 : memref<78x128xi32, #tpu.memory_space<vmem>>) target_semaphore(%run_scoped3A : memref<!tpu.dma_semaphore, #tpu.memory_space<semaphore_mem>>)
      %dma_wait3A = arith.constant 0 : i32
      %dma_wait3A_61 = arith.constant 0 : i32
      %dma_wait3A_62 = tpu.memref_slice %arg8[%dma_wait3A, %dma_wait3A_61] : memref<79x128xi32, #tpu.memory_space<vmem>> -> memref<78x128xi32, #tpu.memory_space<vmem>>
      %dma_wait3A_63 = arith.constant 0 : i32
      %dma_wait3A_64 = tpu.memref_slice %arg2[%add3A_10, %dma_wait3A_63] : memref<5000x128xi32, #tpu.memory_space<hbm>> -> memref<78x128xi32, #tpu.memory_space<hbm>>
      %dma_wait3A_65 = arith.constant 0 : i32
      %dma_wait3A_66 = arith.constant 0 : i32
      %dma_wait3A_67 = tpu.memref_slice %arg8[%dma_wait3A_65, %dma_wait3A_66] : memref<79x128xi32, #tpu.memory_space<vmem>> -> memref<78x128xi32, #tpu.memory_space<vmem>>
      %dma_wait3A_68 = arith.constant 0 : i32
      %dma_wait3A_69 = tpu.memref_slice %arg2[%add3A_10, %dma_wait3A_68] : memref<5000x128xi32, #tpu.memory_space<hbm>> -> memref<78x128xi32, #tpu.memory_space<hbm>>
      tpu.wait_dma2 semaphore(%run_scoped3A : memref<!tpu.dma_semaphore, #tpu.memory_space<semaphore_mem>>) src(%dma_wait3A_69 : memref<78x128xi32, #tpu.memory_space<hbm>>) dst(%dma_wait3A_67 : memref<78x128xi32, #tpu.memory_space<vmem>>)
      tpu.yield
    }) : () -> ()
    %eq3A = arith.constant 79 : i32
    %eq3A_11 = arith.cmpi eq, %add3A_8, %eq3A : i32
    %convert_element_type3A = arith.extui %eq3A_11 : i1 to i32
    %cond3A = arith.constant 0 : i32
    %cond3A_12 = arith.cmpi ne, %convert_element_type3A, %cond3A : i32
    scf.if %cond3A_12 {
      %add3A_52 = arith.constant 79 : i32
      %add3A_53 = arith.addi %add3A_4, %add3A_52 : i32
      %sub3A = arith.constant 1 : i32
      %sub3A_54 = arith.subi %add3A_53, %sub3A : i32
      "tpu.region"() ({
        %run_scoped3A = tpu.sem_alloc : memref<!tpu.dma_semaphore, #tpu.memory_space<semaphore_mem>>
        %dma_start3A = arith.constant 78 : i32
        %dma_start3A_61 = arith.constant 0 : i32
        %dma_start3A_62 = tpu.memref_slice %arg7[%dma_start3A, %dma_start3A_61] : memref<79x128xi32, #tpu.memory_space<vmem>> -> memref<1x128xi32, #tpu.memory_space<vmem>>
        %dma_start3A_63 = arith.constant 0 : i32
        %dma_start3A_64 = tpu.memref_slice %arg2[%sub3A_54, %dma_start3A_63] : memref<5000x128xi32, #tpu.memory_space<hbm>> -> memref<1x128xi32, #tpu.memory_space<hbm>>
        %dma_start3A_65 = arith.constant 78 : i32
        %dma_start3A_66 = arith.constant 0 : i32
        %dma_start3A_67 = tpu.memref_slice %arg7[%dma_start3A_65, %dma_start3A_66] : memref<79x128xi32, #tpu.memory_space<vmem>> -> memref<1x128xi32, #tpu.memory_space<vmem>>
        %dma_start3A_68 = arith.constant 0 : i32
        %dma_start3A_69 = tpu.memref_slice %arg2[%sub3A_54, %dma_start3A_68] : memref<5000x128xi32, #tpu.memory_space<hbm>> -> memref<1x128xi32, #tpu.memory_space<hbm>>
        tpu.enqueue_dma source(%dma_start3A_69 : memref<1x128xi32, #tpu.memory_space<hbm>>) target(%dma_start3A_67 : memref<1x128xi32, #tpu.memory_space<vmem>>) target_semaphore(%run_scoped3A : memref<!tpu.dma_semaphore, #tpu.memory_space<semaphore_mem>>)
        %dma_wait3A = arith.constant 78 : i32
        %dma_wait3A_70 = arith.constant 0 : i32
        %dma_wait3A_71 = tpu.memref_slice %arg7[%dma_wait3A, %dma_wait3A_70] : memref<79x128xi32, #tpu.memory_space<vmem>> -> memref<1x128xi32, #tpu.memory_space<vmem>>
        %dma_wait3A_72 = arith.constant 0 : i32
        %dma_wait3A_73 = tpu.memref_slice %arg2[%sub3A_54, %dma_wait3A_72] : memref<5000x128xi32, #tpu.memory_space<hbm>> -> memref<1x128xi32, #tpu.memory_space<hbm>>
        %dma_wait3A_74 = arith.constant 78 : i32
        %dma_wait3A_75 = arith.constant 0 : i32
        %dma_wait3A_76 = tpu.memref_slice %arg7[%dma_wait3A_74, %dma_wait3A_75] : memref<79x128xi32, #tpu.memory_space<vmem>> -> memref<1x128xi32, #tpu.memory_space<vmem>>
        %dma_wait3A_77 = arith.constant 0 : i32
        %dma_wait3A_78 = tpu.memref_slice %arg2[%sub3A_54, %dma_wait3A_77] : memref<5000x128xi32, #tpu.memory_space<hbm>> -> memref<1x128xi32, #tpu.memory_space<hbm>>
        tpu.wait_dma2 semaphore(%run_scoped3A : memref<!tpu.dma_semaphore, #tpu.memory_space<semaphore_mem>>) src(%dma_wait3A_78 : memref<1x128xi32, #tpu.memory_space<hbm>>) dst(%dma_wait3A_76 : memref<1x128xi32, #tpu.memory_space<vmem>>)
        tpu.yield
      }) : () -> ()
      %add3A_55 = arith.constant 2500 : i32
      %add3A_56 = arith.addi %add3A_55, %add3A_4 : i32
      %add3A_57 = arith.constant 79 : i32
      %add3A_58 = arith.addi %add3A_56, %add3A_57 : i32
      %sub3A_59 = arith.constant 1 : i32
      %sub3A_60 = arith.subi %add3A_58, %sub3A_59 : i32
      "tpu.region"() ({
        %run_scoped3A = tpu.sem_alloc : memref<!tpu.dma_semaphore, #tpu.memory_space<semaphore_mem>>
        %dma_start3A = arith.constant 78 : i32
        %dma_start3A_61 = arith.constant 0 : i32
        %dma_start3A_62 = tpu.memref_slice %arg8[%dma_start3A, %dma_start3A_61] : memref<79x128xi32, #tpu.memory_space<vmem>> -> memref<1x128xi32, #tpu.memory_space<vmem>>
        %dma_start3A_63 = arith.constant 0 : i32
        %dma_start3A_64 = tpu.memref_slice %arg2[%sub3A_60, %dma_start3A_63] : memref<5000x128xi32, #tpu.memory_space<hbm>> -> memref<1x128xi32, #tpu.memory_space<hbm>>
        %dma_start3A_65 = arith.constant 78 : i32
        %dma_start3A_66 = arith.constant 0 : i32
        %dma_start3A_67 = tpu.memref_slice %arg8[%dma_start3A_65, %dma_start3A_66] : memref<79x128xi32, #tpu.memory_space<vmem>> -> memref<1x128xi32, #tpu.memory_space<vmem>>
        %dma_start3A_68 = arith.constant 0 : i32
        %dma_start3A_69 = tpu.memref_slice %arg2[%sub3A_60, %dma_start3A_68] : memref<5000x128xi32, #tpu.memory_space<hbm>> -> memref<1x128xi32, #tpu.memory_space<hbm>>
        tpu.enqueue_dma source(%dma_start3A_69 : memref<1x128xi32, #tpu.memory_space<hbm>>) target(%dma_start3A_67 : memref<1x128xi32, #tpu.memory_space<vmem>>) target_semaphore(%run_scoped3A : memref<!tpu.dma_semaphore, #tpu.memory_space<semaphore_mem>>)
        %dma_wait3A = arith.constant 78 : i32
        %dma_wait3A_70 = arith.constant 0 : i32
        %dma_wait3A_71 = tpu.memref_slice %arg8[%dma_wait3A, %dma_wait3A_70] : memref<79x128xi32, #tpu.memory_space<vmem>> -> memref<1x128xi32, #tpu.memory_space<vmem>>
        %dma_wait3A_72 = arith.constant 0 : i32
        %dma_wait3A_73 = tpu.memref_slice %arg2[%sub3A_60, %dma_wait3A_72] : memref<5000x128xi32, #tpu.memory_space<hbm>> -> memref<1x128xi32, #tpu.memory_space<hbm>>
        %dma_wait3A_74 = arith.constant 78 : i32
        %dma_wait3A_75 = arith.constant 0 : i32
        %dma_wait3A_76 = tpu.memref_slice %arg8[%dma_wait3A_74, %dma_wait3A_75] : memref<79x128xi32, #tpu.memory_space<vmem>> -> memref<1x128xi32, #tpu.memory_space<vmem>>
        %dma_wait3A_77 = arith.constant 0 : i32
        %dma_wait3A_78 = tpu.memref_slice %arg2[%sub3A_60, %dma_wait3A_77] : memref<5000x128xi32, #tpu.memory_space<hbm>> -> memref<1x128xi32, #tpu.memory_space<hbm>>
        tpu.wait_dma2 semaphore(%run_scoped3A : memref<!tpu.dma_semaphore, #tpu.memory_space<semaphore_mem>>) src(%dma_wait3A_78 : memref<1x128xi32, #tpu.memory_space<hbm>>) dst(%dma_wait3A_76 : memref<1x128xi32, #tpu.memory_space<vmem>>)
        tpu.yield
      }) : () -> ()
    } else {
    }
    %broadcast_in_dim3A = arith.constant 1.000000e+00 : f32
    %broadcast_in_dim3A_13 = vector.broadcast %broadcast_in_dim3A : f32 to vector<16xf32>
    %scan3A = arith.constant 0 : i32
    %scan3A_14 = arith.constant 0 : i32
    %scan3A_15 = arith.constant 128 : i32
    %scan3A_16 = arith.addi %scan3A_14, %scan3A_15 : i32
    %scan3A_17 = arith.constant 1 : i32
    %scan3A_18 = scf.for %scan3A_52 = %scan3A_14 to %scan3A_16 step %scan3A_17 iter_args(%scan3A_53 = %scan3A) -> (i32)  : i32 {
      %swap3A = arith.index_cast %scan3A_52 : i32 to index
      %swap3A_54 = arith.constant 0 : index
      %swap3A_55 = tpu.vector_load %arg10[%swap3A, %swap3A_54] {strides = array<i32>} : memref<128x16xf32, #tpu.memory_space<vmem>>, vector<1x16xf32>,
      %swap3A_56 = vector.shape_cast %swap3A_55 : vector<1x16xf32> to vector<16xf32>
      %swap3A_57 = vector.shape_cast %broadcast_in_dim3A_13 : vector<16xf32> to vector<1x16xf32>
      tpu.vector_store %arg10[%swap3A, %swap3A_54], %swap3A_57 {strides = array<i32>} : memref<128x16xf32, #tpu.memory_space<vmem>>, vector<1x16xf32>,
      %scan3A_58 = arith.constant 0 : i32
      scf.yield %scan3A_58 : i32
    }
    %scan3A_19 = arith.constant 128 : i32
    %mul3A_20 = arith.constant 625 : i32
    %mul3A_21 = arith.muli %arg1, %mul3A_20 : i32
    %mul3A_22 = arith.constant 625 : i32
    %mul3A_23 = arith.muli %arg1, %mul3A_22 : i32
    "tpu.region"() ({
      %run_scoped3A = tpu.sem_alloc : memref<!tpu.dma_semaphore, #tpu.memory_space<semaphore_mem>>
      %dma_start3A = arith.constant 0 : i32
      %dma_start3A_52 = tpu.memref_slice %arg11[%mul3A_23, %dma_start3A] : memref<10000x16xf32, #tpu.memory_space<vmem_shared>> -> memref<625x16xf32, #tpu.memory_space<vmem_shared>>
      %dma_start3A_53 = arith.constant 0 : i32
      %dma_start3A_54 = tpu.memref_slice %arg3[%mul3A_21, %dma_start3A_53] : memref<10000x16xf32, #tpu.memory_space<hbm>> -> memref<625x16xf32, #tpu.memory_space<hbm>>
      tpu.enqueue_dma source(%dma_start3A_54 : memref<625x16xf32, #tpu.memory_space<hbm>>) target(%dma_start3A_52 : memref<625x16xf32, #tpu.memory_space<vmem_shared>>) target_semaphore(%run_scoped3A : memref<!tpu.dma_semaphore, #tpu.memory_space<semaphore_mem>>)
      %dma_wait3A = arith.constant 0 : i32
      %dma_wait3A_55 = tpu.memref_slice %arg11[%mul3A_23, %dma_wait3A] : memref<10000x16xf32, #tpu.memory_space<vmem_shared>> -> memref<625x16xf32, #tpu.memory_space<vmem_shared>>
      %dma_wait3A_56 = arith.constant 0 : i32
      %dma_wait3A_57 = tpu.memref_slice %arg3[%mul3A_21, %dma_wait3A_56] : memref<10000x16xf32, #tpu.memory_space<hbm>> -> memref<625x16xf32, #tpu.memory_space<hbm>>
      tpu.wait_dma2 semaphore(%run_scoped3A : memref<!tpu.dma_semaphore, #tpu.memory_space<semaphore_mem>>) src(%dma_wait3A_57 : memref<625x16xf32, #tpu.memory_space<hbm>>) dst(%dma_wait3A_55 : memref<625x16xf32, #tpu.memory_space<vmem_shared>>)
      tpu.yield
    }) : () -> ()
    %barrier3A = arith.constant 0 : index
    tpu.barrier barrier_id(%barrier3A)
    %while3A = arith.constant 0 : i32
    %while3A_24 = arith.constant 0 : i32
    %while3A_25 = arith.subi %add3A_8, %while3A : i32
    %while3A_26 = arith.addi %while3A, %while3A_25 : i32
    %while3A_27 = arith.constant 1 : i32
    %while3A_28 = arith.divsi %while3A_25, %while3A_27 : i32
    %while3A_29 = arith.muli %while3A_28, %while3A_27 : i32
    %while3A_30 = arith.addi %while3A, %while3A_29 : i32
    %while3A_31 = arith.constant 1 : i32
    %while3A_32 = scf.for %while3A_52 = %while3A to %while3A_30 step %while3A_31 iter_args(%while3A_53 = %while3A_24) -> (i32)  : i32 {
      %ge3A = arith.constant 4 : i32
      %ge3A_54 = arith.cmpi sge, %while3A_52, %ge3A : i32
      %convert_element_type3A_55 = arith.extui %ge3A_54 : i1 to i32
      %cond3A_56 = arith.constant 0 : i32
      %cond3A_57 = arith.cmpi ne, %convert_element_type3A_55, %cond3A_56 : i32
      scf.if %cond3A_57 {
        %sub3A_333 = arith.constant 4 : i32
        %sub3A_334 = arith.subi %while3A_52, %sub3A_333 : i32
        %dma_wait3A = arith.constant 0 : i32
        %dma_wait3A_335 = tpu.memref_slice %arg8[%sub3A_334, %dma_wait3A] : memref<79x128xi32, #tpu.memory_space<vmem>> -> memref<1x128xi32, #tpu.memory_space<vmem>>
        %dma_wait3A_336 = tpu.memref_squeeze %dma_wait3A_335 : memref<1x128xi32, #tpu.memory_space<vmem>> -> memref<128xi32, #tpu.memory_space<vmem>>
        %dma_wait3A_337 = arith.constant 0 : i32
        %dma_wait3A_338 = arith.constant 0 : i32
        %dma_wait3A_339 = tpu.memref_slice %arg11[%dma_wait3A_337, %dma_wait3A_338] : memref<10000x16xf32, #tpu.memory_space<vmem_shared>> -> memref<10000x16xf32, #tpu.memory_space<vmem_shared>>
        tpu.wait_indirect_dma semaphore(%arg12 : memref<!tpu.dma_semaphore, #tpu.memory_space<semaphore_mem>>) src(%arg10 : memref<128x16xf32, #tpu.memory_space<vmem>>) dst(%dma_wait3A_339 : memref<10000x16xf32, #tpu.memory_space<vmem_shared>>)
      } else {
      }
      %dma_start3A = arith.constant 0 : i32
      %dma_start3A_58 = tpu.memref_slice %arg8[%while3A_52, %dma_start3A] : memref<79x128xi32, #tpu.memory_space<vmem>> -> memref<1x128xi32, #tpu.memory_space<vmem>>
      %dma_start3A_59 = tpu.memref_squeeze %dma_start3A_58 : memref<1x128xi32, #tpu.memory_space<vmem>> -> memref<128xi32, #tpu.memory_space<vmem>>
      %dma_start3A_60 = arith.constant 0 : i32
      %dma_start3A_61 = arith.constant 0 : i32
      %dma_start3A_62 = tpu.memref_slice %arg11[%dma_start3A_60, %dma_start3A_61] : memref<10000x16xf32, #tpu.memory_space<vmem_shared>> -> memref<10000x16xf32, #tpu.memory_space<vmem_shared>>
      tpu.enqueue_indirect_dma source(%arg10 : memref<128x16xf32, #tpu.memory_space<vmem>>) target(%dma_start3A_62 : memref<10000x16xf32, #tpu.memory_space<vmem_shared>>) offsets(%dma_start3A_59 : memref<128xi32, #tpu.memory_space<vmem>>) semaphore(%arg12 : memref<!tpu.dma_semaphore, #tpu.memory_space<semaphore_mem>>) {add = true}
      %get3A = arith.index_cast %while3A_52 : i32 to index
      %get3A_63 = arith.constant 0 : index
      %get3A_64 = tpu.vector_load %arg7[%get3A, %get3A_63] {strides = array<i32>} : memref<79x128xi32, #tpu.memory_space<vmem>>, vector<1x16xi32>,
      %get3A_65 = vector.shape_cast %get3A_64 : vector<1x16xi32> to vector<16xi32>
      %add3A_66 = arith.addi %get3A_65, %get3A_65 : vector<16xi32>
      %ge3A_67 = arith.constant 5000 : i32
      %ge3A_68 = vector.broadcast %ge3A_67 : i32 to vector<16xi32>
      %ge3A_69 = arith.cmpi sge, %get3A_65, %ge3A_68 : vector<16xi32>
      %sub3A = arith.constant 9999 : i32
      %sub3A_70 = vector.broadcast %sub3A : i32 to vector<16xi32>
      %sub3A_71 = arith.subi %add3A_66, %sub3A_70 : vector<16xi32>
      %select_n3A_72 = arith.select %ge3A_69, %sub3A_71, %add3A_66 : vector<16xi1>, vector<16xi32>
      %swap3A = arith.index_cast %while3A_52 : i32 to index
      %swap3A_73 = arith.constant 0 : index
      %swap3A_74 = tpu.vector_load %arg7[%swap3A, %swap3A_73] {strides = array<i32>} : memref<79x128xi32, #tpu.memory_space<vmem>>, vector<1x16xi32>,
      %swap3A_75 = vector.shape_cast %swap3A_74 : vector<1x16xi32> to vector<16xi32>
      %swap3A_76 = vector.shape_cast %select_n3A_72 : vector<16xi32> to vector<1x16xi32>
      tpu.vector_store %arg7[%swap3A, %swap3A_73], %swap3A_76 {strides = array<i32>} : memref<79x128xi32, #tpu.memory_space<vmem>>, vector<1x16xi32>,
      %get3A_77 = arith.index_cast %while3A_52 : i32 to index
      %get3A_78 = arith.constant 0 : index
      %get3A_79 = tpu.vector_load %arg8[%get3A_77, %get3A_78] {strides = array<i32>} : memref<79x128xi32, #tpu.memory_space<vmem>>, vector<1x16xi32>,
      %get3A_80 = vector.shape_cast %get3A_79 : vector<1x16xi32> to vector<16xi32>
      %add3A_81 = arith.addi %get3A_80, %get3A_80 : vector<16xi32>
      %ge3A_82 = arith.constant 5000 : i32
      %ge3A_83 = vector.broadcast %ge3A_82 : i32 to vector<16xi32>
      %ge3A_84 = arith.cmpi sge, %get3A_80, %ge3A_83 : vector<16xi32>
      %sub3A_85 = arith.constant 9999 : i32
      %sub3A_86 = vector.broadcast %sub3A_85 : i32 to vector<16xi32>
      %sub3A_87 = arith.subi %add3A_81, %sub3A_86 : vector<16xi32>
      %select_n3A_88 = arith.select %ge3A_84, %sub3A_87, %add3A_81 : vector<16xi1>, vector<16xi32>
      %swap3A_89 = arith.index_cast %while3A_52 : i32 to index
      %swap3A_90 = arith.constant 0 : index
      %swap3A_91 = tpu.vector_load %arg9[%swap3A_89, %swap3A_90] {strides = array<i32>} : memref<79x128xi32, #tpu.memory_space<vmem>>, vector<1x16xi32>,
      %swap3A_92 = vector.shape_cast %swap3A_91 : vector<1x16xi32> to vector<16xi32>
      %swap3A_93 = vector.shape_cast %select_n3A_88 : vector<16xi32> to vector<1x16xi32>
      tpu.vector_store %arg9[%swap3A_89, %swap3A_90], %swap3A_93 {strides = array<i32>} : memref<79x128xi32, #tpu.memory_space<vmem>>, vector<1x16xi32>,
      %get3A_94 = arith.index_cast %while3A_52 : i32 to index
      %get3A_95 = arith.constant 16 : index
      %get3A_96 = tpu.vector_load %arg7[%get3A_94, %get3A_95] {strides = array<i32>} : memref<79x128xi32, #tpu.memory_space<vmem>>, vector<1x16xi32>,
      %get3A_97 = vector.shape_cast %get3A_96 : vector<1x16xi32> to vector<16xi32>
      %add3A_98 = arith.addi %get3A_97, %get3A_97 : vector<16xi32>
      %ge3A_99 = arith.constant 5000 : i32
      %ge3A_100 = vector.broadcast %ge3A_99 : i32 to vector<16xi32>
      %ge3A_101 = arith.cmpi sge, %get3A_97, %ge3A_100 : vector<16xi32>
      %sub3A_102 = arith.constant 9999 : i32
      %sub3A_103 = vector.broadcast %sub3A_102 : i32 to vector<16xi32>
      %sub3A_104 = arith.subi %add3A_98, %sub3A_103 : vector<16xi32>
      %select_n3A_105 = arith.select %ge3A_101, %sub3A_104, %add3A_98 : vector<16xi1>, vector<16xi32>
      %swap3A_106 = arith.index_cast %while3A_52 : i32 to index
      %swap3A_107 = arith.constant 16 : index
      %swap3A_108 = tpu.vector_load %arg7[%swap3A_106, %swap3A_107] {strides = array<i32>} : memref<79x128xi32, #tpu.memory_space<vmem>>, vector<1x16xi32>,
      %swap3A_109 = vector.shape_cast %swap3A_108 : vector<1x16xi32> to vector<16xi32>
      %swap3A_110 = vector.shape_cast %select_n3A_105 : vector<16xi32> to vector<1x16xi32>
      tpu.vector_store %arg7[%swap3A_106, %swap3A_107], %swap3A_110 {strides = array<i32>} : memref<79x128xi32, #tpu.memory_space<vmem>>, vector<1x16xi32>,
      %get3A_111 = arith.index_cast %while3A_52 : i32 to index
      %get3A_112 = arith.constant 16 : index
      %get3A_113 = tpu.vector_load %arg8[%get3A_111, %get3A_112] {strides = array<i32>} : memref<79x128xi32, #tpu.memory_space<vmem>>, vector<1x16xi32>,
      %get3A_114 = vector.shape_cast %get3A_113 : vector<1x16xi32> to vector<16xi32>
      %add3A_115 = arith.addi %get3A_114, %get3A_114 : vector<16xi32>
      %ge3A_116 = arith.constant 5000 : i32
      %ge3A_117 = vector.broadcast %ge3A_116 : i32 to vector<16xi32>
      %ge3A_118 = arith.cmpi sge, %get3A_114, %ge3A_117 : vector<16xi32>
      %sub3A_119 = arith.constant 9999 : i32
      %sub3A_120 = vector.broadcast %sub3A_119 : i32 to vector<16xi32>
      %sub3A_121 = arith.subi %add3A_115, %sub3A_120 : vector<16xi32>
      %select_n3A_122 = arith.select %ge3A_118, %sub3A_121, %add3A_115 : vector<16xi1>, vector<16xi32>
      %swap3A_123 = arith.index_cast %while3A_52 : i32 to index
      %swap3A_124 = arith.constant 16 : index
      %swap3A_125 = tpu.vector_load %arg9[%swap3A_123, %swap3A_124] {strides = array<i32>} : memref<79x128xi32, #tpu.memory_space<vmem>>, vector<1x16xi32>,
      %swap3A_126 = vector.shape_cast %swap3A_125 : vector<1x16xi32> to vector<16xi32>
      %swap3A_127 = vector.shape_cast %select_n3A_122 : vector<16xi32> to vector<1x16xi32>
      tpu.vector_store %arg9[%swap3A_123, %swap3A_124], %swap3A_127 {strides = array<i32>} : memref<79x128xi32, #tpu.memory_space<vmem>>, vector<1x16xi32>,
      %get3A_128 = arith.index_cast %while3A_52 : i32 to index
      %get3A_129 = arith.constant 32 : index
      %get3A_130 = tpu.vector_load %arg7[%get3A_128, %get3A_129] {strides = array<i32>} : memref<79x128xi32, #tpu.memory_space<vmem>>, vector<1x16xi32>,
      %get3A_131 = vector.shape_cast %get3A_130 : vector<1x16xi32> to vector<16xi32>
      %add3A_132 = arith.addi %get3A_131, %get3A_131 : vector<16xi32>
      %ge3A_133 = arith.constant 5000 : i32
      %ge3A_134 = vector.broadcast %ge3A_133 : i32 to vector<16xi32>
      %ge3A_135 = arith.cmpi sge, %get3A_131, %ge3A_134 : vector<16xi32>
      %sub3A_136 = arith.constant 9999 : i32
      %sub3A_137 = vector.broadcast %sub3A_136 : i32 to vector<16xi32>
      %sub3A_138 = arith.subi %add3A_132, %sub3A_137 : vector<16xi32>
      %select_n3A_139 = arith.select %ge3A_135, %sub3A_138, %add3A_132 : vector<16xi1>, vector<16xi32>
      %swap3A_140 = arith.index_cast %while3A_52 : i32 to index
      %swap3A_141 = arith.constant 32 : index
      %swap3A_142 = tpu.vector_load %arg7[%swap3A_140, %swap3A_141] {strides = array<i32>} : memref<79x128xi32, #tpu.memory_space<vmem>>, vector<1x16xi32>,
      %swap3A_143 = vector.shape_cast %swap3A_142 : vector<1x16xi32> to vector<16xi32>
      %swap3A_144 = vector.shape_cast %select_n3A_139 : vector<16xi32> to vector<1x16xi32>
      tpu.vector_store %arg7[%swap3A_140, %swap3A_141], %swap3A_144 {strides = array<i32>} : memref<79x128xi32, #tpu.memory_space<vmem>>, vector<1x16xi32>,
      %get3A_145 = arith.index_cast %while3A_52 : i32 to index
      %get3A_146 = arith.constant 32 : index
      %get3A_147 = tpu.vector_load %arg8[%get3A_145, %get3A_146] {strides = array<i32>} : memref<79x128xi32, #tpu.memory_space<vmem>>, vector<1x16xi32>,
      %get3A_148 = vector.shape_cast %get3A_147 : vector<1x16xi32> to vector<16xi32>
      %add3A_149 = arith.addi %get3A_148, %get3A_148 : vector<16xi32>
      %ge3A_150 = arith.constant 5000 : i32
      %ge3A_151 = vector.broadcast %ge3A_150 : i32 to vector<16xi32>
      %ge3A_152 = arith.cmpi sge, %get3A_148, %ge3A_151 : vector<16xi32>
      %sub3A_153 = arith.constant 9999 : i32
      %sub3A_154 = vector.broadcast %sub3A_153 : i32 to vector<16xi32>
      %sub3A_155 = arith.subi %add3A_149, %sub3A_154 : vector<16xi32>
      %select_n3A_156 = arith.select %ge3A_152, %sub3A_155, %add3A_149 : vector<16xi1>, vector<16xi32>
      %swap3A_157 = arith.index_cast %while3A_52 : i32 to index
      %swap3A_158 = arith.constant 32 : index
      %swap3A_159 = tpu.vector_load %arg9[%swap3A_157, %swap3A_158] {strides = array<i32>} : memref<79x128xi32, #tpu.memory_space<vmem>>, vector<1x16xi32>,
      %swap3A_160 = vector.shape_cast %swap3A_159 : vector<1x16xi32> to vector<16xi32>
      %swap3A_161 = vector.shape_cast %select_n3A_156 : vector<16xi32> to vector<1x16xi32>
      tpu.vector_store %arg9[%swap3A_157, %swap3A_158], %swap3A_161 {strides = array<i32>} : memref<79x128xi32, #tpu.memory_space<vmem>>, vector<1x16xi32>,
      %get3A_162 = arith.index_cast %while3A_52 : i32 to index
      %get3A_163 = arith.constant 48 : index
      %get3A_164 = tpu.vector_load %arg7[%get3A_162, %get3A_163] {strides = array<i32>} : memref<79x128xi32, #tpu.memory_space<vmem>>, vector<1x16xi32>,
      %get3A_165 = vector.shape_cast %get3A_164 : vector<1x16xi32> to vector<16xi32>
      %add3A_166 = arith.addi %get3A_165, %get3A_165 : vector<16xi32>
      %ge3A_167 = arith.constant 5000 : i32
      %ge3A_168 = vector.broadcast %ge3A_167 : i32 to vector<16xi32>
      %ge3A_169 = arith.cmpi sge, %get3A_165, %ge3A_168 : vector<16xi32>
      %sub3A_170 = arith.constant 9999 : i32
      %sub3A_171 = vector.broadcast %sub3A_170 : i32 to vector<16xi32>
      %sub3A_172 = arith.subi %add3A_166, %sub3A_171 : vector<16xi32>
      %select_n3A_173 = arith.select %ge3A_169, %sub3A_172, %add3A_166 : vector<16xi1>, vector<16xi32>
      %swap3A_174 = arith.index_cast %while3A_52 : i32 to index
      %swap3A_175 = arith.constant 48 : index
      %swap3A_176 = tpu.vector_load %arg7[%swap3A_174, %swap3A_175] {strides = array<i32>} : memref<79x128xi32, #tpu.memory_space<vmem>>, vector<1x16xi32>,
      %swap3A_177 = vector.shape_cast %swap3A_176 : vector<1x16xi32> to vector<16xi32>
      %swap3A_178 = vector.shape_cast %select_n3A_173 : vector<16xi32> to vector<1x16xi32>
      tpu.vector_store %arg7[%swap3A_174, %swap3A_175], %swap3A_178 {strides = array<i32>} : memref<79x128xi32, #tpu.memory_space<vmem>>, vector<1x16xi32>,
      %get3A_179 = arith.index_cast %while3A_52 : i32 to index
      %get3A_180 = arith.constant 48 : index
      %get3A_181 = tpu.vector_load %arg8[%get3A_179, %get3A_180] {strides = array<i32>} : memref<79x128xi32, #tpu.memory_space<vmem>>, vector<1x16xi32>,
      %get3A_182 = vector.shape_cast %get3A_181 : vector<1x16xi32> to vector<16xi32>
      %add3A_183 = arith.addi %get3A_182, %get3A_182 : vector<16xi32>
      %ge3A_184 = arith.constant 5000 : i32
      %ge3A_185 = vector.broadcast %ge3A_184 : i32 to vector<16xi32>
      %ge3A_186 = arith.cmpi sge, %get3A_182, %ge3A_185 : vector<16xi32>
      %sub3A_187 = arith.constant 9999 : i32
      %sub3A_188 = vector.broadcast %sub3A_187 : i32 to vector<16xi32>
      %sub3A_189 = arith.subi %add3A_183, %sub3A_188 : vector<16xi32>
      %select_n3A_190 = arith.select %ge3A_186, %sub3A_189, %add3A_183 : vector<16xi1>, vector<16xi32>
      %swap3A_191 = arith.index_cast %while3A_52 : i32 to index
      %swap3A_192 = arith.constant 48 : index
      %swap3A_193 = tpu.vector_load %arg9[%swap3A_191, %swap3A_192] {strides = array<i32>} : memref<79x128xi32, #tpu.memory_space<vmem>>, vector<1x16xi32>,
      %swap3A_194 = vector.shape_cast %swap3A_193 : vector<1x16xi32> to vector<16xi32>
      %swap3A_195 = vector.shape_cast %select_n3A_190 : vector<16xi32> to vector<1x16xi32>
      tpu.vector_store %arg9[%swap3A_191, %swap3A_192], %swap3A_195 {strides = array<i32>} : memref<79x128xi32, #tpu.memory_space<vmem>>, vector<1x16xi32>,
      %get3A_196 = arith.index_cast %while3A_52 : i32 to index
      %get3A_197 = arith.constant 64 : index
      %get3A_198 = tpu.vector_load %arg7[%get3A_196, %get3A_197] {strides = array<i32>} : memref<79x128xi32, #tpu.memory_space<vmem>>, vector<1x16xi32>,
      %get3A_199 = vector.shape_cast %get3A_198 : vector<1x16xi32> to vector<16xi32>
      %add3A_200 = arith.addi %get3A_199, %get3A_199 : vector<16xi32>
      %ge3A_201 = arith.constant 5000 : i32
      %ge3A_202 = vector.broadcast %ge3A_201 : i32 to vector<16xi32>
      %ge3A_203 = arith.cmpi sge, %get3A_199, %ge3A_202 : vector<16xi32>
      %sub3A_204 = arith.constant 9999 : i32
      %sub3A_205 = vector.broadcast %sub3A_204 : i32 to vector<16xi32>
      %sub3A_206 = arith.subi %add3A_200, %sub3A_205 : vector<16xi32>
      %select_n3A_207 = arith.select %ge3A_203, %sub3A_206, %add3A_200 : vector<16xi1>, vector<16xi32>
      %swap3A_208 = arith.index_cast %while3A_52 : i32 to index
      %swap3A_209 = arith.constant 64 : index
      %swap3A_210 = tpu.vector_load %arg7[%swap3A_208, %swap3A_209] {strides = array<i32>} : memref<79x128xi32, #tpu.memory_space<vmem>>, vector<1x16xi32>,
      %swap3A_211 = vector.shape_cast %swap3A_210 : vector<1x16xi32> to vector<16xi32>
      %swap3A_212 = vector.shape_cast %select_n3A_207 : vector<16xi32> to vector<1x16xi32>
      tpu.vector_store %arg7[%swap3A_208, %swap3A_209], %swap3A_212 {strides = array<i32>} : memref<79x128xi32, #tpu.memory_space<vmem>>, vector<1x16xi32>,
      %get3A_213 = arith.index_cast %while3A_52 : i32 to index
      %get3A_214 = arith.constant 64 : index
      %get3A_215 = tpu.vector_load %arg8[%get3A_213, %get3A_214] {strides = array<i32>} : memref<79x128xi32, #tpu.memory_space<vmem>>, vector<1x16xi32>,
      %get3A_216 = vector.shape_cast %get3A_215 : vector<1x16xi32> to vector<16xi32>
      %add3A_217 = arith.addi %get3A_216, %get3A_216 : vector<16xi32>
      %ge3A_218 = arith.constant 5000 : i32
      %ge3A_219 = vector.broadcast %ge3A_218 : i32 to vector<16xi32>
      %ge3A_220 = arith.cmpi sge, %get3A_216, %ge3A_219 : vector<16xi32>
      %sub3A_221 = arith.constant 9999 : i32
      %sub3A_222 = vector.broadcast %sub3A_221 : i32 to vector<16xi32>
      %sub3A_223 = arith.subi %add3A_217, %sub3A_222 : vector<16xi32>
      %select_n3A_224 = arith.select %ge3A_220, %sub3A_223, %add3A_217 : vector<16xi1>, vector<16xi32>
      %swap3A_225 = arith.index_cast %while3A_52 : i32 to index
      %swap3A_226 = arith.constant 64 : index
      %swap3A_227 = tpu.vector_load %arg9[%swap3A_225, %swap3A_226] {strides = array<i32>} : memref<79x128xi32, #tpu.memory_space<vmem>>, vector<1x16xi32>,
      %swap3A_228 = vector.shape_cast %swap3A_227 : vector<1x16xi32> to vector<16xi32>
      %swap3A_229 = vector.shape_cast %select_n3A_224 : vector<16xi32> to vector<1x16xi32>
      tpu.vector_store %arg9[%swap3A_225, %swap3A_226], %swap3A_229 {strides = array<i32>} : memref<79x128xi32, #tpu.memory_space<vmem>>, vector<1x16xi32>,
      %get3A_230 = arith.index_cast %while3A_52 : i32 to index
      %get3A_231 = arith.constant 80 : index
      %get3A_232 = tpu.vector_load %arg7[%get3A_230, %get3A_231] {strides = array<i32>} : memref<79x128xi32, #tpu.memory_space<vmem>>, vector<1x16xi32>,
      %get3A_233 = vector.shape_cast %get3A_232 : vector<1x16xi32> to vector<16xi32>
      %add3A_234 = arith.addi %get3A_233, %get3A_233 : vector<16xi32>
      %ge3A_235 = arith.constant 5000 : i32
      %ge3A_236 = vector.broadcast %ge3A_235 : i32 to vector<16xi32>
      %ge3A_237 = arith.cmpi sge, %get3A_233, %ge3A_236 : vector<16xi32>
      %sub3A_238 = arith.constant 9999 : i32
      %sub3A_239 = vector.broadcast %sub3A_238 : i32 to vector<16xi32>
      %sub3A_240 = arith.subi %add3A_234, %sub3A_239 : vector<16xi32>
      %select_n3A_241 = arith.select %ge3A_237, %sub3A_240, %add3A_234 : vector<16xi1>, vector<16xi32>
      %swap3A_242 = arith.index_cast %while3A_52 : i32 to index
      %swap3A_243 = arith.constant 80 : index
      %swap3A_244 = tpu.vector_load %arg7[%swap3A_242, %swap3A_243] {strides = array<i32>} : memref<79x128xi32, #tpu.memory_space<vmem>>, vector<1x16xi32>,
      %swap3A_245 = vector.shape_cast %swap3A_244 : vector<1x16xi32> to vector<16xi32>
      %swap3A_246 = vector.shape_cast %select_n3A_241 : vector<16xi32> to vector<1x16xi32>
      tpu.vector_store %arg7[%swap3A_242, %swap3A_243], %swap3A_246 {strides = array<i32>} : memref<79x128xi32, #tpu.memory_space<vmem>>, vector<1x16xi32>,
      %get3A_247 = arith.index_cast %while3A_52 : i32 to index
      %get3A_248 = arith.constant 80 : index
      %get3A_249 = tpu.vector_load %arg8[%get3A_247, %get3A_248] {strides = array<i32>} : memref<79x128xi32, #tpu.memory_space<vmem>>, vector<1x16xi32>,
      %get3A_250 = vector.shape_cast %get3A_249 : vector<1x16xi32> to vector<16xi32>
      %add3A_251 = arith.addi %get3A_250, %get3A_250 : vector<16xi32>
      %ge3A_252 = arith.constant 5000 : i32
      %ge3A_253 = vector.broadcast %ge3A_252 : i32 to vector<16xi32>
      %ge3A_254 = arith.cmpi sge, %get3A_250, %ge3A_253 : vector<16xi32>
      %sub3A_255 = arith.constant 9999 : i32
      %sub3A_256 = vector.broadcast %sub3A_255 : i32 to vector<16xi32>
      %sub3A_257 = arith.subi %add3A_251, %sub3A_256 : vector<16xi32>
      %select_n3A_258 = arith.select %ge3A_254, %sub3A_257, %add3A_251 : vector<16xi1>, vector<16xi32>
      %swap3A_259 = arith.index_cast %while3A_52 : i32 to index
      %swap3A_260 = arith.constant 80 : index
      %swap3A_261 = tpu.vector_load %arg9[%swap3A_259, %swap3A_260] {strides = array<i32>} : memref<79x128xi32, #tpu.memory_space<vmem>>, vector<1x16xi32>,
      %swap3A_262 = vector.shape_cast %swap3A_261 : vector<1x16xi32> to vector<16xi32>
      %swap3A_263 = vector.shape_cast %select_n3A_258 : vector<16xi32> to vector<1x16xi32>
      tpu.vector_store %arg9[%swap3A_259, %swap3A_260], %swap3A_263 {strides = array<i32>} : memref<79x128xi32, #tpu.memory_space<vmem>>, vector<1x16xi32>,
      %get3A_264 = arith.index_cast %while3A_52 : i32 to index
      %get3A_265 = arith.constant 96 : index
      %get3A_266 = tpu.vector_load %arg7[%get3A_264, %get3A_265] {strides = array<i32>} : memref<79x128xi32, #tpu.memory_space<vmem>>, vector<1x16xi32>,
      %get3A_267 = vector.shape_cast %get3A_266 : vector<1x16xi32> to vector<16xi32>
      %add3A_268 = arith.addi %get3A_267, %get3A_267 : vector<16xi32>
      %ge3A_269 = arith.constant 5000 : i32
      %ge3A_270 = vector.broadcast %ge3A_269 : i32 to vector<16xi32>
      %ge3A_271 = arith.cmpi sge, %get3A_267, %ge3A_270 : vector<16xi32>
      %sub3A_272 = arith.constant 9999 : i32
      %sub3A_273 = vector.broadcast %sub3A_272 : i32 to vector<16xi32>
      %sub3A_274 = arith.subi %add3A_268, %sub3A_273 : vector<16xi32>
      %select_n3A_275 = arith.select %ge3A_271, %sub3A_274, %add3A_268 : vector<16xi1>, vector<16xi32>
      %swap3A_276 = arith.index_cast %while3A_52 : i32 to index
      %swap3A_277 = arith.constant 96 : index
      %swap3A_278 = tpu.vector_load %arg7[%swap3A_276, %swap3A_277] {strides = array<i32>} : memref<79x128xi32, #tpu.memory_space<vmem>>, vector<1x16xi32>,
      %swap3A_279 = vector.shape_cast %swap3A_278 : vector<1x16xi32> to vector<16xi32>
      %swap3A_280 = vector.shape_cast %select_n3A_275 : vector<16xi32> to vector<1x16xi32>
      tpu.vector_store %arg7[%swap3A_276, %swap3A_277], %swap3A_280 {strides = array<i32>} : memref<79x128xi32, #tpu.memory_space<vmem>>, vector<1x16xi32>,
      %get3A_281 = arith.index_cast %while3A_52 : i32 to index
      %get3A_282 = arith.constant 96 : index
      %get3A_283 = tpu.vector_load %arg8[%get3A_281, %get3A_282] {strides = array<i32>} : memref<79x128xi32, #tpu.memory_space<vmem>>, vector<1x16xi32>,
      %get3A_284 = vector.shape_cast %get3A_283 : vector<1x16xi32> to vector<16xi32>
      %add3A_285 = arith.addi %get3A_284, %get3A_284 : vector<16xi32>
      %ge3A_286 = arith.constant 5000 : i32
      %ge3A_287 = vector.broadcast %ge3A_286 : i32 to vector<16xi32>
      %ge3A_288 = arith.cmpi sge, %get3A_284, %ge3A_287 : vector<16xi32>
      %sub3A_289 = arith.constant 9999 : i32
      %sub3A_290 = vector.broadcast %sub3A_289 : i32 to vector<16xi32>
      %sub3A_291 = arith.subi %add3A_285, %sub3A_290 : vector<16xi32>
      %select_n3A_292 = arith.select %ge3A_288, %sub3A_291, %add3A_285 : vector<16xi1>, vector<16xi32>
      %swap3A_293 = arith.index_cast %while3A_52 : i32 to index
      %swap3A_294 = arith.constant 96 : index
      %swap3A_295 = tpu.vector_load %arg9[%swap3A_293, %swap3A_294] {strides = array<i32>} : memref<79x128xi32, #tpu.memory_space<vmem>>, vector<1x16xi32>,
      %swap3A_296 = vector.shape_cast %swap3A_295 : vector<1x16xi32> to vector<16xi32>
      %swap3A_297 = vector.shape_cast %select_n3A_292 : vector<16xi32> to vector<1x16xi32>
      tpu.vector_store %arg9[%swap3A_293, %swap3A_294], %swap3A_297 {strides = array<i32>} : memref<79x128xi32, #tpu.memory_space<vmem>>, vector<1x16xi32>,
      %get3A_298 = arith.index_cast %while3A_52 : i32 to index
      %get3A_299 = arith.constant 112 : index
      %get3A_300 = tpu.vector_load %arg7[%get3A_298, %get3A_299] {strides = array<i32>} : memref<79x128xi32, #tpu.memory_space<vmem>>, vector<1x16xi32>,
      %get3A_301 = vector.shape_cast %get3A_300 : vector<1x16xi32> to vector<16xi32>
      %add3A_302 = arith.addi %get3A_301, %get3A_301 : vector<16xi32>
      %ge3A_303 = arith.constant 5000 : i32
      %ge3A_304 = vector.broadcast %ge3A_303 : i32 to vector<16xi32>
      %ge3A_305 = arith.cmpi sge, %get3A_301, %ge3A_304 : vector<16xi32>
      %sub3A_306 = arith.constant 9999 : i32
      %sub3A_307 = vector.broadcast %sub3A_306 : i32 to vector<16xi32>
      %sub3A_308 = arith.subi %add3A_302, %sub3A_307 : vector<16xi32>
      %select_n3A_309 = arith.select %ge3A_305, %sub3A_308, %add3A_302 : vector<16xi1>, vector<16xi32>
      %swap3A_310 = arith.index_cast %while3A_52 : i32 to index
      %swap3A_311 = arith.constant 112 : index
      %swap3A_312 = tpu.vector_load %arg7[%swap3A_310, %swap3A_311] {strides = array<i32>} : memref<79x128xi32, #tpu.memory_space<vmem>>, vector<1x16xi32>,
      %swap3A_313 = vector.shape_cast %swap3A_312 : vector<1x16xi32> to vector<16xi32>
      %swap3A_314 = vector.shape_cast %select_n3A_309 : vector<16xi32> to vector<1x16xi32>
      tpu.vector_store %arg7[%swap3A_310, %swap3A_311], %swap3A_314 {strides = array<i32>} : memref<79x128xi32, #tpu.memory_space<vmem>>, vector<1x16xi32>,
      %get3A_315 = arith.index_cast %while3A_52 : i32 to index
      %get3A_316 = arith.constant 112 : index
      %get3A_317 = tpu.vector_load %arg8[%get3A_315, %get3A_316] {strides = array<i32>} : memref<79x128xi32, #tpu.memory_space<vmem>>, vector<1x16xi32>,
      %get3A_318 = vector.shape_cast %get3A_317 : vector<1x16xi32> to vector<16xi32>
      %add3A_319 = arith.addi %get3A_318, %get3A_318 : vector<16xi32>
      %ge3A_320 = arith.constant 5000 : i32
      %ge3A_321 = vector.broadcast %ge3A_320 : i32 to vector<16xi32>
      %ge3A_322 = arith.cmpi sge, %get3A_318, %ge3A_321 : vector<16xi32>
      %sub3A_323 = arith.constant 9999 : i32
      %sub3A_324 = vector.broadcast %sub3A_323 : i32 to vector<16xi32>
      %sub3A_325 = arith.subi %add3A_319, %sub3A_324 : vector<16xi32>
      %select_n3A_326 = arith.select %ge3A_322, %sub3A_325, %add3A_319 : vector<16xi1>, vector<16xi32>
      %swap3A_327 = arith.index_cast %while3A_52 : i32 to index
      %swap3A_328 = arith.constant 112 : index
      %swap3A_329 = tpu.vector_load %arg9[%swap3A_327, %swap3A_328] {strides = array<i32>} : memref<79x128xi32, #tpu.memory_space<vmem>>, vector<1x16xi32>,
      %swap3A_330 = vector.shape_cast %swap3A_329 : vector<1x16xi32> to vector<16xi32>
      %swap3A_331 = vector.shape_cast %select_n3A_326 : vector<16xi32> to vector<1x16xi32>
      tpu.vector_store %arg9[%swap3A_327, %swap3A_328], %swap3A_331 {strides = array<i32>} : memref<79x128xi32, #tpu.memory_space<vmem>>, vector<1x16xi32>,
      %while3A_332 = arith.constant 0 : i32
      scf.yield %while3A_332 : i32
    }
    %while3A_33 = arith.constant 1 : i32
    %while3A_34 = scf.for %while3A_52 = %while3A_30 to %while3A_26 step %while3A_33 iter_args(%while3A_53 = %while3A_32) -> (i32)  : i32 {
      %ge3A = arith.constant 4 : i32
      %ge3A_54 = arith.cmpi sge, %while3A_52, %ge3A : i32
      %convert_element_type3A_55 = arith.extui %ge3A_54 : i1 to i32
      %cond3A_56 = arith.constant 0 : i32
      %cond3A_57 = arith.cmpi ne, %convert_element_type3A_55, %cond3A_56 : i32
      scf.if %cond3A_57 {
        %sub3A_333 = arith.constant 4 : i32
        %sub3A_334 = arith.subi %while3A_52, %sub3A_333 : i32
        %dma_wait3A = arith.constant 0 : i32
        %dma_wait3A_335 = tpu.memref_slice %arg8[%sub3A_334, %dma_wait3A] : memref<79x128xi32, #tpu.memory_space<vmem>> -> memref<1x128xi32, #tpu.memory_space<vmem>>
        %dma_wait3A_336 = tpu.memref_squeeze %dma_wait3A_335 : memref<1x128xi32, #tpu.memory_space<vmem>> -> memref<128xi32, #tpu.memory_space<vmem>>
        %dma_wait3A_337 = arith.constant 0 : i32
        %dma_wait3A_338 = arith.constant 0 : i32
        %dma_wait3A_339 = tpu.memref_slice %arg11[%dma_wait3A_337, %dma_wait3A_338] : memref<10000x16xf32, #tpu.memory_space<vmem_shared>> -> memref<10000x16xf32, #tpu.memory_space<vmem_shared>>
        tpu.wait_indirect_dma semaphore(%arg12 : memref<!tpu.dma_semaphore, #tpu.memory_space<semaphore_mem>>) src(%arg10 : memref<128x16xf32, #tpu.memory_space<vmem>>) dst(%dma_wait3A_339 : memref<10000x16xf32, #tpu.memory_space<vmem_shared>>)
      } else {
      }
      %dma_start3A = arith.constant 0 : i32
      %dma_start3A_58 = tpu.memref_slice %arg8[%while3A_52, %dma_start3A] : memref<79x128xi32, #tpu.memory_space<vmem>> -> memref<1x128xi32, #tpu.memory_space<vmem>>
      %dma_start3A_59 = tpu.memref_squeeze %dma_start3A_58 : memref<1x128xi32, #tpu.memory_space<vmem>> -> memref<128xi32, #tpu.memory_space<vmem>>
      %dma_start3A_60 = arith.constant 0 : i32
      %dma_start3A_61 = arith.constant 0 : i32
      %dma_start3A_62 = tpu.memref_slice %arg11[%dma_start3A_60, %dma_start3A_61] : memref<10000x16xf32, #tpu.memory_space<vmem_shared>> -> memref<10000x16xf32, #tpu.memory_space<vmem_shared>>
      tpu.enqueue_indirect_dma source(%arg10 : memref<128x16xf32, #tpu.memory_space<vmem>>) target(%dma_start3A_62 : memref<10000x16xf32, #tpu.memory_space<vmem_shared>>) offsets(%dma_start3A_59 : memref<128xi32, #tpu.memory_space<vmem>>) semaphore(%arg12 : memref<!tpu.dma_semaphore, #tpu.memory_space<semaphore_mem>>) {add = true}
      %get3A = arith.index_cast %while3A_52 : i32 to index
      %get3A_63 = arith.constant 0 : index
      %get3A_64 = tpu.vector_load %arg7[%get3A, %get3A_63] {strides = array<i32>} : memref<79x128xi32, #tpu.memory_space<vmem>>, vector<1x16xi32>,
      %get3A_65 = vector.shape_cast %get3A_64 : vector<1x16xi32> to vector<16xi32>
      %add3A_66 = arith.addi %get3A_65, %get3A_65 : vector<16xi32>
      %ge3A_67 = arith.constant 5000 : i32
      %ge3A_68 = vector.broadcast %ge3A_67 : i32 to vector<16xi32>
      %ge3A_69 = arith.cmpi sge, %get3A_65, %ge3A_68 : vector<16xi32>
      %sub3A = arith.constant 9999 : i32
      %sub3A_70 = vector.broadcast %sub3A : i32 to vector<16xi32>
      %sub3A_71 = arith.subi %add3A_66, %sub3A_70 : vector<16xi32>
      %select_n3A_72 = arith.select %ge3A_69, %sub3A_71, %add3A_66 : vector<16xi1>, vector<16xi32>
      %swap3A = arith.index_cast %while3A_52 : i32 to index
      %swap3A_73 = arith.constant 0 : index
      %swap3A_74 = tpu.vector_load %arg7[%swap3A, %swap3A_73] {strides = array<i32>} : memref<79x128xi32, #tpu.memory_space<vmem>>, vector<1x16xi32>,
      %swap3A_75 = vector.shape_cast %swap3A_74 : vector<1x16xi32> to vector<16xi32>
      %swap3A_76 = vector.shape_cast %select_n3A_72 : vector<16xi32> to vector<1x16xi32>
      tpu.vector_store %arg7[%swap3A, %swap3A_73], %swap3A_76 {strides = array<i32>} : memref<79x128xi32, #tpu.memory_space<vmem>>, vector<1x16xi32>,
      %get3A_77 = arith.index_cast %while3A_52 : i32 to index
      %get3A_78 = arith.constant 0 : index
      %get3A_79 = tpu.vector_load %arg8[%get3A_77, %get3A_78] {strides = array<i32>} : memref<79x128xi32, #tpu.memory_space<vmem>>, vector<1x16xi32>,
      %get3A_80 = vector.shape_cast %get3A_79 : vector<1x16xi32> to vector<16xi32>
      %add3A_81 = arith.addi %get3A_80, %get3A_80 : vector<16xi32>
      %ge3A_82 = arith.constant 5000 : i32
      %ge3A_83 = vector.broadcast %ge3A_82 : i32 to vector<16xi32>
      %ge3A_84 = arith.cmpi sge, %get3A_80, %ge3A_83 : vector<16xi32>
      %sub3A_85 = arith.constant 9999 : i32
      %sub3A_86 = vector.broadcast %sub3A_85 : i32 to vector<16xi32>
      %sub3A_87 = arith.subi %add3A_81, %sub3A_86 : vector<16xi32>
      %select_n3A_88 = arith.select %ge3A_84, %sub3A_87, %add3A_81 : vector<16xi1>, vector<16xi32>
      %swap3A_89 = arith.index_cast %while3A_52 : i32 to index
      %swap3A_90 = arith.constant 0 : index
      %swap3A_91 = tpu.vector_load %arg9[%swap3A_89, %swap3A_90] {strides = array<i32>} : memref<79x128xi32, #tpu.memory_space<vmem>>, vector<1x16xi32>,
      %swap3A_92 = vector.shape_cast %swap3A_91 : vector<1x16xi32> to vector<16xi32>
      %swap3A_93 = vector.shape_cast %select_n3A_88 : vector<16xi32> to vector<1x16xi32>
      tpu.vector_store %arg9[%swap3A_89, %swap3A_90], %swap3A_93 {strides = array<i32>} : memref<79x128xi32, #tpu.memory_space<vmem>>, vector<1x16xi32>,
      %get3A_94 = arith.index_cast %while3A_52 : i32 to index
      %get3A_95 = arith.constant 16 : index
      %get3A_96 = tpu.vector_load %arg7[%get3A_94, %get3A_95] {strides = array<i32>} : memref<79x128xi32, #tpu.memory_space<vmem>>, vector<1x16xi32>,
      %get3A_97 = vector.shape_cast %get3A_96 : vector<1x16xi32> to vector<16xi32>
      %add3A_98 = arith.addi %get3A_97, %get3A_97 : vector<16xi32>
      %ge3A_99 = arith.constant 5000 : i32
      %ge3A_100 = vector.broadcast %ge3A_99 : i32 to vector<16xi32>
      %ge3A_101 = arith.cmpi sge, %get3A_97, %ge3A_100 : vector<16xi32>
      %sub3A_102 = arith.constant 9999 : i32
      %sub3A_103 = vector.broadcast %sub3A_102 : i32 to vector<16xi32>
      %sub3A_104 = arith.subi %add3A_98, %sub3A_103 : vector<16xi32>
      %select_n3A_105 = arith.select %ge3A_101, %sub3A_104, %add3A_98 : vector<16xi1>, vector<16xi32>
      %swap3A_106 = arith.index_cast %while3A_52 : i32 to index
      %swap3A_107 = arith.constant 16 : index
      %swap3A_108 = tpu.vector_load %arg7[%swap3A_106, %swap3A_107] {strides = array<i32>} : memref<79x128xi32, #tpu.memory_space<vmem>>, vector<1x16xi32>,
      %swap3A_109 = vector.shape_cast %swap3A_108 : vector<1x16xi32> to vector<16xi32>
      %swap3A_110 = vector.shape_cast %select_n3A_105 : vector<16xi32> to vector<1x16xi32>
      tpu.vector_store %arg7[%swap3A_106, %swap3A_107], %swap3A_110 {strides = array<i32>} : memref<79x128xi32, #tpu.memory_space<vmem>>, vector<1x16xi32>,
      %get3A_111 = arith.index_cast %while3A_52 : i32 to index
      %get3A_112 = arith.constant 16 : index
      %get3A_113 = tpu.vector_load %arg8[%get3A_111, %get3A_112] {strides = array<i32>} : memref<79x128xi32, #tpu.memory_space<vmem>>, vector<1x16xi32>,
      %get3A_114 = vector.shape_cast %get3A_113 : vector<1x16xi32> to vector<16xi32>
      %add3A_115 = arith.addi %get3A_114, %get3A_114 : vector<16xi32>
      %ge3A_116 = arith.constant 5000 : i32
      %ge3A_117 = vector.broadcast %ge3A_116 : i32 to vector<16xi32>
      %ge3A_118 = arith.cmpi sge, %get3A_114, %ge3A_117 : vector<16xi32>
      %sub3A_119 = arith.constant 9999 : i32
      %sub3A_120 = vector.broadcast %sub3A_119 : i32 to vector<16xi32>
      %sub3A_121 = arith.subi %add3A_115, %sub3A_120 : vector<16xi32>
      %select_n3A_122 = arith.select %ge3A_118, %sub3A_121, %add3A_115 : vector<16xi1>, vector<16xi32>
      %swap3A_123 = arith.index_cast %while3A_52 : i32 to index
      %swap3A_124 = arith.constant 16 : index
      %swap3A_125 = tpu.vector_load %arg9[%swap3A_123, %swap3A_124] {strides = array<i32>} : memref<79x128xi32, #tpu.memory_space<vmem>>, vector<1x16xi32>,
      %swap3A_126 = vector.shape_cast %swap3A_125 : vector<1x16xi32> to vector<16xi32>
      %swap3A_127 = vector.shape_cast %select_n3A_122 : vector<16xi32> to vector<1x16xi32>
      tpu.vector_store %arg9[%swap3A_123, %swap3A_124], %swap3A_127 {strides = array<i32>} : memref<79x128xi32, #tpu.memory_space<vmem>>, vector<1x16xi32>,
      %get3A_128 = arith.index_cast %while3A_52 : i32 to index
      %get3A_129 = arith.constant 32 : index
      %get3A_130 = tpu.vector_load %arg7[%get3A_128, %get3A_129] {strides = array<i32>} : memref<79x128xi32, #tpu.memory_space<vmem>>, vector<1x16xi32>,
      %get3A_131 = vector.shape_cast %get3A_130 : vector<1x16xi32> to vector<16xi32>
      %add3A_132 = arith.addi %get3A_131, %get3A_131 : vector<16xi32>
      %ge3A_133 = arith.constant 5000 : i32
      %ge3A_134 = vector.broadcast %ge3A_133 : i32 to vector<16xi32>
      %ge3A_135 = arith.cmpi sge, %get3A_131, %ge3A_134 : vector<16xi32>
      %sub3A_136 = arith.constant 9999 : i32
      %sub3A_137 = vector.broadcast %sub3A_136 : i32 to vector<16xi32>
      %sub3A_138 = arith.subi %add3A_132, %sub3A_137 : vector<16xi32>
      %select_n3A_139 = arith.select %ge3A_135, %sub3A_138, %add3A_132 : vector<16xi1>, vector<16xi32>
      %swap3A_140 = arith.index_cast %while3A_52 : i32 to index
      %swap3A_141 = arith.constant 32 : index
      %swap3A_142 = tpu.vector_load %arg7[%swap3A_140, %swap3A_141] {strides = array<i32>} : memref<79x128xi32, #tpu.memory_space<vmem>>, vector<1x16xi32>,
      %swap3A_143 = vector.shape_cast %swap3A_142 : vector<1x16xi32> to vector<16xi32>
      %swap3A_144 = vector.shape_cast %select_n3A_139 : vector<16xi32> to vector<1x16xi32>
      tpu.vector_store %arg7[%swap3A_140, %swap3A_141], %swap3A_144 {strides = array<i32>} : memref<79x128xi32, #tpu.memory_space<vmem>>, vector<1x16xi32>,
      %get3A_145 = arith.index_cast %while3A_52 : i32 to index
      %get3A_146 = arith.constant 32 : index
      %get3A_147 = tpu.vector_load %arg8[%get3A_145, %get3A_146] {strides = array<i32>} : memref<79x128xi32, #tpu.memory_space<vmem>>, vector<1x16xi32>,
      %get3A_148 = vector.shape_cast %get3A_147 : vector<1x16xi32> to vector<16xi32>
      %add3A_149 = arith.addi %get3A_148, %get3A_148 : vector<16xi32>
      %ge3A_150 = arith.constant 5000 : i32
      %ge3A_151 = vector.broadcast %ge3A_150 : i32 to vector<16xi32>
      %ge3A_152 = arith.cmpi sge, %get3A_148, %ge3A_151 : vector<16xi32>
      %sub3A_153 = arith.constant 9999 : i32
      %sub3A_154 = vector.broadcast %sub3A_153 : i32 to vector<16xi32>
      %sub3A_155 = arith.subi %add3A_149, %sub3A_154 : vector<16xi32>
      %select_n3A_156 = arith.select %ge3A_152, %sub3A_155, %add3A_149 : vector<16xi1>, vector<16xi32>
      %swap3A_157 = arith.index_cast %while3A_52 : i32 to index
      %swap3A_158 = arith.constant 32 : index
      %swap3A_159 = tpu.vector_load %arg9[%swap3A_157, %swap3A_158] {strides = array<i32>} : memref<79x128xi32, #tpu.memory_space<vmem>>, vector<1x16xi32>,
      %swap3A_160 = vector.shape_cast %swap3A_159 : vector<1x16xi32> to vector<16xi32>
      %swap3A_161 = vector.shape_cast %select_n3A_156 : vector<16xi32> to vector<1x16xi32>
      tpu.vector_store %arg9[%swap3A_157, %swap3A_158], %swap3A_161 {strides = array<i32>} : memref<79x128xi32, #tpu.memory_space<vmem>>, vector<1x16xi32>,
      %get3A_162 = arith.index_cast %while3A_52 : i32 to index
      %get3A_163 = arith.constant 48 : index
      %get3A_164 = tpu.vector_load %arg7[%get3A_162, %get3A_163] {strides = array<i32>} : memref<79x128xi32, #tpu.memory_space<vmem>>, vector<1x16xi32>,
      %get3A_165 = vector.shape_cast %get3A_164 : vector<1x16xi32> to vector<16xi32>
      %add3A_166 = arith.addi %get3A_165, %get3A_165 : vector<16xi32>
      %ge3A_167 = arith.constant 5000 : i32
      %ge3A_168 = vector.broadcast %ge3A_167 : i32 to vector<16xi32>
      %ge3A_169 = arith.cmpi sge, %get3A_165, %ge3A_168 : vector<16xi32>
      %sub3A_170 = arith.constant 9999 : i32
      %sub3A_171 = vector.broadcast %sub3A_170 : i32 to vector<16xi32>
      %sub3A_172 = arith.subi %add3A_166, %sub3A_171 : vector<16xi32>
      %select_n3A_173 = arith.select %ge3A_169, %sub3A_172, %add3A_166 : vector<16xi1>, vector<16xi32>
      %swap3A_174 = arith.index_cast %while3A_52 : i32 to index
      %swap3A_175 = arith.constant 48 : index
      %swap3A_176 = tpu.vector_load %arg7[%swap3A_174, %swap3A_175] {strides = array<i32>} : memref<79x128xi32, #tpu.memory_space<vmem>>, vector<1x16xi32>,
      %swap3A_177 = vector.shape_cast %swap3A_176 : vector<1x16xi32> to vector<16xi32>
      %swap3A_178 = vector.shape_cast %select_n3A_173 : vector<16xi32> to vector<1x16xi32>
      tpu.vector_store %arg7[%swap3A_174, %swap3A_175], %swap3A_178 {strides = array<i32>} : memref<79x128xi32, #tpu.memory_space<vmem>>, vector<1x16xi32>,
      %get3A_179 = arith.index_cast %while3A_52 : i32 to index
      %get3A_180 = arith.constant 48 : index
      %get3A_181 = tpu.vector_load %arg8[%get3A_179, %get3A_180] {strides = array<i32>} : memref<79x128xi32, #tpu.memory_space<vmem>>, vector<1x16xi32>,
      %get3A_182 = vector.shape_cast %get3A_181 : vector<1x16xi32> to vector<16xi32>
      %add3A_183 = arith.addi %get3A_182, %get3A_182 : vector<16xi32>
      %ge3A_184 = arith.constant 5000 : i32
      %ge3A_185 = vector.broadcast %ge3A_184 : i32 to vector<16xi32>
      %ge3A_186 = arith.cmpi sge, %get3A_182, %ge3A_185 : vector<16xi32>
      %sub3A_187 = arith.constant 9999 : i32
      %sub3A_188 = vector.broadcast %sub3A_187 : i32 to vector<16xi32>
      %sub3A_189 = arith.subi %add3A_183, %sub3A_188 : vector<16xi32>
      %select_n3A_190 = arith.select %ge3A_186, %sub3A_189, %add3A_183 : vector<16xi1>, vector<16xi32>
      %swap3A_191 = arith.index_cast %while3A_52 : i32 to index
      %swap3A_192 = arith.constant 48 : index
      %swap3A_193 = tpu.vector_load %arg9[%swap3A_191, %swap3A_192] {strides = array<i32>} : memref<79x128xi32, #tpu.memory_space<vmem>>, vector<1x16xi32>,
      %swap3A_194 = vector.shape_cast %swap3A_193 : vector<1x16xi32> to vector<16xi32>
      %swap3A_195 = vector.shape_cast %select_n3A_190 : vector<16xi32> to vector<1x16xi32>
      tpu.vector_store %arg9[%swap3A_191, %swap3A_192], %swap3A_195 {strides = array<i32>} : memref<79x128xi32, #tpu.memory_space<vmem>>, vector<1x16xi32>,
      %get3A_196 = arith.index_cast %while3A_52 : i32 to index
      %get3A_197 = arith.constant 64 : index
      %get3A_198 = tpu.vector_load %arg7[%get3A_196, %get3A_197] {strides = array<i32>} : memref<79x128xi32, #tpu.memory_space<vmem>>, vector<1x16xi32>,
      %get3A_199 = vector.shape_cast %get3A_198 : vector<1x16xi32> to vector<16xi32>
      %add3A_200 = arith.addi %get3A_199, %get3A_199 : vector<16xi32>
      %ge3A_201 = arith.constant 5000 : i32
      %ge3A_202 = vector.broadcast %ge3A_201 : i32 to vector<16xi32>
      %ge3A_203 = arith.cmpi sge, %get3A_199, %ge3A_202 : vector<16xi32>
      %sub3A_204 = arith.constant 9999 : i32
      %sub3A_205 = vector.broadcast %sub3A_204 : i32 to vector<16xi32>
      %sub3A_206 = arith.subi %add3A_200, %sub3A_205 : vector<16xi32>
      %select_n3A_207 = arith.select %ge3A_203, %sub3A_206, %add3A_200 : vector<16xi1>, vector<16xi32>
      %swap3A_208 = arith.index_cast %while3A_52 : i32 to index
      %swap3A_209 = arith.constant 64 : index
      %swap3A_210 = tpu.vector_load %arg7[%swap3A_208, %swap3A_209] {strides = array<i32>} : memref<79x128xi32, #tpu.memory_space<vmem>>, vector<1x16xi32>,
      %swap3A_211 = vector.shape_cast %swap3A_210 : vector<1x16xi32> to vector<16xi32>
      %swap3A_212 = vector.shape_cast %select_n3A_207 : vector<16xi32> to vector<1x16xi32>
      tpu.vector_store %arg7[%swap3A_208, %swap3A_209], %swap3A_212 {strides = array<i32>} : memref<79x128xi32, #tpu.memory_space<vmem>>, vector<1x16xi32>,
      %get3A_213 = arith.index_cast %while3A_52 : i32 to index
      %get3A_214 = arith.constant 64 : index
      %get3A_215 = tpu.vector_load %arg8[%get3A_213, %get3A_214] {strides = array<i32>} : memref<79x128xi32, #tpu.memory_space<vmem>>, vector<1x16xi32>,
      %get3A_216 = vector.shape_cast %get3A_215 : vector<1x16xi32> to vector<16xi32>
      %add3A_217 = arith.addi %get3A_216, %get3A_216 : vector<16xi32>
      %ge3A_218 = arith.constant 5000 : i32
      %ge3A_219 = vector.broadcast %ge3A_218 : i32 to vector<16xi32>
      %ge3A_220 = arith.cmpi sge, %get3A_216, %ge3A_219 : vector<16xi32>
      %sub3A_221 = arith.constant 9999 : i32
      %sub3A_222 = vector.broadcast %sub3A_221 : i32 to vector<16xi32>
      %sub3A_223 = arith.subi %add3A_217, %sub3A_222 : vector<16xi32>
      %select_n3A_224 = arith.select %ge3A_220, %sub3A_223, %add3A_217 : vector<16xi1>, vector<16xi32>
      %swap3A_225 = arith.index_cast %while3A_52 : i32 to index
      %swap3A_226 = arith.constant 64 : index
      %swap3A_227 = tpu.vector_load %arg9[%swap3A_225, %swap3A_226] {strides = array<i32>} : memref<79x128xi32, #tpu.memory_space<vmem>>, vector<1x16xi32>,
      %swap3A_228 = vector.shape_cast %swap3A_227 : vector<1x16xi32> to vector<16xi32>
      %swap3A_229 = vector.shape_cast %select_n3A_224 : vector<16xi32> to vector<1x16xi32>
      tpu.vector_store %arg9[%swap3A_225, %swap3A_226], %swap3A_229 {strides = array<i32>} : memref<79x128xi32, #tpu.memory_space<vmem>>, vector<1x16xi32>,
      %get3A_230 = arith.index_cast %while3A_52 : i32 to index
      %get3A_231 = arith.constant 80 : index
      %get3A_232 = tpu.vector_load %arg7[%get3A_230, %get3A_231] {strides = array<i32>} : memref<79x128xi32, #tpu.memory_space<vmem>>, vector<1x16xi32>,
      %get3A_233 = vector.shape_cast %get3A_232 : vector<1x16xi32> to vector<16xi32>
      %add3A_234 = arith.addi %get3A_233, %get3A_233 : vector<16xi32>
      %ge3A_235 = arith.constant 5000 : i32
      %ge3A_236 = vector.broadcast %ge3A_235 : i32 to vector<16xi32>
      %ge3A_237 = arith.cmpi sge, %get3A_233, %ge3A_236 : vector<16xi32>
      %sub3A_238 = arith.constant 9999 : i32
      %sub3A_239 = vector.broadcast %sub3A_238 : i32 to vector<16xi32>
      %sub3A_240 = arith.subi %add3A_234, %sub3A_239 : vector<16xi32>
      %select_n3A_241 = arith.select %ge3A_237, %sub3A_240, %add3A_234 : vector<16xi1>, vector<16xi32>
      %swap3A_242 = arith.index_cast %while3A_52 : i32 to index
      %swap3A_243 = arith.constant 80 : index
      %swap3A_244 = tpu.vector_load %arg7[%swap3A_242, %swap3A_243] {strides = array<i32>} : memref<79x128xi32, #tpu.memory_space<vmem>>, vector<1x16xi32>,
      %swap3A_245 = vector.shape_cast %swap3A_244 : vector<1x16xi32> to vector<16xi32>
      %swap3A_246 = vector.shape_cast %select_n3A_241 : vector<16xi32> to vector<1x16xi32>
      tpu.vector_store %arg7[%swap3A_242, %swap3A_243], %swap3A_246 {strides = array<i32>} : memref<79x128xi32, #tpu.memory_space<vmem>>, vector<1x16xi32>,
      %get3A_247 = arith.index_cast %while3A_52 : i32 to index
      %get3A_248 = arith.constant 80 : index
      %get3A_249 = tpu.vector_load %arg8[%get3A_247, %get3A_248] {strides = array<i32>} : memref<79x128xi32, #tpu.memory_space<vmem>>, vector<1x16xi32>,
      %get3A_250 = vector.shape_cast %get3A_249 : vector<1x16xi32> to vector<16xi32>
      %add3A_251 = arith.addi %get3A_250, %get3A_250 : vector<16xi32>
      %ge3A_252 = arith.constant 5000 : i32
      %ge3A_253 = vector.broadcast %ge3A_252 : i32 to vector<16xi32>
      %ge3A_254 = arith.cmpi sge, %get3A_250, %ge3A_253 : vector<16xi32>
      %sub3A_255 = arith.constant 9999 : i32
      %sub3A_256 = vector.broadcast %sub3A_255 : i32 to vector<16xi32>
      %sub3A_257 = arith.subi %add3A_251, %sub3A_256 : vector<16xi32>
      %select_n3A_258 = arith.select %ge3A_254, %sub3A_257, %add3A_251 : vector<16xi1>, vector<16xi32>
      %swap3A_259 = arith.index_cast %while3A_52 : i32 to index
      %swap3A_260 = arith.constant 80 : index
      %swap3A_261 = tpu.vector_load %arg9[%swap3A_259, %swap3A_260] {strides = array<i32>} : memref<79x128xi32, #tpu.memory_space<vmem>>, vector<1x16xi32>,
      %swap3A_262 = vector.shape_cast %swap3A_261 : vector<1x16xi32> to vector<16xi32>
      %swap3A_263 = vector.shape_cast %select_n3A_258 : vector<16xi32> to vector<1x16xi32>
      tpu.vector_store %arg9[%swap3A_259, %swap3A_260], %swap3A_263 {strides = array<i32>} : memref<79x128xi32, #tpu.memory_space<vmem>>, vector<1x16xi32>,
      %get3A_264 = arith.index_cast %while3A_52 : i32 to index
      %get3A_265 = arith.constant 96 : index
      %get3A_266 = tpu.vector_load %arg7[%get3A_264, %get3A_265] {strides = array<i32>} : memref<79x128xi32, #tpu.memory_space<vmem>>, vector<1x16xi32>,
      %get3A_267 = vector.shape_cast %get3A_266 : vector<1x16xi32> to vector<16xi32>
      %add3A_268 = arith.addi %get3A_267, %get3A_267 : vector<16xi32>
      %ge3A_269 = arith.constant 5000 : i32
      %ge3A_270 = vector.broadcast %ge3A_269 : i32 to vector<16xi32>
      %ge3A_271 = arith.cmpi sge, %get3A_267, %ge3A_270 : vector<16xi32>
      %sub3A_272 = arith.constant 9999 : i32
      %sub3A_273 = vector.broadcast %sub3A_272 : i32 to vector<16xi32>
      %sub3A_274 = arith.subi %add3A_268, %sub3A_273 : vector<16xi32>
      %select_n3A_275 = arith.select %ge3A_271, %sub3A_274, %add3A_268 : vector<16xi1>, vector<16xi32>
      %swap3A_276 = arith.index_cast %while3A_52 : i32 to index
      %swap3A_277 = arith.constant 96 : index
      %swap3A_278 = tpu.vector_load %arg7[%swap3A_276, %swap3A_277] {strides = array<i32>} : memref<79x128xi32, #tpu.memory_space<vmem>>, vector<1x16xi32>,
      %swap3A_279 = vector.shape_cast %swap3A_278 : vector<1x16xi32> to vector<16xi32>
      %swap3A_280 = vector.shape_cast %select_n3A_275 : vector<16xi32> to vector<1x16xi32>
      tpu.vector_store %arg7[%swap3A_276, %swap3A_277], %swap3A_280 {strides = array<i32>} : memref<79x128xi32, #tpu.memory_space<vmem>>, vector<1x16xi32>,
      %get3A_281 = arith.index_cast %while3A_52 : i32 to index
      %get3A_282 = arith.constant 96 : index
      %get3A_283 = tpu.vector_load %arg8[%get3A_281, %get3A_282] {strides = array<i32>} : memref<79x128xi32, #tpu.memory_space<vmem>>, vector<1x16xi32>,
      %get3A_284 = vector.shape_cast %get3A_283 : vector<1x16xi32> to vector<16xi32>
      %add3A_285 = arith.addi %get3A_284, %get3A_284 : vector<16xi32>
      %ge3A_286 = arith.constant 5000 : i32
      %ge3A_287 = vector.broadcast %ge3A_286 : i32 to vector<16xi32>
      %ge3A_288 = arith.cmpi sge, %get3A_284, %ge3A_287 : vector<16xi32>
      %sub3A_289 = arith.constant 9999 : i32
      %sub3A_290 = vector.broadcast %sub3A_289 : i32 to vector<16xi32>
      %sub3A_291 = arith.subi %add3A_285, %sub3A_290 : vector<16xi32>
      %select_n3A_292 = arith.select %ge3A_288, %sub3A_291, %add3A_285 : vector<16xi1>, vector<16xi32>
      %swap3A_293 = arith.index_cast %while3A_52 : i32 to index
      %swap3A_294 = arith.constant 96 : index
      %swap3A_295 = tpu.vector_load %arg9[%swap3A_293, %swap3A_294] {strides = array<i32>} : memref<79x128xi32, #tpu.memory_space<vmem>>, vector<1x16xi32>,
      %swap3A_296 = vector.shape_cast %swap3A_295 : vector<1x16xi32> to vector<16xi32>
      %swap3A_297 = vector.shape_cast %select_n3A_292 : vector<16xi32> to vector<1x16xi32>
      tpu.vector_store %arg9[%swap3A_293, %swap3A_294], %swap3A_297 {strides = array<i32>} : memref<79x128xi32, #tpu.memory_space<vmem>>, vector<1x16xi32>,
      %get3A_298 = arith.index_cast %while3A_52 : i32 to index
      %get3A_299 = arith.constant 112 : index
      %get3A_300 = tpu.vector_load %arg7[%get3A_298, %get3A_299] {strides = array<i32>} : memref<79x128xi32, #tpu.memory_space<vmem>>, vector<1x16xi32>,
      %get3A_301 = vector.shape_cast %get3A_300 : vector<1x16xi32> to vector<16xi32>
      %add3A_302 = arith.addi %get3A_301, %get3A_301 : vector<16xi32>
      %ge3A_303 = arith.constant 5000 : i32
      %ge3A_304 = vector.broadcast %ge3A_303 : i32 to vector<16xi32>
      %ge3A_305 = arith.cmpi sge, %get3A_301, %ge3A_304 : vector<16xi32>
      %sub3A_306 = arith.constant 9999 : i32
      %sub3A_307 = vector.broadcast %sub3A_306 : i32 to vector<16xi32>
      %sub3A_308 = arith.subi %add3A_302, %sub3A_307 : vector<16xi32>
      %select_n3A_309 = arith.select %ge3A_305, %sub3A_308, %add3A_302 : vector<16xi1>, vector<16xi32>
      %swap3A_310 = arith.index_cast %while3A_52 : i32 to index
      %swap3A_311 = arith.constant 112 : index
      %swap3A_312 = tpu.vector_load %arg7[%swap3A_310, %swap3A_311] {strides = array<i32>} : memref<79x128xi32, #tpu.memory_space<vmem>>, vector<1x16xi32>,
      %swap3A_313 = vector.shape_cast %swap3A_312 : vector<1x16xi32> to vector<16xi32>
      %swap3A_314 = vector.shape_cast %select_n3A_309 : vector<16xi32> to vector<1x16xi32>
      tpu.vector_store %arg7[%swap3A_310, %swap3A_311], %swap3A_314 {strides = array<i32>} : memref<79x128xi32, #tpu.memory_space<vmem>>, vector<1x16xi32>,
      %get3A_315 = arith.index_cast %while3A_52 : i32 to index
      %get3A_316 = arith.constant 112 : index
      %get3A_317 = tpu.vector_load %arg8[%get3A_315, %get3A_316] {strides = array<i32>} : memref<79x128xi32, #tpu.memory_space<vmem>>, vector<1x16xi32>,
      %get3A_318 = vector.shape_cast %get3A_317 : vector<1x16xi32> to vector<16xi32>
      %add3A_319 = arith.addi %get3A_318, %get3A_318 : vector<16xi32>
      %ge3A_320 = arith.constant 5000 : i32
      %ge3A_321 = vector.broadcast %ge3A_320 : i32 to vector<16xi32>
      %ge3A_322 = arith.cmpi sge, %get3A_318, %ge3A_321 : vector<16xi32>
      %sub3A_323 = arith.constant 9999 : i32
      %sub3A_324 = vector.broadcast %sub3A_323 : i32 to vector<16xi32>
      %sub3A_325 = arith.subi %add3A_319, %sub3A_324 : vector<16xi32>
      %select_n3A_326 = arith.select %ge3A_322, %sub3A_325, %add3A_319 : vector<16xi1>, vector<16xi32>
      %swap3A_327 = arith.index_cast %while3A_52 : i32 to index
      %swap3A_328 = arith.constant 112 : index
      %swap3A_329 = tpu.vector_load %arg9[%swap3A_327, %swap3A_328] {strides = array<i32>} : memref<79x128xi32, #tpu.memory_space<vmem>>, vector<1x16xi32>,
      %swap3A_330 = vector.shape_cast %swap3A_329 : vector<1x16xi32> to vector<16xi32>
      %swap3A_331 = vector.shape_cast %select_n3A_326 : vector<16xi32> to vector<1x16xi32>
      tpu.vector_store %arg9[%swap3A_327, %swap3A_328], %swap3A_331 {strides = array<i32>} : memref<79x128xi32, #tpu.memory_space<vmem>>, vector<1x16xi32>,
      %while3A_332 = arith.constant 0 : i32
      scf.yield %while3A_332 : i32
    }
    %scan3A_35 = arith.constant 0 : i32
    %scan3A_36 = arith.constant 0 : i32
    %scan3A_37 = arith.constant 4 : i32
    %scan3A_38 = arith.addi %scan3A_36, %scan3A_37 : i32
    %scan3A_39 = arith.constant 1 : i32
    %scan3A_40 = scf.for %scan3A_52 = %scan3A_36 to %scan3A_38 step %scan3A_39 iter_args(%scan3A_53 = %scan3A_35) -> (i32)  : i32 {
      %sub3A = arith.constant 4 : i32
      %sub3A_54 = arith.subi %add3A_8, %sub3A : i32
      %max3A = arith.constant 0 : i32
      %max3A_55 = arith.maxsi %sub3A_54, %max3A : i32
      %add3A_56 = arith.addi %max3A_55, %scan3A_52 : i32
      %lt3A_57 = arith.cmpi slt, %add3A_56, %add3A_8 : i32
      %convert_element_type3A_58 = arith.extui %lt3A_57 : i1 to i32
      %cond3A_59 = arith.constant 0 : i32
      %cond3A_60 = arith.cmpi ne, %convert_element_type3A_58, %cond3A_59 : i32
      scf.if %cond3A_60 {
        %dma_wait3A = arith.constant 0 : i32
        %dma_wait3A_62 = tpu.memref_slice %arg8[%add3A_56, %dma_wait3A] : memref<79x128xi32, #tpu.memory_space<vmem>> -> memref<1x128xi32, #tpu.memory_space<vmem>>
        %dma_wait3A_63 = tpu.memref_squeeze %dma_wait3A_62 : memref<1x128xi32, #tpu.memory_space<vmem>> -> memref<128xi32, #tpu.memory_space<vmem>>
        %dma_wait3A_64 = arith.constant 0 : i32
        %dma_wait3A_65 = arith.constant 0 : i32
        %dma_wait3A_66 = tpu.memref_slice %arg11[%dma_wait3A_64, %dma_wait3A_65] : memref<10000x16xf32, #tpu.memory_space<vmem_shared>> -> memref<10000x16xf32, #tpu.memory_space<vmem_shared>>
        tpu.wait_indirect_dma semaphore(%arg12 : memref<!tpu.dma_semaphore, #tpu.memory_space<semaphore_mem>>) src(%arg10 : memref<128x16xf32, #tpu.memory_space<vmem>>) dst(%dma_wait3A_66 : memref<10000x16xf32, #tpu.memory_space<vmem_shared>>)
      } else {
      }
      %scan3A_61 = arith.constant 0 : i32
      scf.yield %scan3A_61 : i32
    }
    %scan3A_41 = arith.constant 4 : i32
    "tpu.region"() ({
      %run_scoped3A = tpu.sem_alloc : memref<!tpu.dma_semaphore, #tpu.memory_space<semaphore_mem>>
      %dma_start3A = arith.constant 0 : i32
      %dma_start3A_52 = arith.constant 0 : i32
      %dma_start3A_53 = tpu.memref_slice %arg7[%dma_start3A, %dma_start3A_52] : memref<79x128xi32, #tpu.memory_space<vmem>> -> memref<78x128xi32, #tpu.memory_space<vmem>>
      %dma_start3A_54 = arith.constant 0 : i32
      %dma_start3A_55 = tpu.memref_slice %arg5[%add3A_4, %dma_start3A_54] : memref<2500x128xi32, #tpu.memory_space<hbm>> -> memref<78x128xi32, #tpu.memory_space<hbm>>
      %dma_start3A_56 = arith.constant 0 : i32
      %dma_start3A_57 = tpu.memref_slice %arg5[%add3A_4, %dma_start3A_56] : memref<2500x128xi32, #tpu.memory_space<hbm>> -> memref<78x128xi32, #tpu.memory_space<hbm>>
      %dma_start3A_58 = arith.constant 0 : i32
      %dma_start3A_59 = arith.constant 0 : i32
      %dma_start3A_60 = tpu.memref_slice %arg7[%dma_start3A_58, %dma_start3A_59] : memref<79x128xi32, #tpu.memory_space<vmem>> -> memref<78x128xi32, #tpu.memory_space<vmem>>
      tpu.enqueue_dma source(%dma_start3A_60 : memref<78x128xi32, #tpu.memory_space<vmem>>) target(%dma_start3A_57 : memref<78x128xi32, #tpu.memory_space<hbm>>) target_semaphore(%run_scoped3A : memref<!tpu.dma_semaphore, #tpu.memory_space<semaphore_mem>>)
      %dma_wait3A = arith.constant 0 : i32
      %dma_wait3A_61 = arith.constant 0 : i32
      %dma_wait3A_62 = tpu.memref_slice %arg7[%dma_wait3A, %dma_wait3A_61] : memref<79x128xi32, #tpu.memory_space<vmem>> -> memref<78x128xi32, #tpu.memory_space<vmem>>
      %dma_wait3A_63 = arith.constant 0 : i32
      %dma_wait3A_64 = tpu.memref_slice %arg5[%add3A_4, %dma_wait3A_63] : memref<2500x128xi32, #tpu.memory_space<hbm>> -> memref<78x128xi32, #tpu.memory_space<hbm>>
      %dma_wait3A_65 = arith.constant 0 : i32
      %dma_wait3A_66 = tpu.memref_slice %arg5[%add3A_4, %dma_wait3A_65] : memref<2500x128xi32, #tpu.memory_space<hbm>> -> memref<78x128xi32, #tpu.memory_space<hbm>>
      %dma_wait3A_67 = arith.constant 0 : i32
      %dma_wait3A_68 = arith.constant 0 : i32
      %dma_wait3A_69 = tpu.memref_slice %arg7[%dma_wait3A_67, %dma_wait3A_68] : memref<79x128xi32, #tpu.memory_space<vmem>> -> memref<78x128xi32, #tpu.memory_space<vmem>>
      tpu.wait_dma2 semaphore(%run_scoped3A : memref<!tpu.dma_semaphore, #tpu.memory_space<semaphore_mem>>) src(%dma_wait3A_69 : memref<78x128xi32, #tpu.memory_space<vmem>>) dst(%dma_wait3A_66 : memref<78x128xi32, #tpu.memory_space<hbm>>)
      tpu.yield
    }) : () -> ()
    "tpu.region"() ({
      %run_scoped3A = tpu.sem_alloc : memref<!tpu.dma_semaphore, #tpu.memory_space<semaphore_mem>>
      %dma_start3A = arith.constant 0 : i32
      %dma_start3A_52 = arith.constant 0 : i32
      %dma_start3A_53 = tpu.memref_slice %arg9[%dma_start3A, %dma_start3A_52] : memref<79x128xi32, #tpu.memory_space<vmem>> -> memref<78x128xi32, #tpu.memory_space<vmem>>
      %dma_start3A_54 = arith.constant 0 : i32
      %dma_start3A_55 = tpu.memref_slice %arg6[%add3A_4, %dma_start3A_54] : memref<2500x128xi32, #tpu.memory_space<hbm>> -> memref<78x128xi32, #tpu.memory_space<hbm>>
      %dma_start3A_56 = arith.constant 0 : i32
      %dma_start3A_57 = tpu.memref_slice %arg6[%add3A_4, %dma_start3A_56] : memref<2500x128xi32, #tpu.memory_space<hbm>> -> memref<78x128xi32, #tpu.memory_space<hbm>>
      %dma_start3A_58 = arith.constant 0 : i32
      %dma_start3A_59 = arith.constant 0 : i32
      %dma_start3A_60 = tpu.memref_slice %arg9[%dma_start3A_58, %dma_start3A_59] : memref<79x128xi32, #tpu.memory_space<vmem>> -> memref<78x128xi32, #tpu.memory_space<vmem>>
      tpu.enqueue_dma source(%dma_start3A_60 : memref<78x128xi32, #tpu.memory_space<vmem>>) target(%dma_start3A_57 : memref<78x128xi32, #tpu.memory_space<hbm>>) target_semaphore(%run_scoped3A : memref<!tpu.dma_semaphore, #tpu.memory_space<semaphore_mem>>)
      %dma_wait3A = arith.constant 0 : i32
      %dma_wait3A_61 = arith.constant 0 : i32
      %dma_wait3A_62 = tpu.memref_slice %arg9[%dma_wait3A, %dma_wait3A_61] : memref<79x128xi32, #tpu.memory_space<vmem>> -> memref<78x128xi32, #tpu.memory_space<vmem>>
      %dma_wait3A_63 = arith.constant 0 : i32
      %dma_wait3A_64 = tpu.memref_slice %arg6[%add3A_4, %dma_wait3A_63] : memref<2500x128xi32, #tpu.memory_space<hbm>> -> memref<78x128xi32, #tpu.memory_space<hbm>>
      %dma_wait3A_65 = arith.constant 0 : i32
      %dma_wait3A_66 = tpu.memref_slice %arg6[%add3A_4, %dma_wait3A_65] : memref<2500x128xi32, #tpu.memory_space<hbm>> -> memref<78x128xi32, #tpu.memory_space<hbm>>
      %dma_wait3A_67 = arith.constant 0 : i32
      %dma_wait3A_68 = arith.constant 0 : i32
      %dma_wait3A_69 = tpu.memref_slice %arg9[%dma_wait3A_67, %dma_wait3A_68] : memref<79x128xi32, #tpu.memory_space<vmem>> -> memref<78x128xi32, #tpu.memory_space<vmem>>
      tpu.wait_dma2 semaphore(%run_scoped3A : memref<!tpu.dma_semaphore, #tpu.memory_space<semaphore_mem>>) src(%dma_wait3A_69 : memref<78x128xi32, #tpu.memory_space<vmem>>) dst(%dma_wait3A_66 : memref<78x128xi32, #tpu.memory_space<hbm>>)
      tpu.yield
    }) : () -> ()
    %eq3A_42 = arith.constant 79 : i32
    %eq3A_43 = arith.cmpi eq, %add3A_8, %eq3A_42 : i32
    %convert_element_type3A_44 = arith.extui %eq3A_43 : i1 to i32
    %cond3A_45 = arith.constant 0 : i32
    %cond3A_46 = arith.cmpi ne, %convert_element_type3A_44, %cond3A_45 : i32
    scf.if %cond3A_46 {
      %add3A_52 = arith.constant 79 : i32
      %add3A_53 = arith.addi %add3A_4, %add3A_52 : i32
      %sub3A = arith.constant 1 : i32
      %sub3A_54 = arith.subi %add3A_53, %sub3A : i32
      "tpu.region"() ({
        %run_scoped3A = tpu.sem_alloc : memref<!tpu.dma_semaphore, #tpu.memory_space<semaphore_mem>>
        %dma_start3A = arith.constant 78 : i32
        %dma_start3A_59 = arith.constant 0 : i32
        %dma_start3A_60 = tpu.memref_slice %arg7[%dma_start3A, %dma_start3A_59] : memref<79x128xi32, #tpu.memory_space<vmem>> -> memref<1x128xi32, #tpu.memory_space<vmem>>
        %dma_start3A_61 = arith.constant 0 : i32
        %dma_start3A_62 = tpu.memref_slice %arg5[%sub3A_54, %dma_start3A_61] : memref<2500x128xi32, #tpu.memory_space<hbm>> -> memref<1x128xi32, #tpu.memory_space<hbm>>
        %dma_start3A_63 = arith.constant 0 : i32
        %dma_start3A_64 = tpu.memref_slice %arg5[%sub3A_54, %dma_start3A_63] : memref<2500x128xi32, #tpu.memory_space<hbm>> -> memref<1x128xi32, #tpu.memory_space<hbm>>
        %dma_start3A_65 = arith.constant 78 : i32
        %dma_start3A_66 = arith.constant 0 : i32
        %dma_start3A_67 = tpu.memref_slice %arg7[%dma_start3A_65, %dma_start3A_66] : memref<79x128xi32, #tpu.memory_space<vmem>> -> memref<1x128xi32, #tpu.memory_space<vmem>>
        tpu.enqueue_dma source(%dma_start3A_67 : memref<1x128xi32, #tpu.memory_space<vmem>>) target(%dma_start3A_64 : memref<1x128xi32, #tpu.memory_space<hbm>>) target_semaphore(%run_scoped3A : memref<!tpu.dma_semaphore, #tpu.memory_space<semaphore_mem>>)
        %dma_wait3A = arith.constant 78 : i32
        %dma_wait3A_68 = arith.constant 0 : i32
        %dma_wait3A_69 = tpu.memref_slice %arg7[%dma_wait3A, %dma_wait3A_68] : memref<79x128xi32, #tpu.memory_space<vmem>> -> memref<1x128xi32, #tpu.memory_space<vmem>>
        %dma_wait3A_70 = arith.constant 0 : i32
        %dma_wait3A_71 = tpu.memref_slice %arg5[%sub3A_54, %dma_wait3A_70] : memref<2500x128xi32, #tpu.memory_space<hbm>> -> memref<1x128xi32, #tpu.memory_space<hbm>>
        %dma_wait3A_72 = arith.constant 0 : i32
        %dma_wait3A_73 = tpu.memref_slice %arg5[%sub3A_54, %dma_wait3A_72] : memref<2500x128xi32, #tpu.memory_space<hbm>> -> memref<1x128xi32, #tpu.memory_space<hbm>>
        %dma_wait3A_74 = arith.constant 78 : i32
        %dma_wait3A_75 = arith.constant 0 : i32
        %dma_wait3A_76 = tpu.memref_slice %arg7[%dma_wait3A_74, %dma_wait3A_75] : memref<79x128xi32, #tpu.memory_space<vmem>> -> memref<1x128xi32, #tpu.memory_space<vmem>>
        tpu.wait_dma2 semaphore(%run_scoped3A : memref<!tpu.dma_semaphore, #tpu.memory_space<semaphore_mem>>) src(%dma_wait3A_76 : memref<1x128xi32, #tpu.memory_space<vmem>>) dst(%dma_wait3A_73 : memref<1x128xi32, #tpu.memory_space<hbm>>)
        tpu.yield
      }) : () -> ()
      %add3A_55 = arith.constant 79 : i32
      %add3A_56 = arith.addi %add3A_4, %add3A_55 : i32
      %sub3A_57 = arith.constant 1 : i32
      %sub3A_58 = arith.subi %add3A_56, %sub3A_57 : i32
      "tpu.region"() ({
        %run_scoped3A = tpu.sem_alloc : memref<!tpu.dma_semaphore, #tpu.memory_space<semaphore_mem>>
        %dma_start3A = arith.constant 78 : i32
        %dma_start3A_59 = arith.constant 0 : i32
        %dma_start3A_60 = tpu.memref_slice %arg9[%dma_start3A, %dma_start3A_59] : memref<79x128xi32, #tpu.memory_space<vmem>> -> memref<1x128xi32, #tpu.memory_space<vmem>>
        %dma_start3A_61 = arith.constant 0 : i32
        %dma_start3A_62 = tpu.memref_slice %arg6[%sub3A_58, %dma_start3A_61] : memref<2500x128xi32, #tpu.memory_space<hbm>> -> memref<1x128xi32, #tpu.memory_space<hbm>>
        %dma_start3A_63 = arith.constant 0 : i32
        %dma_start3A_64 = tpu.memref_slice %arg6[%sub3A_58, %dma_start3A_63] : memref<2500x128xi32, #tpu.memory_space<hbm>> -> memref<1x128xi32, #tpu.memory_space<hbm>>
        %dma_start3A_65 = arith.constant 78 : i32
        %dma_start3A_66 = arith.constant 0 : i32
        %dma_start3A_67 = tpu.memref_slice %arg9[%dma_start3A_65, %dma_start3A_66] : memref<79x128xi32, #tpu.memory_space<vmem>> -> memref<1x128xi32, #tpu.memory_space<vmem>>
        tpu.enqueue_dma source(%dma_start3A_67 : memref<1x128xi32, #tpu.memory_space<vmem>>) target(%dma_start3A_64 : memref<1x128xi32, #tpu.memory_space<hbm>>) target_semaphore(%run_scoped3A : memref<!tpu.dma_semaphore, #tpu.memory_space<semaphore_mem>>)
        %dma_wait3A = arith.constant 78 : i32
        %dma_wait3A_68 = arith.constant 0 : i32
        %dma_wait3A_69 = tpu.memref_slice %arg9[%dma_wait3A, %dma_wait3A_68] : memref<79x128xi32, #tpu.memory_space<vmem>> -> memref<1x128xi32, #tpu.memory_space<vmem>>
        %dma_wait3A_70 = arith.constant 0 : i32
        %dma_wait3A_71 = tpu.memref_slice %arg6[%sub3A_58, %dma_wait3A_70] : memref<2500x128xi32, #tpu.memory_space<hbm>> -> memref<1x128xi32, #tpu.memory_space<hbm>>
        %dma_wait3A_72 = arith.constant 0 : i32
        %dma_wait3A_73 = tpu.memref_slice %arg6[%sub3A_58, %dma_wait3A_72] : memref<2500x128xi32, #tpu.memory_space<hbm>> -> memref<1x128xi32, #tpu.memory_space<hbm>>
        %dma_wait3A_74 = arith.constant 78 : i32
        %dma_wait3A_75 = arith.constant 0 : i32
        %dma_wait3A_76 = tpu.memref_slice %arg9[%dma_wait3A_74, %dma_wait3A_75] : memref<79x128xi32, #tpu.memory_space<vmem>> -> memref<1x128xi32, #tpu.memory_space<vmem>>
        tpu.wait_dma2 semaphore(%run_scoped3A : memref<!tpu.dma_semaphore, #tpu.memory_space<semaphore_mem>>) src(%dma_wait3A_76 : memref<1x128xi32, #tpu.memory_space<vmem>>) dst(%dma_wait3A_73 : memref<1x128xi32, #tpu.memory_space<hbm>>)
        tpu.yield
      }) : () -> ()
    } else {
    }
    %barrier3A_47 = arith.constant 0 : index
    tpu.barrier barrier_id(%barrier3A_47)
    %mul3A_48 = arith.constant 625 : i32
    %mul3A_49 = arith.muli %arg1, %mul3A_48 : i32
    %mul3A_50 = arith.constant 625 : i32
    %mul3A_51 = arith.muli %arg1, %mul3A_50 : i32
    "tpu.region"() ({
      %run_scoped3A = tpu.sem_alloc : memref<!tpu.dma_semaphore, #tpu.memory_space<semaphore_mem>>
      %dma_start3A = arith.constant 0 : i32
      %dma_start3A_52 = arith.constant 0 : i32
      %dma_start3A_53 = tpu.memref_slice %arg4[%arg0, %dma_start3A, %dma_start3A_52] : memref<2x10000x16xf32, #tpu.memory_space<hbm>> -> memref<1x10000x16xf32, #tpu.memory_space<hbm>>
      %dma_start3A_54 = tpu.memref_squeeze %dma_start3A_53 : memref<1x10000x16xf32, #tpu.memory_space<hbm>> -> memref<10000x16xf32, #tpu.memory_space<hbm>>
      %dma_start3A_55 = arith.constant 0 : i32
      %dma_start3A_56 = tpu.memref_slice %dma_start3A_54[%mul3A_51, %dma_start3A_55] : memref<10000x16xf32, #tpu.memory_space<hbm>> -> memref<625x16xf32, #tpu.memory_space<hbm>>
      %dma_start3A_57 = arith.constant 0 : i32
      %dma_start3A_58 = tpu.memref_slice %arg11[%mul3A_49, %dma_start3A_57] : memref<10000x16xf32, #tpu.memory_space<vmem_shared>> -> memref<625x16xf32, #tpu.memory_space<vmem_shared>>
      tpu.enqueue_dma source(%dma_start3A_58 : memref<625x16xf32, #tpu.memory_space<vmem_shared>>) target(%dma_start3A_56 : memref<625x16xf32, #tpu.memory_space<hbm>>) target_semaphore(%run_scoped3A : memref<!tpu.dma_semaphore, #tpu.memory_space<semaphore_mem>>)
      %dma_wait3A = arith.constant 0 : i32
      %dma_wait3A_59 = arith.constant 0 : i32
      %dma_wait3A_60 = tpu.memref_slice %arg4[%arg0, %dma_wait3A, %dma_wait3A_59] : memref<2x10000x16xf32, #tpu.memory_space<hbm>> -> memref<1x10000x16xf32, #tpu.memory_space<hbm>>
      %dma_wait3A_61 = tpu.memref_squeeze %dma_wait3A_60 : memref<1x10000x16xf32, #tpu.memory_space<hbm>> -> memref<10000x16xf32, #tpu.memory_space<hbm>>
      %dma_wait3A_62 = arith.constant 0 : i32
      %dma_wait3A_63 = tpu.memref_slice %dma_wait3A_61[%mul3A_51, %dma_wait3A_62] : memref<10000x16xf32, #tpu.memory_space<hbm>> -> memref<625x16xf32, #tpu.memory_space<hbm>>
      %dma_wait3A_64 = arith.constant 0 : i32
      %dma_wait3A_65 = tpu.memref_slice %arg11[%mul3A_49, %dma_wait3A_64] : memref<10000x16xf32, #tpu.memory_space<vmem_shared>> -> memref<625x16xf32, #tpu.memory_space<vmem_shared>>
      tpu.wait_dma2 semaphore(%run_scoped3A : memref<!tpu.dma_semaphore, #tpu.memory_space<semaphore_mem>>) src(%dma_wait3A_65 : memref<625x16xf32, #tpu.memory_space<vmem_shared>>) dst(%dma_wait3A_63 : memref<625x16xf32, #tpu.memory_space<hbm>>)
      tpu.yield
    }) : () -> ()
    return
  }
}

#map = affine_map<(d0, d1) -> (0, 0)>
#map1 = affine_map<(d0, d1) -> (0, 0, 0)>
module attributes {stable_mosaic.version = 14 : i64} {
  func.func @agg_kernel(%arg0: i32, %arg1: i32, %arg2: memref<10000x64xf32, #tpu.memory_space<hbm>>, %arg3: memref<2500x128xi32, #tpu.memory_space<hbm>>, %arg4: memref<2500x128xi32, #tpu.memory_space<hbm>>, %arg5: memref<10000x64xf32, #tpu.memory_space<hbm>>, %arg6: memref<2x10000x64xf32, #tpu.memory_space<hbm>>, %arg7: memref<79x128xi32, #tpu.memory_space<vmem>>, %arg8: memref<79x128xi32, #tpu.memory_space<vmem>>, %arg9: memref<8x128x64xf32, #tpu.memory_space<vmem>>, %arg10: memref<10000x64xf32, #tpu.memory_space<vmem_shared>>, %arg11: memref<!tpu.dma_semaphore, #tpu.memory_space<semaphore_mem>>, %arg12: memref<!tpu.dma_semaphore, #tpu.memory_space<semaphore_mem>>) attributes {dimension_semantics = [#tpu.dimension_semantics<core_parallel>, #tpu.dimension_semantics<subcore_parallel>], iteration_bounds = array<i64: 2, 16>, scalar_prefetch = 0 : i64, scratch_operands = 6 : i64, tpu.core_type = #tpu.core_type<sc_vector_subcore>, window_params = [{transform_indices = #map}, {transform_indices = #map}, {transform_indices = #map}, {transform_indices = #map}, {transform_indices = #map1}]} {
    %mul3A = arith.constant 16 : i32
    %mul3A_0 = arith.muli %arg0, %mul3A : i32
    %add3A = arith.addi %mul3A_0, %arg1 : i32
    %mul3A_1 = arith.constant 78 : i32
    %mul3A_2 = arith.muli %mul3A_1, %add3A : i32
    %min3A = arith.constant 4 : i32
    %min3A_3 = arith.minsi %add3A, %min3A : i32
    %add3A_4 = arith.addi %mul3A_2, %min3A_3 : i32
    %lt3A = arith.constant 4 : i32
    %lt3A_5 = arith.cmpi slt, %add3A, %lt3A : i32
    %jit3A = arith.constant 1 : i32
    %jit3A_6 = arith.constant 0 : i32
    %select_n3A = arith.select %lt3A_5, %jit3A, %jit3A_6 : i32
    %add3A_7 = arith.constant 78 : i32
    %add3A_8 = arith.addi %add3A_7, %select_n3A : i32
    "tpu.region"() ({
      %run_scoped3A = tpu.sem_alloc : memref<!tpu.dma_semaphore, #tpu.memory_space<semaphore_mem>>
      %dma_start3A_132 = arith.constant 0 : i32
      %dma_start3A_133 = arith.constant 0 : i32
      %dma_start3A_134 = tpu.memref_slice %arg7[%dma_start3A_132, %dma_start3A_133] : memref<79x128xi32, #tpu.memory_space<vmem>> -> memref<78x128xi32, #tpu.memory_space<vmem>>
      %dma_start3A_135 = arith.constant 0 : i32
      %dma_start3A_136 = tpu.memref_slice %arg3[%add3A_4, %dma_start3A_135] : memref<2500x128xi32, #tpu.memory_space<hbm>> -> memref<78x128xi32, #tpu.memory_space<hbm>>
      %dma_start3A_137 = arith.constant 0 : i32
      %dma_start3A_138 = arith.constant 0 : i32
      %dma_start3A_139 = tpu.memref_slice %arg7[%dma_start3A_137, %dma_start3A_138] : memref<79x128xi32, #tpu.memory_space<vmem>> -> memref<78x128xi32, #tpu.memory_space<vmem>>
      %dma_start3A_140 = arith.constant 0 : i32
      %dma_start3A_141 = tpu.memref_slice %arg3[%add3A_4, %dma_start3A_140] : memref<2500x128xi32, #tpu.memory_space<hbm>> -> memref<78x128xi32, #tpu.memory_space<hbm>>
      tpu.enqueue_dma source(%dma_start3A_141 : memref<78x128xi32, #tpu.memory_space<hbm>>) target(%dma_start3A_139 : memref<78x128xi32, #tpu.memory_space<vmem>>) target_semaphore(%run_scoped3A : memref<!tpu.dma_semaphore, #tpu.memory_space<semaphore_mem>>)
      %dma_wait3A = arith.constant 0 : i32
      %dma_wait3A_142 = arith.constant 0 : i32
      %dma_wait3A_143 = tpu.memref_slice %arg7[%dma_wait3A, %dma_wait3A_142] : memref<79x128xi32, #tpu.memory_space<vmem>> -> memref<78x128xi32, #tpu.memory_space<vmem>>
      %dma_wait3A_144 = arith.constant 0 : i32
      %dma_wait3A_145 = tpu.memref_slice %arg3[%add3A_4, %dma_wait3A_144] : memref<2500x128xi32, #tpu.memory_space<hbm>> -> memref<78x128xi32, #tpu.memory_space<hbm>>
      %dma_wait3A_146 = arith.constant 0 : i32
      %dma_wait3A_147 = arith.constant 0 : i32
      %dma_wait3A_148 = tpu.memref_slice %arg7[%dma_wait3A_146, %dma_wait3A_147] : memref<79x128xi32, #tpu.memory_space<vmem>> -> memref<78x128xi32, #tpu.memory_space<vmem>>
      %dma_wait3A_149 = arith.constant 0 : i32
      %dma_wait3A_150 = tpu.memref_slice %arg3[%add3A_4, %dma_wait3A_149] : memref<2500x128xi32, #tpu.memory_space<hbm>> -> memref<78x128xi32, #tpu.memory_space<hbm>>
      tpu.wait_dma2 semaphore(%run_scoped3A : memref<!tpu.dma_semaphore, #tpu.memory_space<semaphore_mem>>) src(%dma_wait3A_150 : memref<78x128xi32, #tpu.memory_space<hbm>>) dst(%dma_wait3A_148 : memref<78x128xi32, #tpu.memory_space<vmem>>)
      tpu.yield
    }) : () -> ()
    "tpu.region"() ({
      %run_scoped3A = tpu.sem_alloc : memref<!tpu.dma_semaphore, #tpu.memory_space<semaphore_mem>>
      %dma_start3A_132 = arith.constant 0 : i32
      %dma_start3A_133 = arith.constant 0 : i32
      %dma_start3A_134 = tpu.memref_slice %arg8[%dma_start3A_132, %dma_start3A_133] : memref<79x128xi32, #tpu.memory_space<vmem>> -> memref<78x128xi32, #tpu.memory_space<vmem>>
      %dma_start3A_135 = arith.constant 0 : i32
      %dma_start3A_136 = tpu.memref_slice %arg4[%add3A_4, %dma_start3A_135] : memref<2500x128xi32, #tpu.memory_space<hbm>> -> memref<78x128xi32, #tpu.memory_space<hbm>>
      %dma_start3A_137 = arith.constant 0 : i32
      %dma_start3A_138 = arith.constant 0 : i32
      %dma_start3A_139 = tpu.memref_slice %arg8[%dma_start3A_137, %dma_start3A_138] : memref<79x128xi32, #tpu.memory_space<vmem>> -> memref<78x128xi32, #tpu.memory_space<vmem>>
      %dma_start3A_140 = arith.constant 0 : i32
      %dma_start3A_141 = tpu.memref_slice %arg4[%add3A_4, %dma_start3A_140] : memref<2500x128xi32, #tpu.memory_space<hbm>> -> memref<78x128xi32, #tpu.memory_space<hbm>>
      tpu.enqueue_dma source(%dma_start3A_141 : memref<78x128xi32, #tpu.memory_space<hbm>>) target(%dma_start3A_139 : memref<78x128xi32, #tpu.memory_space<vmem>>) target_semaphore(%run_scoped3A : memref<!tpu.dma_semaphore, #tpu.memory_space<semaphore_mem>>)
      %dma_wait3A = arith.constant 0 : i32
      %dma_wait3A_142 = arith.constant 0 : i32
      %dma_wait3A_143 = tpu.memref_slice %arg8[%dma_wait3A, %dma_wait3A_142] : memref<79x128xi32, #tpu.memory_space<vmem>> -> memref<78x128xi32, #tpu.memory_space<vmem>>
      %dma_wait3A_144 = arith.constant 0 : i32
      %dma_wait3A_145 = tpu.memref_slice %arg4[%add3A_4, %dma_wait3A_144] : memref<2500x128xi32, #tpu.memory_space<hbm>> -> memref<78x128xi32, #tpu.memory_space<hbm>>
      %dma_wait3A_146 = arith.constant 0 : i32
      %dma_wait3A_147 = arith.constant 0 : i32
      %dma_wait3A_148 = tpu.memref_slice %arg8[%dma_wait3A_146, %dma_wait3A_147] : memref<79x128xi32, #tpu.memory_space<vmem>> -> memref<78x128xi32, #tpu.memory_space<vmem>>
      %dma_wait3A_149 = arith.constant 0 : i32
      %dma_wait3A_150 = tpu.memref_slice %arg4[%add3A_4, %dma_wait3A_149] : memref<2500x128xi32, #tpu.memory_space<hbm>> -> memref<78x128xi32, #tpu.memory_space<hbm>>
      tpu.wait_dma2 semaphore(%run_scoped3A : memref<!tpu.dma_semaphore, #tpu.memory_space<semaphore_mem>>) src(%dma_wait3A_150 : memref<78x128xi32, #tpu.memory_space<hbm>>) dst(%dma_wait3A_148 : memref<78x128xi32, #tpu.memory_space<vmem>>)
      tpu.yield
    }) : () -> ()
    %eq3A = arith.constant 79 : i32
    %eq3A_9 = arith.cmpi eq, %add3A_8, %eq3A : i32
    %convert_element_type3A = arith.extui %eq3A_9 : i1 to i32
    %cond3A = arith.constant 0 : i32
    %cond3A_10 = arith.cmpi ne, %convert_element_type3A, %cond3A : i32
    scf.if %cond3A_10 {
      %add3A_132 = arith.constant 79 : i32
      %add3A_133 = arith.addi %add3A_4, %add3A_132 : i32
      %sub3A = arith.constant 1 : i32
      %sub3A_134 = arith.subi %add3A_133, %sub3A : i32
      "tpu.region"() ({
        %run_scoped3A = tpu.sem_alloc : memref<!tpu.dma_semaphore, #tpu.memory_space<semaphore_mem>>
        %dma_start3A_139 = arith.constant 78 : i32
        %dma_start3A_140 = arith.constant 0 : i32
        %dma_start3A_141 = tpu.memref_slice %arg7[%dma_start3A_139, %dma_start3A_140] : memref<79x128xi32, #tpu.memory_space<vmem>> -> memref<1x128xi32, #tpu.memory_space<vmem>>
        %dma_start3A_142 = arith.constant 0 : i32
        %dma_start3A_143 = tpu.memref_slice %arg3[%sub3A_134, %dma_start3A_142] : memref<2500x128xi32, #tpu.memory_space<hbm>> -> memref<1x128xi32, #tpu.memory_space<hbm>>
        %dma_start3A_144 = arith.constant 78 : i32
        %dma_start3A_145 = arith.constant 0 : i32
        %dma_start3A_146 = tpu.memref_slice %arg7[%dma_start3A_144, %dma_start3A_145] : memref<79x128xi32, #tpu.memory_space<vmem>> -> memref<1x128xi32, #tpu.memory_space<vmem>>
        %dma_start3A_147 = arith.constant 0 : i32
        %dma_start3A_148 = tpu.memref_slice %arg3[%sub3A_134, %dma_start3A_147] : memref<2500x128xi32, #tpu.memory_space<hbm>> -> memref<1x128xi32, #tpu.memory_space<hbm>>
        tpu.enqueue_dma source(%dma_start3A_148 : memref<1x128xi32, #tpu.memory_space<hbm>>) target(%dma_start3A_146 : memref<1x128xi32, #tpu.memory_space<vmem>>) target_semaphore(%run_scoped3A : memref<!tpu.dma_semaphore, #tpu.memory_space<semaphore_mem>>)
        %dma_wait3A = arith.constant 78 : i32
        %dma_wait3A_149 = arith.constant 0 : i32
        %dma_wait3A_150 = tpu.memref_slice %arg7[%dma_wait3A, %dma_wait3A_149] : memref<79x128xi32, #tpu.memory_space<vmem>> -> memref<1x128xi32, #tpu.memory_space<vmem>>
        %dma_wait3A_151 = arith.constant 0 : i32
        %dma_wait3A_152 = tpu.memref_slice %arg3[%sub3A_134, %dma_wait3A_151] : memref<2500x128xi32, #tpu.memory_space<hbm>> -> memref<1x128xi32, #tpu.memory_space<hbm>>
        %dma_wait3A_153 = arith.constant 78 : i32
        %dma_wait3A_154 = arith.constant 0 : i32
        %dma_wait3A_155 = tpu.memref_slice %arg7[%dma_wait3A_153, %dma_wait3A_154] : memref<79x128xi32, #tpu.memory_space<vmem>> -> memref<1x128xi32, #tpu.memory_space<vmem>>
        %dma_wait3A_156 = arith.constant 0 : i32
        %dma_wait3A_157 = tpu.memref_slice %arg3[%sub3A_134, %dma_wait3A_156] : memref<2500x128xi32, #tpu.memory_space<hbm>> -> memref<1x128xi32, #tpu.memory_space<hbm>>
        tpu.wait_dma2 semaphore(%run_scoped3A : memref<!tpu.dma_semaphore, #tpu.memory_space<semaphore_mem>>) src(%dma_wait3A_157 : memref<1x128xi32, #tpu.memory_space<hbm>>) dst(%dma_wait3A_155 : memref<1x128xi32, #tpu.memory_space<vmem>>)
        tpu.yield
      }) : () -> ()
      %add3A_135 = arith.constant 79 : i32
      %add3A_136 = arith.addi %add3A_4, %add3A_135 : i32
      %sub3A_137 = arith.constant 1 : i32
      %sub3A_138 = arith.subi %add3A_136, %sub3A_137 : i32
      "tpu.region"() ({
        %run_scoped3A = tpu.sem_alloc : memref<!tpu.dma_semaphore, #tpu.memory_space<semaphore_mem>>
        %dma_start3A_139 = arith.constant 78 : i32
        %dma_start3A_140 = arith.constant 0 : i32
        %dma_start3A_141 = tpu.memref_slice %arg8[%dma_start3A_139, %dma_start3A_140] : memref<79x128xi32, #tpu.memory_space<vmem>> -> memref<1x128xi32, #tpu.memory_space<vmem>>
        %dma_start3A_142 = arith.constant 0 : i32
        %dma_start3A_143 = tpu.memref_slice %arg4[%sub3A_138, %dma_start3A_142] : memref<2500x128xi32, #tpu.memory_space<hbm>> -> memref<1x128xi32, #tpu.memory_space<hbm>>
        %dma_start3A_144 = arith.constant 78 : i32
        %dma_start3A_145 = arith.constant 0 : i32
        %dma_start3A_146 = tpu.memref_slice %arg8[%dma_start3A_144, %dma_start3A_145] : memref<79x128xi32, #tpu.memory_space<vmem>> -> memref<1x128xi32, #tpu.memory_space<vmem>>
        %dma_start3A_147 = arith.constant 0 : i32
        %dma_start3A_148 = tpu.memref_slice %arg4[%sub3A_138, %dma_start3A_147] : memref<2500x128xi32, #tpu.memory_space<hbm>> -> memref<1x128xi32, #tpu.memory_space<hbm>>
        tpu.enqueue_dma source(%dma_start3A_148 : memref<1x128xi32, #tpu.memory_space<hbm>>) target(%dma_start3A_146 : memref<1x128xi32, #tpu.memory_space<vmem>>) target_semaphore(%run_scoped3A : memref<!tpu.dma_semaphore, #tpu.memory_space<semaphore_mem>>)
        %dma_wait3A = arith.constant 78 : i32
        %dma_wait3A_149 = arith.constant 0 : i32
        %dma_wait3A_150 = tpu.memref_slice %arg8[%dma_wait3A, %dma_wait3A_149] : memref<79x128xi32, #tpu.memory_space<vmem>> -> memref<1x128xi32, #tpu.memory_space<vmem>>
        %dma_wait3A_151 = arith.constant 0 : i32
        %dma_wait3A_152 = tpu.memref_slice %arg4[%sub3A_138, %dma_wait3A_151] : memref<2500x128xi32, #tpu.memory_space<hbm>> -> memref<1x128xi32, #tpu.memory_space<hbm>>
        %dma_wait3A_153 = arith.constant 78 : i32
        %dma_wait3A_154 = arith.constant 0 : i32
        %dma_wait3A_155 = tpu.memref_slice %arg8[%dma_wait3A_153, %dma_wait3A_154] : memref<79x128xi32, #tpu.memory_space<vmem>> -> memref<1x128xi32, #tpu.memory_space<vmem>>
        %dma_wait3A_156 = arith.constant 0 : i32
        %dma_wait3A_157 = tpu.memref_slice %arg4[%sub3A_138, %dma_wait3A_156] : memref<2500x128xi32, #tpu.memory_space<hbm>> -> memref<1x128xi32, #tpu.memory_space<hbm>>
        tpu.wait_dma2 semaphore(%run_scoped3A : memref<!tpu.dma_semaphore, #tpu.memory_space<semaphore_mem>>) src(%dma_wait3A_157 : memref<1x128xi32, #tpu.memory_space<hbm>>) dst(%dma_wait3A_155 : memref<1x128xi32, #tpu.memory_space<vmem>>)
        tpu.yield
      }) : () -> ()
    } else {
    }
    %mul3A_11 = arith.constant 625 : i32
    %mul3A_12 = arith.muli %arg1, %mul3A_11 : i32
    %mul3A_13 = arith.constant 625 : i32
    %mul3A_14 = arith.muli %arg1, %mul3A_13 : i32
    "tpu.region"() ({
      %run_scoped3A = tpu.sem_alloc : memref<!tpu.dma_semaphore, #tpu.memory_space<semaphore_mem>>
      %dma_start3A_132 = arith.constant 0 : i32
      %dma_start3A_133 = tpu.memref_slice %arg10[%mul3A_14, %dma_start3A_132] : memref<10000x64xf32, #tpu.memory_space<vmem_shared>> -> memref<625x64xf32, #tpu.memory_space<vmem_shared>>
      %dma_start3A_134 = arith.constant 0 : i32
      %dma_start3A_135 = tpu.memref_slice %arg5[%mul3A_12, %dma_start3A_134] : memref<10000x64xf32, #tpu.memory_space<hbm>> -> memref<625x64xf32, #tpu.memory_space<hbm>>
      tpu.enqueue_dma source(%dma_start3A_135 : memref<625x64xf32, #tpu.memory_space<hbm>>) target(%dma_start3A_133 : memref<625x64xf32, #tpu.memory_space<vmem_shared>>) target_semaphore(%run_scoped3A : memref<!tpu.dma_semaphore, #tpu.memory_space<semaphore_mem>>)
      %dma_wait3A = arith.constant 0 : i32
      %dma_wait3A_136 = tpu.memref_slice %arg10[%mul3A_14, %dma_wait3A] : memref<10000x64xf32, #tpu.memory_space<vmem_shared>> -> memref<625x64xf32, #tpu.memory_space<vmem_shared>>
      %dma_wait3A_137 = arith.constant 0 : i32
      %dma_wait3A_138 = tpu.memref_slice %arg5[%mul3A_12, %dma_wait3A_137] : memref<10000x64xf32, #tpu.memory_space<hbm>> -> memref<625x64xf32, #tpu.memory_space<hbm>>
      tpu.wait_dma2 semaphore(%run_scoped3A : memref<!tpu.dma_semaphore, #tpu.memory_space<semaphore_mem>>) src(%dma_wait3A_138 : memref<625x64xf32, #tpu.memory_space<hbm>>) dst(%dma_wait3A_136 : memref<625x64xf32, #tpu.memory_space<vmem_shared>>)
      tpu.yield
    }) : () -> ()
    %barrier3A = arith.constant 0 : index
    tpu.barrier barrier_id(%barrier3A)
    %dma_start3A = arith.constant 0 : i32
    %dma_start3A_15 = arith.constant 0 : i32
    %dma_start3A_16 = arith.constant 0 : i32
    %dma_start3A_17 = arith.constant 0 : i32
    %dma_start3A_18 = tpu.memref_slice %arg9[%dma_start3A_15, %dma_start3A_16, %dma_start3A_17] : memref<8x128x64xf32, #tpu.memory_space<vmem>> -> memref<1x128x64xf32, #tpu.memory_space<vmem>>
    %dma_start3A_19 = tpu.memref_squeeze %dma_start3A_18 : memref<1x128x64xf32, #tpu.memory_space<vmem>> -> memref<128x64xf32, #tpu.memory_space<vmem>>
    %dma_start3A_20 = arith.constant 0 : i32
    %dma_start3A_21 = tpu.memref_slice %arg7[%dma_start3A, %dma_start3A_20] : memref<79x128xi32, #tpu.memory_space<vmem>> -> memref<1x128xi32, #tpu.memory_space<vmem>>
    %dma_start3A_22 = tpu.memref_squeeze %dma_start3A_21 : memref<1x128xi32, #tpu.memory_space<vmem>> -> memref<128xi32, #tpu.memory_space<vmem>>
    %dma_start3A_23 = arith.constant 0 : i32
    %dma_start3A_24 = arith.constant 0 : i32
    %dma_start3A_25 = tpu.memref_slice %arg2[%dma_start3A_23, %dma_start3A_24] : memref<10000x64xf32, #tpu.memory_space<hbm>> -> memref<10000x64xf32, #tpu.memory_space<hbm>>
    tpu.enqueue_indirect_dma source(%dma_start3A_25 : memref<10000x64xf32, #tpu.memory_space<hbm>>) target(%dma_start3A_19 : memref<128x64xf32, #tpu.memory_space<vmem>>) offsets(%dma_start3A_22 : memref<128xi32, #tpu.memory_space<vmem>>) semaphore(%arg11 : memref<!tpu.dma_semaphore, #tpu.memory_space<semaphore_mem>>)
    %dma_start3A_26 = arith.constant 1 : i32
    %dma_start3A_27 = arith.constant 1 : i32
    %dma_start3A_28 = arith.constant 0 : i32
    %dma_start3A_29 = arith.constant 0 : i32
    %dma_start3A_30 = tpu.memref_slice %arg9[%dma_start3A_27, %dma_start3A_28, %dma_start3A_29] : memref<8x128x64xf32, #tpu.memory_space<vmem>> -> memref<1x128x64xf32, #tpu.memory_space<vmem>>
    %dma_start3A_31 = tpu.memref_squeeze %dma_start3A_30 : memref<1x128x64xf32, #tpu.memory_space<vmem>> -> memref<128x64xf32, #tpu.memory_space<vmem>>
    %dma_start3A_32 = arith.constant 0 : i32
    %dma_start3A_33 = tpu.memref_slice %arg7[%dma_start3A_26, %dma_start3A_32] : memref<79x128xi32, #tpu.memory_space<vmem>> -> memref<1x128xi32, #tpu.memory_space<vmem>>
    %dma_start3A_34 = tpu.memref_squeeze %dma_start3A_33 : memref<1x128xi32, #tpu.memory_space<vmem>> -> memref<128xi32, #tpu.memory_space<vmem>>
    %dma_start3A_35 = arith.constant 0 : i32
    %dma_start3A_36 = arith.constant 0 : i32
    %dma_start3A_37 = tpu.memref_slice %arg2[%dma_start3A_35, %dma_start3A_36] : memref<10000x64xf32, #tpu.memory_space<hbm>> -> memref<10000x64xf32, #tpu.memory_space<hbm>>
    tpu.enqueue_indirect_dma source(%dma_start3A_37 : memref<10000x64xf32, #tpu.memory_space<hbm>>) target(%dma_start3A_31 : memref<128x64xf32, #tpu.memory_space<vmem>>) offsets(%dma_start3A_34 : memref<128xi32, #tpu.memory_space<vmem>>) semaphore(%arg11 : memref<!tpu.dma_semaphore, #tpu.memory_space<semaphore_mem>>)
    %dma_start3A_38 = arith.constant 2 : i32
    %dma_start3A_39 = arith.constant 2 : i32
    %dma_start3A_40 = arith.constant 0 : i32
    %dma_start3A_41 = arith.constant 0 : i32
    %dma_start3A_42 = tpu.memref_slice %arg9[%dma_start3A_39, %dma_start3A_40, %dma_start3A_41] : memref<8x128x64xf32, #tpu.memory_space<vmem>> -> memref<1x128x64xf32, #tpu.memory_space<vmem>>
    %dma_start3A_43 = tpu.memref_squeeze %dma_start3A_42 : memref<1x128x64xf32, #tpu.memory_space<vmem>> -> memref<128x64xf32, #tpu.memory_space<vmem>>
    %dma_start3A_44 = arith.constant 0 : i32
    %dma_start3A_45 = tpu.memref_slice %arg7[%dma_start3A_38, %dma_start3A_44] : memref<79x128xi32, #tpu.memory_space<vmem>> -> memref<1x128xi32, #tpu.memory_space<vmem>>
    %dma_start3A_46 = tpu.memref_squeeze %dma_start3A_45 : memref<1x128xi32, #tpu.memory_space<vmem>> -> memref<128xi32, #tpu.memory_space<vmem>>
    %dma_start3A_47 = arith.constant 0 : i32
    %dma_start3A_48 = arith.constant 0 : i32
    %dma_start3A_49 = tpu.memref_slice %arg2[%dma_start3A_47, %dma_start3A_48] : memref<10000x64xf32, #tpu.memory_space<hbm>> -> memref<10000x64xf32, #tpu.memory_space<hbm>>
    tpu.enqueue_indirect_dma source(%dma_start3A_49 : memref<10000x64xf32, #tpu.memory_space<hbm>>) target(%dma_start3A_43 : memref<128x64xf32, #tpu.memory_space<vmem>>) offsets(%dma_start3A_46 : memref<128xi32, #tpu.memory_space<vmem>>) semaphore(%arg11 : memref<!tpu.dma_semaphore, #tpu.memory_space<semaphore_mem>>)
    %dma_start3A_50 = arith.constant 3 : i32
    %dma_start3A_51 = arith.constant 3 : i32
    %dma_start3A_52 = arith.constant 0 : i32
    %dma_start3A_53 = arith.constant 0 : i32
    %dma_start3A_54 = tpu.memref_slice %arg9[%dma_start3A_51, %dma_start3A_52, %dma_start3A_53] : memref<8x128x64xf32, #tpu.memory_space<vmem>> -> memref<1x128x64xf32, #tpu.memory_space<vmem>>
    %dma_start3A_55 = tpu.memref_squeeze %dma_start3A_54 : memref<1x128x64xf32, #tpu.memory_space<vmem>> -> memref<128x64xf32, #tpu.memory_space<vmem>>
    %dma_start3A_56 = arith.constant 0 : i32
    %dma_start3A_57 = tpu.memref_slice %arg7[%dma_start3A_50, %dma_start3A_56] : memref<79x128xi32, #tpu.memory_space<vmem>> -> memref<1x128xi32, #tpu.memory_space<vmem>>
    %dma_start3A_58 = tpu.memref_squeeze %dma_start3A_57 : memref<1x128xi32, #tpu.memory_space<vmem>> -> memref<128xi32, #tpu.memory_space<vmem>>
    %dma_start3A_59 = arith.constant 0 : i32
    %dma_start3A_60 = arith.constant 0 : i32
    %dma_start3A_61 = tpu.memref_slice %arg2[%dma_start3A_59, %dma_start3A_60] : memref<10000x64xf32, #tpu.memory_space<hbm>> -> memref<10000x64xf32, #tpu.memory_space<hbm>>
    tpu.enqueue_indirect_dma source(%dma_start3A_61 : memref<10000x64xf32, #tpu.memory_space<hbm>>) target(%dma_start3A_55 : memref<128x64xf32, #tpu.memory_space<vmem>>) offsets(%dma_start3A_58 : memref<128xi32, #tpu.memory_space<vmem>>) semaphore(%arg11 : memref<!tpu.dma_semaphore, #tpu.memory_space<semaphore_mem>>)
    %dma_start3A_62 = arith.constant 4 : i32
    %dma_start3A_63 = arith.constant 4 : i32
    %dma_start3A_64 = arith.constant 0 : i32
    %dma_start3A_65 = arith.constant 0 : i32
    %dma_start3A_66 = tpu.memref_slice %arg9[%dma_start3A_63, %dma_start3A_64, %dma_start3A_65] : memref<8x128x64xf32, #tpu.memory_space<vmem>> -> memref<1x128x64xf32, #tpu.memory_space<vmem>>
    %dma_start3A_67 = tpu.memref_squeeze %dma_start3A_66 : memref<1x128x64xf32, #tpu.memory_space<vmem>> -> memref<128x64xf32, #tpu.memory_space<vmem>>
    %dma_start3A_68 = arith.constant 0 : i32
    %dma_start3A_69 = tpu.memref_slice %arg7[%dma_start3A_62, %dma_start3A_68] : memref<79x128xi32, #tpu.memory_space<vmem>> -> memref<1x128xi32, #tpu.memory_space<vmem>>
    %dma_start3A_70 = tpu.memref_squeeze %dma_start3A_69 : memref<1x128xi32, #tpu.memory_space<vmem>> -> memref<128xi32, #tpu.memory_space<vmem>>
    %dma_start3A_71 = arith.constant 0 : i32
    %dma_start3A_72 = arith.constant 0 : i32
    %dma_start3A_73 = tpu.memref_slice %arg2[%dma_start3A_71, %dma_start3A_72] : memref<10000x64xf32, #tpu.memory_space<hbm>> -> memref<10000x64xf32, #tpu.memory_space<hbm>>
    tpu.enqueue_indirect_dma source(%dma_start3A_73 : memref<10000x64xf32, #tpu.memory_space<hbm>>) target(%dma_start3A_67 : memref<128x64xf32, #tpu.memory_space<vmem>>) offsets(%dma_start3A_70 : memref<128xi32, #tpu.memory_space<vmem>>) semaphore(%arg11 : memref<!tpu.dma_semaphore, #tpu.memory_space<semaphore_mem>>)
    %dma_start3A_74 = arith.constant 5 : i32
    %dma_start3A_75 = arith.constant 5 : i32
    %dma_start3A_76 = arith.constant 0 : i32
    %dma_start3A_77 = arith.constant 0 : i32
    %dma_start3A_78 = tpu.memref_slice %arg9[%dma_start3A_75, %dma_start3A_76, %dma_start3A_77] : memref<8x128x64xf32, #tpu.memory_space<vmem>> -> memref<1x128x64xf32, #tpu.memory_space<vmem>>
    %dma_start3A_79 = tpu.memref_squeeze %dma_start3A_78 : memref<1x128x64xf32, #tpu.memory_space<vmem>> -> memref<128x64xf32, #tpu.memory_space<vmem>>
    %dma_start3A_80 = arith.constant 0 : i32
    %dma_start3A_81 = tpu.memref_slice %arg7[%dma_start3A_74, %dma_start3A_80] : memref<79x128xi32, #tpu.memory_space<vmem>> -> memref<1x128xi32, #tpu.memory_space<vmem>>
    %dma_start3A_82 = tpu.memref_squeeze %dma_start3A_81 : memref<1x128xi32, #tpu.memory_space<vmem>> -> memref<128xi32, #tpu.memory_space<vmem>>
    %dma_start3A_83 = arith.constant 0 : i32
    %dma_start3A_84 = arith.constant 0 : i32
    %dma_start3A_85 = tpu.memref_slice %arg2[%dma_start3A_83, %dma_start3A_84] : memref<10000x64xf32, #tpu.memory_space<hbm>> -> memref<10000x64xf32, #tpu.memory_space<hbm>>
    tpu.enqueue_indirect_dma source(%dma_start3A_85 : memref<10000x64xf32, #tpu.memory_space<hbm>>) target(%dma_start3A_79 : memref<128x64xf32, #tpu.memory_space<vmem>>) offsets(%dma_start3A_82 : memref<128xi32, #tpu.memory_space<vmem>>) semaphore(%arg11 : memref<!tpu.dma_semaphore, #tpu.memory_space<semaphore_mem>>)
    %dma_start3A_86 = arith.constant 6 : i32
    %dma_start3A_87 = arith.constant 6 : i32
    %dma_start3A_88 = arith.constant 0 : i32
    %dma_start3A_89 = arith.constant 0 : i32
    %dma_start3A_90 = tpu.memref_slice %arg9[%dma_start3A_87, %dma_start3A_88, %dma_start3A_89] : memref<8x128x64xf32, #tpu.memory_space<vmem>> -> memref<1x128x64xf32, #tpu.memory_space<vmem>>
    %dma_start3A_91 = tpu.memref_squeeze %dma_start3A_90 : memref<1x128x64xf32, #tpu.memory_space<vmem>> -> memref<128x64xf32, #tpu.memory_space<vmem>>
    %dma_start3A_92 = arith.constant 0 : i32
    %dma_start3A_93 = tpu.memref_slice %arg7[%dma_start3A_86, %dma_start3A_92] : memref<79x128xi32, #tpu.memory_space<vmem>> -> memref<1x128xi32, #tpu.memory_space<vmem>>
    %dma_start3A_94 = tpu.memref_squeeze %dma_start3A_93 : memref<1x128xi32, #tpu.memory_space<vmem>> -> memref<128xi32, #tpu.memory_space<vmem>>
    %dma_start3A_95 = arith.constant 0 : i32
    %dma_start3A_96 = arith.constant 0 : i32
    %dma_start3A_97 = tpu.memref_slice %arg2[%dma_start3A_95, %dma_start3A_96] : memref<10000x64xf32, #tpu.memory_space<hbm>> -> memref<10000x64xf32, #tpu.memory_space<hbm>>
    tpu.enqueue_indirect_dma source(%dma_start3A_97 : memref<10000x64xf32, #tpu.memory_space<hbm>>) target(%dma_start3A_91 : memref<128x64xf32, #tpu.memory_space<vmem>>) offsets(%dma_start3A_94 : memref<128xi32, #tpu.memory_space<vmem>>) semaphore(%arg11 : memref<!tpu.dma_semaphore, #tpu.memory_space<semaphore_mem>>)
    %dma_start3A_98 = arith.constant 7 : i32
    %dma_start3A_99 = arith.constant 7 : i32
    %dma_start3A_100 = arith.constant 0 : i32
    %dma_start3A_101 = arith.constant 0 : i32
    %dma_start3A_102 = tpu.memref_slice %arg9[%dma_start3A_99, %dma_start3A_100, %dma_start3A_101] : memref<8x128x64xf32, #tpu.memory_space<vmem>> -> memref<1x128x64xf32, #tpu.memory_space<vmem>>
    %dma_start3A_103 = tpu.memref_squeeze %dma_start3A_102 : memref<1x128x64xf32, #tpu.memory_space<vmem>> -> memref<128x64xf32, #tpu.memory_space<vmem>>
    %dma_start3A_104 = arith.constant 0 : i32
    %dma_start3A_105 = tpu.memref_slice %arg7[%dma_start3A_98, %dma_start3A_104] : memref<79x128xi32, #tpu.memory_space<vmem>> -> memref<1x128xi32, #tpu.memory_space<vmem>>
    %dma_start3A_106 = tpu.memref_squeeze %dma_start3A_105 : memref<1x128xi32, #tpu.memory_space<vmem>> -> memref<128xi32, #tpu.memory_space<vmem>>
    %dma_start3A_107 = arith.constant 0 : i32
    %dma_start3A_108 = arith.constant 0 : i32
    %dma_start3A_109 = tpu.memref_slice %arg2[%dma_start3A_107, %dma_start3A_108] : memref<10000x64xf32, #tpu.memory_space<hbm>> -> memref<10000x64xf32, #tpu.memory_space<hbm>>
    tpu.enqueue_indirect_dma source(%dma_start3A_109 : memref<10000x64xf32, #tpu.memory_space<hbm>>) target(%dma_start3A_103 : memref<128x64xf32, #tpu.memory_space<vmem>>) offsets(%dma_start3A_106 : memref<128xi32, #tpu.memory_space<vmem>>) semaphore(%arg11 : memref<!tpu.dma_semaphore, #tpu.memory_space<semaphore_mem>>)
    %while3A = arith.constant 0 : i32
    %while3A_110 = arith.constant 0 : i32
    %while3A_111 = arith.subi %add3A_8, %while3A : i32
    %while3A_112 = arith.addi %while3A, %while3A_111 : i32
    %while3A_113 = arith.constant 1 : i32
    %while3A_114 = arith.divsi %while3A_111, %while3A_113 : i32
    %while3A_115 = arith.muli %while3A_114, %while3A_113 : i32
    %while3A_116 = arith.addi %while3A, %while3A_115 : i32
    %while3A_117 = arith.constant 1 : i32
    %while3A_118 = scf.for %while3A_132 = %while3A to %while3A_116 step %while3A_117 iter_args(%while3A_133 = %while3A_110) -> (i32)  : i32 {
      %ge3A = arith.constant 2 : i32
      %ge3A_134 = arith.cmpi sge, %while3A_132, %ge3A : i32
      %convert_element_type3A_135 = arith.extui %ge3A_134 : i1 to i32
      %cond3A_136 = arith.constant 0 : i32
      %cond3A_137 = arith.cmpi ne, %convert_element_type3A_135, %cond3A_136 : i32
      scf.if %cond3A_137 {
        %sub3A = arith.constant 2 : i32
        %sub3A_159 = arith.subi %while3A_132, %sub3A : i32
        %rem3A_160 = arith.constant 8 : i32
        %rem3A_161 = arith.remsi %sub3A_159, %rem3A_160 : i32
        %sub3A_162 = arith.constant 2 : i32
        %sub3A_163 = arith.subi %while3A_132, %sub3A_162 : i32
        %dma_wait3A_164 = arith.constant 0 : i32
        %dma_wait3A_165 = arith.constant 0 : i32
        %dma_wait3A_166 = tpu.memref_slice %arg9[%rem3A_161, %dma_wait3A_164, %dma_wait3A_165] : memref<8x128x64xf32, #tpu.memory_space<vmem>> -> memref<1x128x64xf32, #tpu.memory_space<vmem>>
        %dma_wait3A_167 = tpu.memref_squeeze %dma_wait3A_166 : memref<1x128x64xf32, #tpu.memory_space<vmem>> -> memref<128x64xf32, #tpu.memory_space<vmem>>
        %dma_wait3A_168 = arith.constant 0 : i32
        %dma_wait3A_169 = tpu.memref_slice %arg8[%sub3A_163, %dma_wait3A_168] : memref<79x128xi32, #tpu.memory_space<vmem>> -> memref<1x128xi32, #tpu.memory_space<vmem>>
        %dma_wait3A_170 = tpu.memref_squeeze %dma_wait3A_169 : memref<1x128xi32, #tpu.memory_space<vmem>> -> memref<128xi32, #tpu.memory_space<vmem>>
        %dma_wait3A_171 = arith.constant 0 : i32
        %dma_wait3A_172 = arith.constant 0 : i32
        %dma_wait3A_173 = tpu.memref_slice %arg10[%dma_wait3A_171, %dma_wait3A_172] : memref<10000x64xf32, #tpu.memory_space<vmem_shared>> -> memref<10000x64xf32, #tpu.memory_space<vmem_shared>>
        tpu.wait_indirect_dma semaphore(%arg12 : memref<!tpu.dma_semaphore, #tpu.memory_space<semaphore_mem>>) src(%dma_wait3A_167 : memref<128x64xf32, #tpu.memory_space<vmem>>) dst(%dma_wait3A_173 : memref<10000x64xf32, #tpu.memory_space<vmem_shared>>)
        %add3A_174 = arith.constant 8 : i32
        %add3A_175 = arith.addi %while3A_132, %add3A_174 : i32
        %sub3A_176 = arith.constant 2 : i32
        %sub3A_177 = arith.subi %add3A_175, %sub3A_176 : i32
        %lt3A_178 = arith.cmpi slt, %sub3A_177, %add3A_8 : i32
        %convert_element_type3A_179 = arith.extui %lt3A_178 : i1 to i32
        %cond3A_180 = arith.constant 0 : i32
        %cond3A_181 = arith.cmpi ne, %convert_element_type3A_179, %cond3A_180 : i32
        scf.if %cond3A_181 {
          %rem3A_182 = arith.constant 8 : i32
          %rem3A_183 = arith.remsi %sub3A_177, %rem3A_182 : i32
          %dma_start3A_184 = arith.constant 0 : i32
          %dma_start3A_185 = arith.constant 0 : i32
          %dma_start3A_186 = tpu.memref_slice %arg9[%rem3A_183, %dma_start3A_184, %dma_start3A_185] : memref<8x128x64xf32, #tpu.memory_space<vmem>> -> memref<1x128x64xf32, #tpu.memory_space<vmem>>
          %dma_start3A_187 = tpu.memref_squeeze %dma_start3A_186 : memref<1x128x64xf32, #tpu.memory_space<vmem>> -> memref<128x64xf32, #tpu.memory_space<vmem>>
          %dma_start3A_188 = arith.constant 0 : i32
          %dma_start3A_189 = tpu.memref_slice %arg7[%sub3A_177, %dma_start3A_188] : memref<79x128xi32, #tpu.memory_space<vmem>> -> memref<1x128xi32, #tpu.memory_space<vmem>>
          %dma_start3A_190 = tpu.memref_squeeze %dma_start3A_189 : memref<1x128xi32, #tpu.memory_space<vmem>> -> memref<128xi32, #tpu.memory_space<vmem>>
          %dma_start3A_191 = arith.constant 0 : i32
          %dma_start3A_192 = arith.constant 0 : i32
          %dma_start3A_193 = tpu.memref_slice %arg2[%dma_start3A_191, %dma_start3A_192] : memref<10000x64xf32, #tpu.memory_space<hbm>> -> memref<10000x64xf32, #tpu.memory_space<hbm>>
          tpu.enqueue_indirect_dma source(%dma_start3A_193 : memref<10000x64xf32, #tpu.memory_space<hbm>>) target(%dma_start3A_187 : memref<128x64xf32, #tpu.memory_space<vmem>>) offsets(%dma_start3A_190 : memref<128xi32, #tpu.memory_space<vmem>>) semaphore(%arg11 : memref<!tpu.dma_semaphore, #tpu.memory_space<semaphore_mem>>)
        } else {
        }
      } else {
      }
      %rem3A = arith.constant 8 : i32
      %rem3A_138 = arith.remsi %while3A_132, %rem3A : i32
      %dma_wait3A = arith.constant 0 : i32
      %dma_wait3A_139 = arith.constant 0 : i32
      %dma_wait3A_140 = tpu.memref_slice %arg9[%rem3A_138, %dma_wait3A, %dma_wait3A_139] : memref<8x128x64xf32, #tpu.memory_space<vmem>> -> memref<1x128x64xf32, #tpu.memory_space<vmem>>
      %dma_wait3A_141 = tpu.memref_squeeze %dma_wait3A_140 : memref<1x128x64xf32, #tpu.memory_space<vmem>> -> memref<128x64xf32, #tpu.memory_space<vmem>>
      %dma_wait3A_142 = arith.constant 0 : i32
      %dma_wait3A_143 = tpu.memref_slice %arg7[%while3A_132, %dma_wait3A_142] : memref<79x128xi32, #tpu.memory_space<vmem>> -> memref<1x128xi32, #tpu.memory_space<vmem>>
      %dma_wait3A_144 = tpu.memref_squeeze %dma_wait3A_143 : memref<1x128xi32, #tpu.memory_space<vmem>> -> memref<128xi32, #tpu.memory_space<vmem>>
      %dma_wait3A_145 = arith.constant 0 : i32
      %dma_wait3A_146 = arith.constant 0 : i32
      %dma_wait3A_147 = tpu.memref_slice %arg2[%dma_wait3A_145, %dma_wait3A_146] : memref<10000x64xf32, #tpu.memory_space<hbm>> -> memref<10000x64xf32, #tpu.memory_space<hbm>>
      tpu.wait_indirect_dma semaphore(%arg11 : memref<!tpu.dma_semaphore, #tpu.memory_space<semaphore_mem>>) src(%dma_wait3A_147 : memref<10000x64xf32, #tpu.memory_space<hbm>>) dst(%dma_wait3A_141 : memref<128x64xf32, #tpu.memory_space<vmem>>)
      %dma_start3A_148 = arith.constant 0 : i32
      %dma_start3A_149 = arith.constant 0 : i32
      %dma_start3A_150 = tpu.memref_slice %arg9[%rem3A_138, %dma_start3A_148, %dma_start3A_149] : memref<8x128x64xf32, #tpu.memory_space<vmem>> -> memref<1x128x64xf32, #tpu.memory_space<vmem>>
      %dma_start3A_151 = tpu.memref_squeeze %dma_start3A_150 : memref<1x128x64xf32, #tpu.memory_space<vmem>> -> memref<128x64xf32, #tpu.memory_space<vmem>>
      %dma_start3A_152 = arith.constant 0 : i32
      %dma_start3A_153 = tpu.memref_slice %arg8[%while3A_132, %dma_start3A_152] : memref<79x128xi32, #tpu.memory_space<vmem>> -> memref<1x128xi32, #tpu.memory_space<vmem>>
      %dma_start3A_154 = tpu.memref_squeeze %dma_start3A_153 : memref<1x128xi32, #tpu.memory_space<vmem>> -> memref<128xi32, #tpu.memory_space<vmem>>
      %dma_start3A_155 = arith.constant 0 : i32
      %dma_start3A_156 = arith.constant 0 : i32
      %dma_start3A_157 = tpu.memref_slice %arg10[%dma_start3A_155, %dma_start3A_156] : memref<10000x64xf32, #tpu.memory_space<vmem_shared>> -> memref<10000x64xf32, #tpu.memory_space<vmem_shared>>
      tpu.enqueue_indirect_dma source(%dma_start3A_151 : memref<128x64xf32, #tpu.memory_space<vmem>>) target(%dma_start3A_157 : memref<10000x64xf32, #tpu.memory_space<vmem_shared>>) offsets(%dma_start3A_154 : memref<128xi32, #tpu.memory_space<vmem>>) semaphore(%arg12 : memref<!tpu.dma_semaphore, #tpu.memory_space<semaphore_mem>>) {add = true}
      %while3A_158 = arith.constant 0 : i32
      scf.yield %while3A_158 : i32
    }
    %while3A_119 = arith.constant 1 : i32
    %while3A_120 = scf.for %while3A_132 = %while3A_116 to %while3A_112 step %while3A_119 iter_args(%while3A_133 = %while3A_118) -> (i32)  : i32 {
      %ge3A = arith.constant 2 : i32
      %ge3A_134 = arith.cmpi sge, %while3A_132, %ge3A : i32
      %convert_element_type3A_135 = arith.extui %ge3A_134 : i1 to i32
      %cond3A_136 = arith.constant 0 : i32
      %cond3A_137 = arith.cmpi ne, %convert_element_type3A_135, %cond3A_136 : i32
      scf.if %cond3A_137 {
        %sub3A = arith.constant 2 : i32
        %sub3A_159 = arith.subi %while3A_132, %sub3A : i32
        %rem3A_160 = arith.constant 8 : i32
        %rem3A_161 = arith.remsi %sub3A_159, %rem3A_160 : i32
        %sub3A_162 = arith.constant 2 : i32
        %sub3A_163 = arith.subi %while3A_132, %sub3A_162 : i32
        %dma_wait3A_164 = arith.constant 0 : i32
        %dma_wait3A_165 = arith.constant 0 : i32
        %dma_wait3A_166 = tpu.memref_slice %arg9[%rem3A_161, %dma_wait3A_164, %dma_wait3A_165] : memref<8x128x64xf32, #tpu.memory_space<vmem>> -> memref<1x128x64xf32, #tpu.memory_space<vmem>>
        %dma_wait3A_167 = tpu.memref_squeeze %dma_wait3A_166 : memref<1x128x64xf32, #tpu.memory_space<vmem>> -> memref<128x64xf32, #tpu.memory_space<vmem>>
        %dma_wait3A_168 = arith.constant 0 : i32
        %dma_wait3A_169 = tpu.memref_slice %arg8[%sub3A_163, %dma_wait3A_168] : memref<79x128xi32, #tpu.memory_space<vmem>> -> memref<1x128xi32, #tpu.memory_space<vmem>>
        %dma_wait3A_170 = tpu.memref_squeeze %dma_wait3A_169 : memref<1x128xi32, #tpu.memory_space<vmem>> -> memref<128xi32, #tpu.memory_space<vmem>>
        %dma_wait3A_171 = arith.constant 0 : i32
        %dma_wait3A_172 = arith.constant 0 : i32
        %dma_wait3A_173 = tpu.memref_slice %arg10[%dma_wait3A_171, %dma_wait3A_172] : memref<10000x64xf32, #tpu.memory_space<vmem_shared>> -> memref<10000x64xf32, #tpu.memory_space<vmem_shared>>
        tpu.wait_indirect_dma semaphore(%arg12 : memref<!tpu.dma_semaphore, #tpu.memory_space<semaphore_mem>>) src(%dma_wait3A_167 : memref<128x64xf32, #tpu.memory_space<vmem>>) dst(%dma_wait3A_173 : memref<10000x64xf32, #tpu.memory_space<vmem_shared>>)
        %add3A_174 = arith.constant 8 : i32
        %add3A_175 = arith.addi %while3A_132, %add3A_174 : i32
        %sub3A_176 = arith.constant 2 : i32
        %sub3A_177 = arith.subi %add3A_175, %sub3A_176 : i32
        %lt3A_178 = arith.cmpi slt, %sub3A_177, %add3A_8 : i32
        %convert_element_type3A_179 = arith.extui %lt3A_178 : i1 to i32
        %cond3A_180 = arith.constant 0 : i32
        %cond3A_181 = arith.cmpi ne, %convert_element_type3A_179, %cond3A_180 : i32
        scf.if %cond3A_181 {
          %rem3A_182 = arith.constant 8 : i32
          %rem3A_183 = arith.remsi %sub3A_177, %rem3A_182 : i32
          %dma_start3A_184 = arith.constant 0 : i32
          %dma_start3A_185 = arith.constant 0 : i32
          %dma_start3A_186 = tpu.memref_slice %arg9[%rem3A_183, %dma_start3A_184, %dma_start3A_185] : memref<8x128x64xf32, #tpu.memory_space<vmem>> -> memref<1x128x64xf32, #tpu.memory_space<vmem>>
          %dma_start3A_187 = tpu.memref_squeeze %dma_start3A_186 : memref<1x128x64xf32, #tpu.memory_space<vmem>> -> memref<128x64xf32, #tpu.memory_space<vmem>>
          %dma_start3A_188 = arith.constant 0 : i32
          %dma_start3A_189 = tpu.memref_slice %arg7[%sub3A_177, %dma_start3A_188] : memref<79x128xi32, #tpu.memory_space<vmem>> -> memref<1x128xi32, #tpu.memory_space<vmem>>
          %dma_start3A_190 = tpu.memref_squeeze %dma_start3A_189 : memref<1x128xi32, #tpu.memory_space<vmem>> -> memref<128xi32, #tpu.memory_space<vmem>>
          %dma_start3A_191 = arith.constant 0 : i32
          %dma_start3A_192 = arith.constant 0 : i32
          %dma_start3A_193 = tpu.memref_slice %arg2[%dma_start3A_191, %dma_start3A_192] : memref<10000x64xf32, #tpu.memory_space<hbm>> -> memref<10000x64xf32, #tpu.memory_space<hbm>>
          tpu.enqueue_indirect_dma source(%dma_start3A_193 : memref<10000x64xf32, #tpu.memory_space<hbm>>) target(%dma_start3A_187 : memref<128x64xf32, #tpu.memory_space<vmem>>) offsets(%dma_start3A_190 : memref<128xi32, #tpu.memory_space<vmem>>) semaphore(%arg11 : memref<!tpu.dma_semaphore, #tpu.memory_space<semaphore_mem>>)
        } else {
        }
      } else {
      }
      %rem3A = arith.constant 8 : i32
      %rem3A_138 = arith.remsi %while3A_132, %rem3A : i32
      %dma_wait3A = arith.constant 0 : i32
      %dma_wait3A_139 = arith.constant 0 : i32
      %dma_wait3A_140 = tpu.memref_slice %arg9[%rem3A_138, %dma_wait3A, %dma_wait3A_139] : memref<8x128x64xf32, #tpu.memory_space<vmem>> -> memref<1x128x64xf32, #tpu.memory_space<vmem>>
      %dma_wait3A_141 = tpu.memref_squeeze %dma_wait3A_140 : memref<1x128x64xf32, #tpu.memory_space<vmem>> -> memref<128x64xf32, #tpu.memory_space<vmem>>
      %dma_wait3A_142 = arith.constant 0 : i32
      %dma_wait3A_143 = tpu.memref_slice %arg7[%while3A_132, %dma_wait3A_142] : memref<79x128xi32, #tpu.memory_space<vmem>> -> memref<1x128xi32, #tpu.memory_space<vmem>>
      %dma_wait3A_144 = tpu.memref_squeeze %dma_wait3A_143 : memref<1x128xi32, #tpu.memory_space<vmem>> -> memref<128xi32, #tpu.memory_space<vmem>>
      %dma_wait3A_145 = arith.constant 0 : i32
      %dma_wait3A_146 = arith.constant 0 : i32
      %dma_wait3A_147 = tpu.memref_slice %arg2[%dma_wait3A_145, %dma_wait3A_146] : memref<10000x64xf32, #tpu.memory_space<hbm>> -> memref<10000x64xf32, #tpu.memory_space<hbm>>
      tpu.wait_indirect_dma semaphore(%arg11 : memref<!tpu.dma_semaphore, #tpu.memory_space<semaphore_mem>>) src(%dma_wait3A_147 : memref<10000x64xf32, #tpu.memory_space<hbm>>) dst(%dma_wait3A_141 : memref<128x64xf32, #tpu.memory_space<vmem>>)
      %dma_start3A_148 = arith.constant 0 : i32
      %dma_start3A_149 = arith.constant 0 : i32
      %dma_start3A_150 = tpu.memref_slice %arg9[%rem3A_138, %dma_start3A_148, %dma_start3A_149] : memref<8x128x64xf32, #tpu.memory_space<vmem>> -> memref<1x128x64xf32, #tpu.memory_space<vmem>>
      %dma_start3A_151 = tpu.memref_squeeze %dma_start3A_150 : memref<1x128x64xf32, #tpu.memory_space<vmem>> -> memref<128x64xf32, #tpu.memory_space<vmem>>
      %dma_start3A_152 = arith.constant 0 : i32
      %dma_start3A_153 = tpu.memref_slice %arg8[%while3A_132, %dma_start3A_152] : memref<79x128xi32, #tpu.memory_space<vmem>> -> memref<1x128xi32, #tpu.memory_space<vmem>>
      %dma_start3A_154 = tpu.memref_squeeze %dma_start3A_153 : memref<1x128xi32, #tpu.memory_space<vmem>> -> memref<128xi32, #tpu.memory_space<vmem>>
      %dma_start3A_155 = arith.constant 0 : i32
      %dma_start3A_156 = arith.constant 0 : i32
      %dma_start3A_157 = tpu.memref_slice %arg10[%dma_start3A_155, %dma_start3A_156] : memref<10000x64xf32, #tpu.memory_space<vmem_shared>> -> memref<10000x64xf32, #tpu.memory_space<vmem_shared>>
      tpu.enqueue_indirect_dma source(%dma_start3A_151 : memref<128x64xf32, #tpu.memory_space<vmem>>) target(%dma_start3A_157 : memref<10000x64xf32, #tpu.memory_space<vmem_shared>>) offsets(%dma_start3A_154 : memref<128xi32, #tpu.memory_space<vmem>>) semaphore(%arg12 : memref<!tpu.dma_semaphore, #tpu.memory_space<semaphore_mem>>) {add = true}
      %while3A_158 = arith.constant 0 : i32
      scf.yield %while3A_158 : i32
    }
    %scan3A = arith.constant 0 : i32
    %scan3A_121 = arith.constant 0 : i32
    %scan3A_122 = arith.constant 2 : i32
    %scan3A_123 = arith.addi %scan3A_121, %scan3A_122 : i32
    %scan3A_124 = arith.constant 1 : i32
    %scan3A_125 = scf.for %scan3A_132 = %scan3A_121 to %scan3A_123 step %scan3A_124 iter_args(%scan3A_133 = %scan3A) -> (i32)  : i32 {
      %sub3A = arith.constant 2 : i32
      %sub3A_134 = arith.subi %add3A_8, %sub3A : i32
      %add3A_135 = arith.addi %sub3A_134, %scan3A_132 : i32
      %rem3A = arith.constant 8 : i32
      %rem3A_136 = arith.remsi %add3A_135, %rem3A : i32
      %dma_wait3A = arith.constant 0 : i32
      %dma_wait3A_137 = arith.constant 0 : i32
      %dma_wait3A_138 = tpu.memref_slice %arg9[%rem3A_136, %dma_wait3A, %dma_wait3A_137] : memref<8x128x64xf32, #tpu.memory_space<vmem>> -> memref<1x128x64xf32, #tpu.memory_space<vmem>>
      %dma_wait3A_139 = tpu.memref_squeeze %dma_wait3A_138 : memref<1x128x64xf32, #tpu.memory_space<vmem>> -> memref<128x64xf32, #tpu.memory_space<vmem>>
      %dma_wait3A_140 = arith.constant 0 : i32
      %dma_wait3A_141 = tpu.memref_slice %arg8[%add3A_135, %dma_wait3A_140] : memref<79x128xi32, #tpu.memory_space<vmem>> -> memref<1x128xi32, #tpu.memory_space<vmem>>
      %dma_wait3A_142 = tpu.memref_squeeze %dma_wait3A_141 : memref<1x128xi32, #tpu.memory_space<vmem>> -> memref<128xi32, #tpu.memory_space<vmem>>
      %dma_wait3A_143 = arith.constant 0 : i32
      %dma_wait3A_144 = arith.constant 0 : i32
      %dma_wait3A_145 = tpu.memref_slice %arg10[%dma_wait3A_143, %dma_wait3A_144] : memref<10000x64xf32, #tpu.memory_space<vmem_shared>> -> memref<10000x64xf32, #tpu.memory_space<vmem_shared>>
      tpu.wait_indirect_dma semaphore(%arg12 : memref<!tpu.dma_semaphore, #tpu.memory_space<semaphore_mem>>) src(%dma_wait3A_139 : memref<128x64xf32, #tpu.memory_space<vmem>>) dst(%dma_wait3A_145 : memref<10000x64xf32, #tpu.memory_space<vmem_shared>>)
      %scan3A_146 = arith.constant 0 : i32
      scf.yield %scan3A_146 : i32
    }
    %scan3A_126 = arith.constant 2 : i32
    %barrier3A_127 = arith.constant 0 : index
    tpu.barrier barrier_id(%barrier3A_127)
    %mul3A_128 = arith.constant 625 : i32
    %mul3A_129 = arith.muli %arg1, %mul3A_128 : i32
    %mul3A_130 = arith.constant 625 : i32
    %mul3A_131 = arith.muli %arg1, %mul3A_130 : i32
    "tpu.region"() ({
      %run_scoped3A = tpu.sem_alloc : memref<!tpu.dma_semaphore, #tpu.memory_space<semaphore_mem>>
      %dma_start3A_132 = arith.constant 0 : i32
      %dma_start3A_133 = arith.constant 0 : i32
      %dma_start3A_134 = tpu.memref_slice %arg6[%arg0, %dma_start3A_132, %dma_start3A_133] : memref<2x10000x64xf32, #tpu.memory_space<hbm>> -> memref<1x10000x64xf32, #tpu.memory_space<hbm>>
      %dma_start3A_135 = tpu.memref_squeeze %dma_start3A_134 : memref<1x10000x64xf32, #tpu.memory_space<hbm>> -> memref<10000x64xf32, #tpu.memory_space<hbm>>
      %dma_start3A_136 = arith.constant 0 : i32
      %dma_start3A_137 = tpu.memref_slice %dma_start3A_135[%mul3A_131, %dma_start3A_136] : memref<10000x64xf32, #tpu.memory_space<hbm>> -> memref<625x64xf32, #tpu.memory_space<hbm>>
      %dma_start3A_138 = arith.constant 0 : i32
      %dma_start3A_139 = tpu.memref_slice %arg10[%mul3A_129, %dma_start3A_138] : memref<10000x64xf32, #tpu.memory_space<vmem_shared>> -> memref<625x64xf32, #tpu.memory_space<vmem_shared>>
      tpu.enqueue_dma source(%dma_start3A_139 : memref<625x64xf32, #tpu.memory_space<vmem_shared>>) target(%dma_start3A_137 : memref<625x64xf32, #tpu.memory_space<hbm>>) target_semaphore(%run_scoped3A : memref<!tpu.dma_semaphore, #tpu.memory_space<semaphore_mem>>)
      %dma_wait3A = arith.constant 0 : i32
      %dma_wait3A_140 = arith.constant 0 : i32
      %dma_wait3A_141 = tpu.memref_slice %arg6[%arg0, %dma_wait3A, %dma_wait3A_140] : memref<2x10000x64xf32, #tpu.memory_space<hbm>> -> memref<1x10000x64xf32, #tpu.memory_space<hbm>>
      %dma_wait3A_142 = tpu.memref_squeeze %dma_wait3A_141 : memref<1x10000x64xf32, #tpu.memory_space<hbm>> -> memref<10000x64xf32, #tpu.memory_space<hbm>>
      %dma_wait3A_143 = arith.constant 0 : i32
      %dma_wait3A_144 = tpu.memref_slice %dma_wait3A_142[%mul3A_131, %dma_wait3A_143] : memref<10000x64xf32, #tpu.memory_space<hbm>> -> memref<625x64xf32, #tpu.memory_space<hbm>>
      %dma_wait3A_145 = arith.constant 0 : i32
      %dma_wait3A_146 = tpu.memref_slice %arg10[%mul3A_129, %dma_wait3A_145] : memref<10000x64xf32, #tpu.memory_space<vmem_shared>> -> memref<625x64xf32, #tpu.memory_space<vmem_shared>>
      tpu.wait_dma2 semaphore(%run_scoped3A : memref<!tpu.dma_semaphore, #tpu.memory_space<semaphore_mem>>) src(%dma_wait3A_146 : memref<625x64xf32, #tpu.memory_space<vmem_shared>>) dst(%dma_wait3A_144 : memref<625x64xf32, #tpu.memory_space<hbm>>)
      tpu.yield
    }) : () -> ()
    return
  }
}

#map = affine_map<(d0, d1) -> (0, 0)>
#map1 = affine_map<(d0, d1) -> (0, 0, 0)>
module attributes {stable_mosaic.version = 14 : i64} {
  func.func @agg_kernel(%arg0: i32, %arg1: i32, %arg2: memref<10000x64xf32, #tpu.memory_space<hbm>>, %arg3: memref<2500x128xi32, #tpu.memory_space<hbm>>, %arg4: memref<2500x128xi32, #tpu.memory_space<hbm>>, %arg5: memref<10000x64xf32, #tpu.memory_space<hbm>>, %arg6: memref<2x10000x64xf32, #tpu.memory_space<hbm>>, %arg7: memref<79x128xi32, #tpu.memory_space<vmem>>, %arg8: memref<79x128xi32, #tpu.memory_space<vmem>>, %arg9: memref<8x128x64xf32, #tpu.memory_space<vmem>>, %arg10: memref<10000x64xf32, #tpu.memory_space<vmem_shared>>, %arg11: memref<!tpu.dma_semaphore, #tpu.memory_space<semaphore_mem>>, %arg12: memref<!tpu.dma_semaphore, #tpu.memory_space<semaphore_mem>>) attributes {dimension_semantics = [#tpu.dimension_semantics<core_parallel>, #tpu.dimension_semantics<subcore_parallel>], iteration_bounds = array<i64: 2, 16>, scalar_prefetch = 0 : i64, scratch_operands = 6 : i64, tpu.core_type = #tpu.core_type<sc_vector_subcore>, window_params = [{transform_indices = #map}, {transform_indices = #map}, {transform_indices = #map}, {transform_indices = #map}, {transform_indices = #map1}]} {
    %mul3A = arith.constant 16 : i32
    %mul3A_0 = arith.muli %arg0, %mul3A : i32
    %add3A = arith.addi %mul3A_0, %arg1 : i32
    %mul3A_1 = arith.constant 78 : i32
    %mul3A_2 = arith.muli %mul3A_1, %add3A : i32
    %min3A = arith.constant 4 : i32
    %min3A_3 = arith.minsi %add3A, %min3A : i32
    %add3A_4 = arith.addi %mul3A_2, %min3A_3 : i32
    %lt3A = arith.constant 4 : i32
    %lt3A_5 = arith.cmpi slt, %add3A, %lt3A : i32
    %jit3A = arith.constant 1 : i32
    %jit3A_6 = arith.constant 0 : i32
    %select_n3A = arith.select %lt3A_5, %jit3A, %jit3A_6 : i32
    %add3A_7 = arith.constant 78 : i32
    %add3A_8 = arith.addi %add3A_7, %select_n3A : i32
    "tpu.region"() ({
      %run_scoped3A = tpu.sem_alloc : memref<!tpu.dma_semaphore, #tpu.memory_space<semaphore_mem>>
      %dma_start3A_132 = arith.constant 0 : i32
      %dma_start3A_133 = arith.constant 0 : i32
      %dma_start3A_134 = tpu.memref_slice %arg7[%dma_start3A_132, %dma_start3A_133] : memref<79x128xi32, #tpu.memory_space<vmem>> -> memref<78x128xi32, #tpu.memory_space<vmem>>
      %dma_start3A_135 = arith.constant 0 : i32
      %dma_start3A_136 = tpu.memref_slice %arg3[%add3A_4, %dma_start3A_135] : memref<2500x128xi32, #tpu.memory_space<hbm>> -> memref<78x128xi32, #tpu.memory_space<hbm>>
      %dma_start3A_137 = arith.constant 0 : i32
      %dma_start3A_138 = arith.constant 0 : i32
      %dma_start3A_139 = tpu.memref_slice %arg7[%dma_start3A_137, %dma_start3A_138] : memref<79x128xi32, #tpu.memory_space<vmem>> -> memref<78x128xi32, #tpu.memory_space<vmem>>
      %dma_start3A_140 = arith.constant 0 : i32
      %dma_start3A_141 = tpu.memref_slice %arg3[%add3A_4, %dma_start3A_140] : memref<2500x128xi32, #tpu.memory_space<hbm>> -> memref<78x128xi32, #tpu.memory_space<hbm>>
      tpu.enqueue_dma source(%dma_start3A_141 : memref<78x128xi32, #tpu.memory_space<hbm>>) target(%dma_start3A_139 : memref<78x128xi32, #tpu.memory_space<vmem>>) target_semaphore(%run_scoped3A : memref<!tpu.dma_semaphore, #tpu.memory_space<semaphore_mem>>)
      %dma_wait3A = arith.constant 0 : i32
      %dma_wait3A_142 = arith.constant 0 : i32
      %dma_wait3A_143 = tpu.memref_slice %arg7[%dma_wait3A, %dma_wait3A_142] : memref<79x128xi32, #tpu.memory_space<vmem>> -> memref<78x128xi32, #tpu.memory_space<vmem>>
      %dma_wait3A_144 = arith.constant 0 : i32
      %dma_wait3A_145 = tpu.memref_slice %arg3[%add3A_4, %dma_wait3A_144] : memref<2500x128xi32, #tpu.memory_space<hbm>> -> memref<78x128xi32, #tpu.memory_space<hbm>>
      %dma_wait3A_146 = arith.constant 0 : i32
      %dma_wait3A_147 = arith.constant 0 : i32
      %dma_wait3A_148 = tpu.memref_slice %arg7[%dma_wait3A_146, %dma_wait3A_147] : memref<79x128xi32, #tpu.memory_space<vmem>> -> memref<78x128xi32, #tpu.memory_space<vmem>>
      %dma_wait3A_149 = arith.constant 0 : i32
      %dma_wait3A_150 = tpu.memref_slice %arg3[%add3A_4, %dma_wait3A_149] : memref<2500x128xi32, #tpu.memory_space<hbm>> -> memref<78x128xi32, #tpu.memory_space<hbm>>
      tpu.wait_dma2 semaphore(%run_scoped3A : memref<!tpu.dma_semaphore, #tpu.memory_space<semaphore_mem>>) src(%dma_wait3A_150 : memref<78x128xi32, #tpu.memory_space<hbm>>) dst(%dma_wait3A_148 : memref<78x128xi32, #tpu.memory_space<vmem>>)
      tpu.yield
    }) : () -> ()
    "tpu.region"() ({
      %run_scoped3A = tpu.sem_alloc : memref<!tpu.dma_semaphore, #tpu.memory_space<semaphore_mem>>
      %dma_start3A_132 = arith.constant 0 : i32
      %dma_start3A_133 = arith.constant 0 : i32
      %dma_start3A_134 = tpu.memref_slice %arg8[%dma_start3A_132, %dma_start3A_133] : memref<79x128xi32, #tpu.memory_space<vmem>> -> memref<78x128xi32, #tpu.memory_space<vmem>>
      %dma_start3A_135 = arith.constant 0 : i32
      %dma_start3A_136 = tpu.memref_slice %arg4[%add3A_4, %dma_start3A_135] : memref<2500x128xi32, #tpu.memory_space<hbm>> -> memref<78x128xi32, #tpu.memory_space<hbm>>
      %dma_start3A_137 = arith.constant 0 : i32
      %dma_start3A_138 = arith.constant 0 : i32
      %dma_start3A_139 = tpu.memref_slice %arg8[%dma_start3A_137, %dma_start3A_138] : memref<79x128xi32, #tpu.memory_space<vmem>> -> memref<78x128xi32, #tpu.memory_space<vmem>>
      %dma_start3A_140 = arith.constant 0 : i32
      %dma_start3A_141 = tpu.memref_slice %arg4[%add3A_4, %dma_start3A_140] : memref<2500x128xi32, #tpu.memory_space<hbm>> -> memref<78x128xi32, #tpu.memory_space<hbm>>
      tpu.enqueue_dma source(%dma_start3A_141 : memref<78x128xi32, #tpu.memory_space<hbm>>) target(%dma_start3A_139 : memref<78x128xi32, #tpu.memory_space<vmem>>) target_semaphore(%run_scoped3A : memref<!tpu.dma_semaphore, #tpu.memory_space<semaphore_mem>>)
      %dma_wait3A = arith.constant 0 : i32
      %dma_wait3A_142 = arith.constant 0 : i32
      %dma_wait3A_143 = tpu.memref_slice %arg8[%dma_wait3A, %dma_wait3A_142] : memref<79x128xi32, #tpu.memory_space<vmem>> -> memref<78x128xi32, #tpu.memory_space<vmem>>
      %dma_wait3A_144 = arith.constant 0 : i32
      %dma_wait3A_145 = tpu.memref_slice %arg4[%add3A_4, %dma_wait3A_144] : memref<2500x128xi32, #tpu.memory_space<hbm>> -> memref<78x128xi32, #tpu.memory_space<hbm>>
      %dma_wait3A_146 = arith.constant 0 : i32
      %dma_wait3A_147 = arith.constant 0 : i32
      %dma_wait3A_148 = tpu.memref_slice %arg8[%dma_wait3A_146, %dma_wait3A_147] : memref<79x128xi32, #tpu.memory_space<vmem>> -> memref<78x128xi32, #tpu.memory_space<vmem>>
      %dma_wait3A_149 = arith.constant 0 : i32
      %dma_wait3A_150 = tpu.memref_slice %arg4[%add3A_4, %dma_wait3A_149] : memref<2500x128xi32, #tpu.memory_space<hbm>> -> memref<78x128xi32, #tpu.memory_space<hbm>>
      tpu.wait_dma2 semaphore(%run_scoped3A : memref<!tpu.dma_semaphore, #tpu.memory_space<semaphore_mem>>) src(%dma_wait3A_150 : memref<78x128xi32, #tpu.memory_space<hbm>>) dst(%dma_wait3A_148 : memref<78x128xi32, #tpu.memory_space<vmem>>)
      tpu.yield
    }) : () -> ()
    %eq3A = arith.constant 79 : i32
    %eq3A_9 = arith.cmpi eq, %add3A_8, %eq3A : i32
    %convert_element_type3A = arith.extui %eq3A_9 : i1 to i32
    %cond3A = arith.constant 0 : i32
    %cond3A_10 = arith.cmpi ne, %convert_element_type3A, %cond3A : i32
    scf.if %cond3A_10 {
      %add3A_132 = arith.constant 79 : i32
      %add3A_133 = arith.addi %add3A_4, %add3A_132 : i32
      %sub3A = arith.constant 1 : i32
      %sub3A_134 = arith.subi %add3A_133, %sub3A : i32
      "tpu.region"() ({
        %run_scoped3A = tpu.sem_alloc : memref<!tpu.dma_semaphore, #tpu.memory_space<semaphore_mem>>
        %dma_start3A_139 = arith.constant 78 : i32
        %dma_start3A_140 = arith.constant 0 : i32
        %dma_start3A_141 = tpu.memref_slice %arg7[%dma_start3A_139, %dma_start3A_140] : memref<79x128xi32, #tpu.memory_space<vmem>> -> memref<1x128xi32, #tpu.memory_space<vmem>>
        %dma_start3A_142 = arith.constant 0 : i32
        %dma_start3A_143 = tpu.memref_slice %arg3[%sub3A_134, %dma_start3A_142] : memref<2500x128xi32, #tpu.memory_space<hbm>> -> memref<1x128xi32, #tpu.memory_space<hbm>>
        %dma_start3A_144 = arith.constant 78 : i32
        %dma_start3A_145 = arith.constant 0 : i32
        %dma_start3A_146 = tpu.memref_slice %arg7[%dma_start3A_144, %dma_start3A_145] : memref<79x128xi32, #tpu.memory_space<vmem>> -> memref<1x128xi32, #tpu.memory_space<vmem>>
        %dma_start3A_147 = arith.constant 0 : i32
        %dma_start3A_148 = tpu.memref_slice %arg3[%sub3A_134, %dma_start3A_147] : memref<2500x128xi32, #tpu.memory_space<hbm>> -> memref<1x128xi32, #tpu.memory_space<hbm>>
        tpu.enqueue_dma source(%dma_start3A_148 : memref<1x128xi32, #tpu.memory_space<hbm>>) target(%dma_start3A_146 : memref<1x128xi32, #tpu.memory_space<vmem>>) target_semaphore(%run_scoped3A : memref<!tpu.dma_semaphore, #tpu.memory_space<semaphore_mem>>)
        %dma_wait3A = arith.constant 78 : i32
        %dma_wait3A_149 = arith.constant 0 : i32
        %dma_wait3A_150 = tpu.memref_slice %arg7[%dma_wait3A, %dma_wait3A_149] : memref<79x128xi32, #tpu.memory_space<vmem>> -> memref<1x128xi32, #tpu.memory_space<vmem>>
        %dma_wait3A_151 = arith.constant 0 : i32
        %dma_wait3A_152 = tpu.memref_slice %arg3[%sub3A_134, %dma_wait3A_151] : memref<2500x128xi32, #tpu.memory_space<hbm>> -> memref<1x128xi32, #tpu.memory_space<hbm>>
        %dma_wait3A_153 = arith.constant 78 : i32
        %dma_wait3A_154 = arith.constant 0 : i32
        %dma_wait3A_155 = tpu.memref_slice %arg7[%dma_wait3A_153, %dma_wait3A_154] : memref<79x128xi32, #tpu.memory_space<vmem>> -> memref<1x128xi32, #tpu.memory_space<vmem>>
        %dma_wait3A_156 = arith.constant 0 : i32
        %dma_wait3A_157 = tpu.memref_slice %arg3[%sub3A_134, %dma_wait3A_156] : memref<2500x128xi32, #tpu.memory_space<hbm>> -> memref<1x128xi32, #tpu.memory_space<hbm>>
        tpu.wait_dma2 semaphore(%run_scoped3A : memref<!tpu.dma_semaphore, #tpu.memory_space<semaphore_mem>>) src(%dma_wait3A_157 : memref<1x128xi32, #tpu.memory_space<hbm>>) dst(%dma_wait3A_155 : memref<1x128xi32, #tpu.memory_space<vmem>>)
        tpu.yield
      }) : () -> ()
      %add3A_135 = arith.constant 79 : i32
      %add3A_136 = arith.addi %add3A_4, %add3A_135 : i32
      %sub3A_137 = arith.constant 1 : i32
      %sub3A_138 = arith.subi %add3A_136, %sub3A_137 : i32
      "tpu.region"() ({
        %run_scoped3A = tpu.sem_alloc : memref<!tpu.dma_semaphore, #tpu.memory_space<semaphore_mem>>
        %dma_start3A_139 = arith.constant 78 : i32
        %dma_start3A_140 = arith.constant 0 : i32
        %dma_start3A_141 = tpu.memref_slice %arg8[%dma_start3A_139, %dma_start3A_140] : memref<79x128xi32, #tpu.memory_space<vmem>> -> memref<1x128xi32, #tpu.memory_space<vmem>>
        %dma_start3A_142 = arith.constant 0 : i32
        %dma_start3A_143 = tpu.memref_slice %arg4[%sub3A_138, %dma_start3A_142] : memref<2500x128xi32, #tpu.memory_space<hbm>> -> memref<1x128xi32, #tpu.memory_space<hbm>>
        %dma_start3A_144 = arith.constant 78 : i32
        %dma_start3A_145 = arith.constant 0 : i32
        %dma_start3A_146 = tpu.memref_slice %arg8[%dma_start3A_144, %dma_start3A_145] : memref<79x128xi32, #tpu.memory_space<vmem>> -> memref<1x128xi32, #tpu.memory_space<vmem>>
        %dma_start3A_147 = arith.constant 0 : i32
        %dma_start3A_148 = tpu.memref_slice %arg4[%sub3A_138, %dma_start3A_147] : memref<2500x128xi32, #tpu.memory_space<hbm>> -> memref<1x128xi32, #tpu.memory_space<hbm>>
        tpu.enqueue_dma source(%dma_start3A_148 : memref<1x128xi32, #tpu.memory_space<hbm>>) target(%dma_start3A_146 : memref<1x128xi32, #tpu.memory_space<vmem>>) target_semaphore(%run_scoped3A : memref<!tpu.dma_semaphore, #tpu.memory_space<semaphore_mem>>)
        %dma_wait3A = arith.constant 78 : i32
        %dma_wait3A_149 = arith.constant 0 : i32
        %dma_wait3A_150 = tpu.memref_slice %arg8[%dma_wait3A, %dma_wait3A_149] : memref<79x128xi32, #tpu.memory_space<vmem>> -> memref<1x128xi32, #tpu.memory_space<vmem>>
        %dma_wait3A_151 = arith.constant 0 : i32
        %dma_wait3A_152 = tpu.memref_slice %arg4[%sub3A_138, %dma_wait3A_151] : memref<2500x128xi32, #tpu.memory_space<hbm>> -> memref<1x128xi32, #tpu.memory_space<hbm>>
        %dma_wait3A_153 = arith.constant 78 : i32
        %dma_wait3A_154 = arith.constant 0 : i32
        %dma_wait3A_155 = tpu.memref_slice %arg8[%dma_wait3A_153, %dma_wait3A_154] : memref<79x128xi32, #tpu.memory_space<vmem>> -> memref<1x128xi32, #tpu.memory_space<vmem>>
        %dma_wait3A_156 = arith.constant 0 : i32
        %dma_wait3A_157 = tpu.memref_slice %arg4[%sub3A_138, %dma_wait3A_156] : memref<2500x128xi32, #tpu.memory_space<hbm>> -> memref<1x128xi32, #tpu.memory_space<hbm>>
        tpu.wait_dma2 semaphore(%run_scoped3A : memref<!tpu.dma_semaphore, #tpu.memory_space<semaphore_mem>>) src(%dma_wait3A_157 : memref<1x128xi32, #tpu.memory_space<hbm>>) dst(%dma_wait3A_155 : memref<1x128xi32, #tpu.memory_space<vmem>>)
        tpu.yield
      }) : () -> ()
    } else {
    }
    %mul3A_11 = arith.constant 625 : i32
    %mul3A_12 = arith.muli %arg1, %mul3A_11 : i32
    %mul3A_13 = arith.constant 625 : i32
    %mul3A_14 = arith.muli %arg1, %mul3A_13 : i32
    "tpu.region"() ({
      %run_scoped3A = tpu.sem_alloc : memref<!tpu.dma_semaphore, #tpu.memory_space<semaphore_mem>>
      %dma_start3A_132 = arith.constant 0 : i32
      %dma_start3A_133 = tpu.memref_slice %arg10[%mul3A_14, %dma_start3A_132] : memref<10000x64xf32, #tpu.memory_space<vmem_shared>> -> memref<625x64xf32, #tpu.memory_space<vmem_shared>>
      %dma_start3A_134 = arith.constant 0 : i32
      %dma_start3A_135 = tpu.memref_slice %arg5[%mul3A_12, %dma_start3A_134] : memref<10000x64xf32, #tpu.memory_space<hbm>> -> memref<625x64xf32, #tpu.memory_space<hbm>>
      tpu.enqueue_dma source(%dma_start3A_135 : memref<625x64xf32, #tpu.memory_space<hbm>>) target(%dma_start3A_133 : memref<625x64xf32, #tpu.memory_space<vmem_shared>>) target_semaphore(%run_scoped3A : memref<!tpu.dma_semaphore, #tpu.memory_space<semaphore_mem>>)
      %dma_wait3A = arith.constant 0 : i32
      %dma_wait3A_136 = tpu.memref_slice %arg10[%mul3A_14, %dma_wait3A] : memref<10000x64xf32, #tpu.memory_space<vmem_shared>> -> memref<625x64xf32, #tpu.memory_space<vmem_shared>>
      %dma_wait3A_137 = arith.constant 0 : i32
      %dma_wait3A_138 = tpu.memref_slice %arg5[%mul3A_12, %dma_wait3A_137] : memref<10000x64xf32, #tpu.memory_space<hbm>> -> memref<625x64xf32, #tpu.memory_space<hbm>>
      tpu.wait_dma2 semaphore(%run_scoped3A : memref<!tpu.dma_semaphore, #tpu.memory_space<semaphore_mem>>) src(%dma_wait3A_138 : memref<625x64xf32, #tpu.memory_space<hbm>>) dst(%dma_wait3A_136 : memref<625x64xf32, #tpu.memory_space<vmem_shared>>)
      tpu.yield
    }) : () -> ()
    %barrier3A = arith.constant 0 : index
    tpu.barrier barrier_id(%barrier3A)
    %dma_start3A = arith.constant 0 : i32
    %dma_start3A_15 = arith.constant 0 : i32
    %dma_start3A_16 = arith.constant 0 : i32
    %dma_start3A_17 = arith.constant 0 : i32
    %dma_start3A_18 = tpu.memref_slice %arg9[%dma_start3A_15, %dma_start3A_16, %dma_start3A_17] : memref<8x128x64xf32, #tpu.memory_space<vmem>> -> memref<1x128x64xf32, #tpu.memory_space<vmem>>
    %dma_start3A_19 = tpu.memref_squeeze %dma_start3A_18 : memref<1x128x64xf32, #tpu.memory_space<vmem>> -> memref<128x64xf32, #tpu.memory_space<vmem>>
    %dma_start3A_20 = arith.constant 0 : i32
    %dma_start3A_21 = tpu.memref_slice %arg7[%dma_start3A, %dma_start3A_20] : memref<79x128xi32, #tpu.memory_space<vmem>> -> memref<1x128xi32, #tpu.memory_space<vmem>>
    %dma_start3A_22 = tpu.memref_squeeze %dma_start3A_21 : memref<1x128xi32, #tpu.memory_space<vmem>> -> memref<128xi32, #tpu.memory_space<vmem>>
    %dma_start3A_23 = arith.constant 0 : i32
    %dma_start3A_24 = arith.constant 0 : i32
    %dma_start3A_25 = tpu.memref_slice %arg2[%dma_start3A_23, %dma_start3A_24] : memref<10000x64xf32, #tpu.memory_space<hbm>> -> memref<10000x64xf32, #tpu.memory_space<hbm>>
    tpu.enqueue_indirect_dma source(%dma_start3A_25 : memref<10000x64xf32, #tpu.memory_space<hbm>>) target(%dma_start3A_19 : memref<128x64xf32, #tpu.memory_space<vmem>>) offsets(%dma_start3A_22 : memref<128xi32, #tpu.memory_space<vmem>>) semaphore(%arg11 : memref<!tpu.dma_semaphore, #tpu.memory_space<semaphore_mem>>)
    %dma_start3A_26 = arith.constant 1 : i32
    %dma_start3A_27 = arith.constant 1 : i32
    %dma_start3A_28 = arith.constant 0 : i32
    %dma_start3A_29 = arith.constant 0 : i32
    %dma_start3A_30 = tpu.memref_slice %arg9[%dma_start3A_27, %dma_start3A_28, %dma_start3A_29] : memref<8x128x64xf32, #tpu.memory_space<vmem>> -> memref<1x128x64xf32, #tpu.memory_space<vmem>>
    %dma_start3A_31 = tpu.memref_squeeze %dma_start3A_30 : memref<1x128x64xf32, #tpu.memory_space<vmem>> -> memref<128x64xf32, #tpu.memory_space<vmem>>
    %dma_start3A_32 = arith.constant 0 : i32
    %dma_start3A_33 = tpu.memref_slice %arg7[%dma_start3A_26, %dma_start3A_32] : memref<79x128xi32, #tpu.memory_space<vmem>> -> memref<1x128xi32, #tpu.memory_space<vmem>>
    %dma_start3A_34 = tpu.memref_squeeze %dma_start3A_33 : memref<1x128xi32, #tpu.memory_space<vmem>> -> memref<128xi32, #tpu.memory_space<vmem>>
    %dma_start3A_35 = arith.constant 0 : i32
    %dma_start3A_36 = arith.constant 0 : i32
    %dma_start3A_37 = tpu.memref_slice %arg2[%dma_start3A_35, %dma_start3A_36] : memref<10000x64xf32, #tpu.memory_space<hbm>> -> memref<10000x64xf32, #tpu.memory_space<hbm>>
    tpu.enqueue_indirect_dma source(%dma_start3A_37 : memref<10000x64xf32, #tpu.memory_space<hbm>>) target(%dma_start3A_31 : memref<128x64xf32, #tpu.memory_space<vmem>>) offsets(%dma_start3A_34 : memref<128xi32, #tpu.memory_space<vmem>>) semaphore(%arg11 : memref<!tpu.dma_semaphore, #tpu.memory_space<semaphore_mem>>)
    %dma_start3A_38 = arith.constant 2 : i32
    %dma_start3A_39 = arith.constant 2 : i32
    %dma_start3A_40 = arith.constant 0 : i32
    %dma_start3A_41 = arith.constant 0 : i32
    %dma_start3A_42 = tpu.memref_slice %arg9[%dma_start3A_39, %dma_start3A_40, %dma_start3A_41] : memref<8x128x64xf32, #tpu.memory_space<vmem>> -> memref<1x128x64xf32, #tpu.memory_space<vmem>>
    %dma_start3A_43 = tpu.memref_squeeze %dma_start3A_42 : memref<1x128x64xf32, #tpu.memory_space<vmem>> -> memref<128x64xf32, #tpu.memory_space<vmem>>
    %dma_start3A_44 = arith.constant 0 : i32
    %dma_start3A_45 = tpu.memref_slice %arg7[%dma_start3A_38, %dma_start3A_44] : memref<79x128xi32, #tpu.memory_space<vmem>> -> memref<1x128xi32, #tpu.memory_space<vmem>>
    %dma_start3A_46 = tpu.memref_squeeze %dma_start3A_45 : memref<1x128xi32, #tpu.memory_space<vmem>> -> memref<128xi32, #tpu.memory_space<vmem>>
    %dma_start3A_47 = arith.constant 0 : i32
    %dma_start3A_48 = arith.constant 0 : i32
    %dma_start3A_49 = tpu.memref_slice %arg2[%dma_start3A_47, %dma_start3A_48] : memref<10000x64xf32, #tpu.memory_space<hbm>> -> memref<10000x64xf32, #tpu.memory_space<hbm>>
    tpu.enqueue_indirect_dma source(%dma_start3A_49 : memref<10000x64xf32, #tpu.memory_space<hbm>>) target(%dma_start3A_43 : memref<128x64xf32, #tpu.memory_space<vmem>>) offsets(%dma_start3A_46 : memref<128xi32, #tpu.memory_space<vmem>>) semaphore(%arg11 : memref<!tpu.dma_semaphore, #tpu.memory_space<semaphore_mem>>)
    %dma_start3A_50 = arith.constant 3 : i32
    %dma_start3A_51 = arith.constant 3 : i32
    %dma_start3A_52 = arith.constant 0 : i32
    %dma_start3A_53 = arith.constant 0 : i32
    %dma_start3A_54 = tpu.memref_slice %arg9[%dma_start3A_51, %dma_start3A_52, %dma_start3A_53] : memref<8x128x64xf32, #tpu.memory_space<vmem>> -> memref<1x128x64xf32, #tpu.memory_space<vmem>>
    %dma_start3A_55 = tpu.memref_squeeze %dma_start3A_54 : memref<1x128x64xf32, #tpu.memory_space<vmem>> -> memref<128x64xf32, #tpu.memory_space<vmem>>
    %dma_start3A_56 = arith.constant 0 : i32
    %dma_start3A_57 = tpu.memref_slice %arg7[%dma_start3A_50, %dma_start3A_56] : memref<79x128xi32, #tpu.memory_space<vmem>> -> memref<1x128xi32, #tpu.memory_space<vmem>>
    %dma_start3A_58 = tpu.memref_squeeze %dma_start3A_57 : memref<1x128xi32, #tpu.memory_space<vmem>> -> memref<128xi32, #tpu.memory_space<vmem>>
    %dma_start3A_59 = arith.constant 0 : i32
    %dma_start3A_60 = arith.constant 0 : i32
    %dma_start3A_61 = tpu.memref_slice %arg2[%dma_start3A_59, %dma_start3A_60] : memref<10000x64xf32, #tpu.memory_space<hbm>> -> memref<10000x64xf32, #tpu.memory_space<hbm>>
    tpu.enqueue_indirect_dma source(%dma_start3A_61 : memref<10000x64xf32, #tpu.memory_space<hbm>>) target(%dma_start3A_55 : memref<128x64xf32, #tpu.memory_space<vmem>>) offsets(%dma_start3A_58 : memref<128xi32, #tpu.memory_space<vmem>>) semaphore(%arg11 : memref<!tpu.dma_semaphore, #tpu.memory_space<semaphore_mem>>)
    %dma_start3A_62 = arith.constant 4 : i32
    %dma_start3A_63 = arith.constant 4 : i32
    %dma_start3A_64 = arith.constant 0 : i32
    %dma_start3A_65 = arith.constant 0 : i32
    %dma_start3A_66 = tpu.memref_slice %arg9[%dma_start3A_63, %dma_start3A_64, %dma_start3A_65] : memref<8x128x64xf32, #tpu.memory_space<vmem>> -> memref<1x128x64xf32, #tpu.memory_space<vmem>>
    %dma_start3A_67 = tpu.memref_squeeze %dma_start3A_66 : memref<1x128x64xf32, #tpu.memory_space<vmem>> -> memref<128x64xf32, #tpu.memory_space<vmem>>
    %dma_start3A_68 = arith.constant 0 : i32
    %dma_start3A_69 = tpu.memref_slice %arg7[%dma_start3A_62, %dma_start3A_68] : memref<79x128xi32, #tpu.memory_space<vmem>> -> memref<1x128xi32, #tpu.memory_space<vmem>>
    %dma_start3A_70 = tpu.memref_squeeze %dma_start3A_69 : memref<1x128xi32, #tpu.memory_space<vmem>> -> memref<128xi32, #tpu.memory_space<vmem>>
    %dma_start3A_71 = arith.constant 0 : i32
    %dma_start3A_72 = arith.constant 0 : i32
    %dma_start3A_73 = tpu.memref_slice %arg2[%dma_start3A_71, %dma_start3A_72] : memref<10000x64xf32, #tpu.memory_space<hbm>> -> memref<10000x64xf32, #tpu.memory_space<hbm>>
    tpu.enqueue_indirect_dma source(%dma_start3A_73 : memref<10000x64xf32, #tpu.memory_space<hbm>>) target(%dma_start3A_67 : memref<128x64xf32, #tpu.memory_space<vmem>>) offsets(%dma_start3A_70 : memref<128xi32, #tpu.memory_space<vmem>>) semaphore(%arg11 : memref<!tpu.dma_semaphore, #tpu.memory_space<semaphore_mem>>)
    %dma_start3A_74 = arith.constant 5 : i32
    %dma_start3A_75 = arith.constant 5 : i32
    %dma_start3A_76 = arith.constant 0 : i32
    %dma_start3A_77 = arith.constant 0 : i32
    %dma_start3A_78 = tpu.memref_slice %arg9[%dma_start3A_75, %dma_start3A_76, %dma_start3A_77] : memref<8x128x64xf32, #tpu.memory_space<vmem>> -> memref<1x128x64xf32, #tpu.memory_space<vmem>>
    %dma_start3A_79 = tpu.memref_squeeze %dma_start3A_78 : memref<1x128x64xf32, #tpu.memory_space<vmem>> -> memref<128x64xf32, #tpu.memory_space<vmem>>
    %dma_start3A_80 = arith.constant 0 : i32
    %dma_start3A_81 = tpu.memref_slice %arg7[%dma_start3A_74, %dma_start3A_80] : memref<79x128xi32, #tpu.memory_space<vmem>> -> memref<1x128xi32, #tpu.memory_space<vmem>>
    %dma_start3A_82 = tpu.memref_squeeze %dma_start3A_81 : memref<1x128xi32, #tpu.memory_space<vmem>> -> memref<128xi32, #tpu.memory_space<vmem>>
    %dma_start3A_83 = arith.constant 0 : i32
    %dma_start3A_84 = arith.constant 0 : i32
    %dma_start3A_85 = tpu.memref_slice %arg2[%dma_start3A_83, %dma_start3A_84] : memref<10000x64xf32, #tpu.memory_space<hbm>> -> memref<10000x64xf32, #tpu.memory_space<hbm>>
    tpu.enqueue_indirect_dma source(%dma_start3A_85 : memref<10000x64xf32, #tpu.memory_space<hbm>>) target(%dma_start3A_79 : memref<128x64xf32, #tpu.memory_space<vmem>>) offsets(%dma_start3A_82 : memref<128xi32, #tpu.memory_space<vmem>>) semaphore(%arg11 : memref<!tpu.dma_semaphore, #tpu.memory_space<semaphore_mem>>)
    %dma_start3A_86 = arith.constant 6 : i32
    %dma_start3A_87 = arith.constant 6 : i32
    %dma_start3A_88 = arith.constant 0 : i32
    %dma_start3A_89 = arith.constant 0 : i32
    %dma_start3A_90 = tpu.memref_slice %arg9[%dma_start3A_87, %dma_start3A_88, %dma_start3A_89] : memref<8x128x64xf32, #tpu.memory_space<vmem>> -> memref<1x128x64xf32, #tpu.memory_space<vmem>>
    %dma_start3A_91 = tpu.memref_squeeze %dma_start3A_90 : memref<1x128x64xf32, #tpu.memory_space<vmem>> -> memref<128x64xf32, #tpu.memory_space<vmem>>
    %dma_start3A_92 = arith.constant 0 : i32
    %dma_start3A_93 = tpu.memref_slice %arg7[%dma_start3A_86, %dma_start3A_92] : memref<79x128xi32, #tpu.memory_space<vmem>> -> memref<1x128xi32, #tpu.memory_space<vmem>>
    %dma_start3A_94 = tpu.memref_squeeze %dma_start3A_93 : memref<1x128xi32, #tpu.memory_space<vmem>> -> memref<128xi32, #tpu.memory_space<vmem>>
    %dma_start3A_95 = arith.constant 0 : i32
    %dma_start3A_96 = arith.constant 0 : i32
    %dma_start3A_97 = tpu.memref_slice %arg2[%dma_start3A_95, %dma_start3A_96] : memref<10000x64xf32, #tpu.memory_space<hbm>> -> memref<10000x64xf32, #tpu.memory_space<hbm>>
    tpu.enqueue_indirect_dma source(%dma_start3A_97 : memref<10000x64xf32, #tpu.memory_space<hbm>>) target(%dma_start3A_91 : memref<128x64xf32, #tpu.memory_space<vmem>>) offsets(%dma_start3A_94 : memref<128xi32, #tpu.memory_space<vmem>>) semaphore(%arg11 : memref<!tpu.dma_semaphore, #tpu.memory_space<semaphore_mem>>)
    %dma_start3A_98 = arith.constant 7 : i32
    %dma_start3A_99 = arith.constant 7 : i32
    %dma_start3A_100 = arith.constant 0 : i32
    %dma_start3A_101 = arith.constant 0 : i32
    %dma_start3A_102 = tpu.memref_slice %arg9[%dma_start3A_99, %dma_start3A_100, %dma_start3A_101] : memref<8x128x64xf32, #tpu.memory_space<vmem>> -> memref<1x128x64xf32, #tpu.memory_space<vmem>>
    %dma_start3A_103 = tpu.memref_squeeze %dma_start3A_102 : memref<1x128x64xf32, #tpu.memory_space<vmem>> -> memref<128x64xf32, #tpu.memory_space<vmem>>
    %dma_start3A_104 = arith.constant 0 : i32
    %dma_start3A_105 = tpu.memref_slice %arg7[%dma_start3A_98, %dma_start3A_104] : memref<79x128xi32, #tpu.memory_space<vmem>> -> memref<1x128xi32, #tpu.memory_space<vmem>>
    %dma_start3A_106 = tpu.memref_squeeze %dma_start3A_105 : memref<1x128xi32, #tpu.memory_space<vmem>> -> memref<128xi32, #tpu.memory_space<vmem>>
    %dma_start3A_107 = arith.constant 0 : i32
    %dma_start3A_108 = arith.constant 0 : i32
    %dma_start3A_109 = tpu.memref_slice %arg2[%dma_start3A_107, %dma_start3A_108] : memref<10000x64xf32, #tpu.memory_space<hbm>> -> memref<10000x64xf32, #tpu.memory_space<hbm>>
    tpu.enqueue_indirect_dma source(%dma_start3A_109 : memref<10000x64xf32, #tpu.memory_space<hbm>>) target(%dma_start3A_103 : memref<128x64xf32, #tpu.memory_space<vmem>>) offsets(%dma_start3A_106 : memref<128xi32, #tpu.memory_space<vmem>>) semaphore(%arg11 : memref<!tpu.dma_semaphore, #tpu.memory_space<semaphore_mem>>)
    %while3A = arith.constant 0 : i32
    %while3A_110 = arith.constant 0 : i32
    %while3A_111 = arith.subi %add3A_8, %while3A : i32
    %while3A_112 = arith.addi %while3A, %while3A_111 : i32
    %while3A_113 = arith.constant 1 : i32
    %while3A_114 = arith.divsi %while3A_111, %while3A_113 : i32
    %while3A_115 = arith.muli %while3A_114, %while3A_113 : i32
    %while3A_116 = arith.addi %while3A, %while3A_115 : i32
    %while3A_117 = arith.constant 1 : i32
    %while3A_118 = scf.for %while3A_132 = %while3A to %while3A_116 step %while3A_117 iter_args(%while3A_133 = %while3A_110) -> (i32)  : i32 {
      %ge3A = arith.constant 2 : i32
      %ge3A_134 = arith.cmpi sge, %while3A_132, %ge3A : i32
      %convert_element_type3A_135 = arith.extui %ge3A_134 : i1 to i32
      %cond3A_136 = arith.constant 0 : i32
      %cond3A_137 = arith.cmpi ne, %convert_element_type3A_135, %cond3A_136 : i32
      scf.if %cond3A_137 {
        %sub3A = arith.constant 2 : i32
        %sub3A_159 = arith.subi %while3A_132, %sub3A : i32
        %rem3A_160 = arith.constant 8 : i32
        %rem3A_161 = arith.remsi %sub3A_159, %rem3A_160 : i32
        %sub3A_162 = arith.constant 2 : i32
        %sub3A_163 = arith.subi %while3A_132, %sub3A_162 : i32
        %dma_wait3A_164 = arith.constant 0 : i32
        %dma_wait3A_165 = arith.constant 0 : i32
        %dma_wait3A_166 = tpu.memref_slice %arg9[%rem3A_161, %dma_wait3A_164, %dma_wait3A_165] : memref<8x128x64xf32, #tpu.memory_space<vmem>> -> memref<1x128x64xf32, #tpu.memory_space<vmem>>
        %dma_wait3A_167 = tpu.memref_squeeze %dma_wait3A_166 : memref<1x128x64xf32, #tpu.memory_space<vmem>> -> memref<128x64xf32, #tpu.memory_space<vmem>>
        %dma_wait3A_168 = arith.constant 0 : i32
        %dma_wait3A_169 = tpu.memref_slice %arg8[%sub3A_163, %dma_wait3A_168] : memref<79x128xi32, #tpu.memory_space<vmem>> -> memref<1x128xi32, #tpu.memory_space<vmem>>
        %dma_wait3A_170 = tpu.memref_squeeze %dma_wait3A_169 : memref<1x128xi32, #tpu.memory_space<vmem>> -> memref<128xi32, #tpu.memory_space<vmem>>
        %dma_wait3A_171 = arith.constant 0 : i32
        %dma_wait3A_172 = arith.constant 0 : i32
        %dma_wait3A_173 = tpu.memref_slice %arg10[%dma_wait3A_171, %dma_wait3A_172] : memref<10000x64xf32, #tpu.memory_space<vmem_shared>> -> memref<10000x64xf32, #tpu.memory_space<vmem_shared>>
        tpu.wait_indirect_dma semaphore(%arg12 : memref<!tpu.dma_semaphore, #tpu.memory_space<semaphore_mem>>) src(%dma_wait3A_167 : memref<128x64xf32, #tpu.memory_space<vmem>>) dst(%dma_wait3A_173 : memref<10000x64xf32, #tpu.memory_space<vmem_shared>>)
        %add3A_174 = arith.constant 8 : i32
        %add3A_175 = arith.addi %while3A_132, %add3A_174 : i32
        %sub3A_176 = arith.constant 2 : i32
        %sub3A_177 = arith.subi %add3A_175, %sub3A_176 : i32
        %lt3A_178 = arith.cmpi slt, %sub3A_177, %add3A_8 : i32
        %convert_element_type3A_179 = arith.extui %lt3A_178 : i1 to i32
        %cond3A_180 = arith.constant 0 : i32
        %cond3A_181 = arith.cmpi ne, %convert_element_type3A_179, %cond3A_180 : i32
        scf.if %cond3A_181 {
          %rem3A_182 = arith.constant 8 : i32
          %rem3A_183 = arith.remsi %sub3A_177, %rem3A_182 : i32
          %dma_start3A_184 = arith.constant 0 : i32
          %dma_start3A_185 = arith.constant 0 : i32
          %dma_start3A_186 = tpu.memref_slice %arg9[%rem3A_183, %dma_start3A_184, %dma_start3A_185] : memref<8x128x64xf32, #tpu.memory_space<vmem>> -> memref<1x128x64xf32, #tpu.memory_space<vmem>>
          %dma_start3A_187 = tpu.memref_squeeze %dma_start3A_186 : memref<1x128x64xf32, #tpu.memory_space<vmem>> -> memref<128x64xf32, #tpu.memory_space<vmem>>
          %dma_start3A_188 = arith.constant 0 : i32
          %dma_start3A_189 = tpu.memref_slice %arg7[%sub3A_177, %dma_start3A_188] : memref<79x128xi32, #tpu.memory_space<vmem>> -> memref<1x128xi32, #tpu.memory_space<vmem>>
          %dma_start3A_190 = tpu.memref_squeeze %dma_start3A_189 : memref<1x128xi32, #tpu.memory_space<vmem>> -> memref<128xi32, #tpu.memory_space<vmem>>
          %dma_start3A_191 = arith.constant 0 : i32
          %dma_start3A_192 = arith.constant 0 : i32
          %dma_start3A_193 = tpu.memref_slice %arg2[%dma_start3A_191, %dma_start3A_192] : memref<10000x64xf32, #tpu.memory_space<hbm>> -> memref<10000x64xf32, #tpu.memory_space<hbm>>
          tpu.enqueue_indirect_dma source(%dma_start3A_193 : memref<10000x64xf32, #tpu.memory_space<hbm>>) target(%dma_start3A_187 : memref<128x64xf32, #tpu.memory_space<vmem>>) offsets(%dma_start3A_190 : memref<128xi32, #tpu.memory_space<vmem>>) semaphore(%arg11 : memref<!tpu.dma_semaphore, #tpu.memory_space<semaphore_mem>>)
        } else {
        }
      } else {
      }
      %rem3A = arith.constant 8 : i32
      %rem3A_138 = arith.remsi %while3A_132, %rem3A : i32
      %dma_wait3A = arith.constant 0 : i32
      %dma_wait3A_139 = arith.constant 0 : i32
      %dma_wait3A_140 = tpu.memref_slice %arg9[%rem3A_138, %dma_wait3A, %dma_wait3A_139] : memref<8x128x64xf32, #tpu.memory_space<vmem>> -> memref<1x128x64xf32, #tpu.memory_space<vmem>>
      %dma_wait3A_141 = tpu.memref_squeeze %dma_wait3A_140 : memref<1x128x64xf32, #tpu.memory_space<vmem>> -> memref<128x64xf32, #tpu.memory_space<vmem>>
      %dma_wait3A_142 = arith.constant 0 : i32
      %dma_wait3A_143 = tpu.memref_slice %arg7[%while3A_132, %dma_wait3A_142] : memref<79x128xi32, #tpu.memory_space<vmem>> -> memref<1x128xi32, #tpu.memory_space<vmem>>
      %dma_wait3A_144 = tpu.memref_squeeze %dma_wait3A_143 : memref<1x128xi32, #tpu.memory_space<vmem>> -> memref<128xi32, #tpu.memory_space<vmem>>
      %dma_wait3A_145 = arith.constant 0 : i32
      %dma_wait3A_146 = arith.constant 0 : i32
      %dma_wait3A_147 = tpu.memref_slice %arg2[%dma_wait3A_145, %dma_wait3A_146] : memref<10000x64xf32, #tpu.memory_space<hbm>> -> memref<10000x64xf32, #tpu.memory_space<hbm>>
      tpu.wait_indirect_dma semaphore(%arg11 : memref<!tpu.dma_semaphore, #tpu.memory_space<semaphore_mem>>) src(%dma_wait3A_147 : memref<10000x64xf32, #tpu.memory_space<hbm>>) dst(%dma_wait3A_141 : memref<128x64xf32, #tpu.memory_space<vmem>>)
      %dma_start3A_148 = arith.constant 0 : i32
      %dma_start3A_149 = arith.constant 0 : i32
      %dma_start3A_150 = tpu.memref_slice %arg9[%rem3A_138, %dma_start3A_148, %dma_start3A_149] : memref<8x128x64xf32, #tpu.memory_space<vmem>> -> memref<1x128x64xf32, #tpu.memory_space<vmem>>
      %dma_start3A_151 = tpu.memref_squeeze %dma_start3A_150 : memref<1x128x64xf32, #tpu.memory_space<vmem>> -> memref<128x64xf32, #tpu.memory_space<vmem>>
      %dma_start3A_152 = arith.constant 0 : i32
      %dma_start3A_153 = tpu.memref_slice %arg8[%while3A_132, %dma_start3A_152] : memref<79x128xi32, #tpu.memory_space<vmem>> -> memref<1x128xi32, #tpu.memory_space<vmem>>
      %dma_start3A_154 = tpu.memref_squeeze %dma_start3A_153 : memref<1x128xi32, #tpu.memory_space<vmem>> -> memref<128xi32, #tpu.memory_space<vmem>>
      %dma_start3A_155 = arith.constant 0 : i32
      %dma_start3A_156 = arith.constant 0 : i32
      %dma_start3A_157 = tpu.memref_slice %arg10[%dma_start3A_155, %dma_start3A_156] : memref<10000x64xf32, #tpu.memory_space<vmem_shared>> -> memref<10000x64xf32, #tpu.memory_space<vmem_shared>>
      tpu.enqueue_indirect_dma source(%dma_start3A_151 : memref<128x64xf32, #tpu.memory_space<vmem>>) target(%dma_start3A_157 : memref<10000x64xf32, #tpu.memory_space<vmem_shared>>) offsets(%dma_start3A_154 : memref<128xi32, #tpu.memory_space<vmem>>) semaphore(%arg12 : memref<!tpu.dma_semaphore, #tpu.memory_space<semaphore_mem>>) {add = true}
      %while3A_158 = arith.constant 0 : i32
      scf.yield %while3A_158 : i32
    }
    %while3A_119 = arith.constant 1 : i32
    %while3A_120 = scf.for %while3A_132 = %while3A_116 to %while3A_112 step %while3A_119 iter_args(%while3A_133 = %while3A_118) -> (i32)  : i32 {
      %ge3A = arith.constant 2 : i32
      %ge3A_134 = arith.cmpi sge, %while3A_132, %ge3A : i32
      %convert_element_type3A_135 = arith.extui %ge3A_134 : i1 to i32
      %cond3A_136 = arith.constant 0 : i32
      %cond3A_137 = arith.cmpi ne, %convert_element_type3A_135, %cond3A_136 : i32
      scf.if %cond3A_137 {
        %sub3A = arith.constant 2 : i32
        %sub3A_159 = arith.subi %while3A_132, %sub3A : i32
        %rem3A_160 = arith.constant 8 : i32
        %rem3A_161 = arith.remsi %sub3A_159, %rem3A_160 : i32
        %sub3A_162 = arith.constant 2 : i32
        %sub3A_163 = arith.subi %while3A_132, %sub3A_162 : i32
        %dma_wait3A_164 = arith.constant 0 : i32
        %dma_wait3A_165 = arith.constant 0 : i32
        %dma_wait3A_166 = tpu.memref_slice %arg9[%rem3A_161, %dma_wait3A_164, %dma_wait3A_165] : memref<8x128x64xf32, #tpu.memory_space<vmem>> -> memref<1x128x64xf32, #tpu.memory_space<vmem>>
        %dma_wait3A_167 = tpu.memref_squeeze %dma_wait3A_166 : memref<1x128x64xf32, #tpu.memory_space<vmem>> -> memref<128x64xf32, #tpu.memory_space<vmem>>
        %dma_wait3A_168 = arith.constant 0 : i32
        %dma_wait3A_169 = tpu.memref_slice %arg8[%sub3A_163, %dma_wait3A_168] : memref<79x128xi32, #tpu.memory_space<vmem>> -> memref<1x128xi32, #tpu.memory_space<vmem>>
        %dma_wait3A_170 = tpu.memref_squeeze %dma_wait3A_169 : memref<1x128xi32, #tpu.memory_space<vmem>> -> memref<128xi32, #tpu.memory_space<vmem>>
        %dma_wait3A_171 = arith.constant 0 : i32
        %dma_wait3A_172 = arith.constant 0 : i32
        %dma_wait3A_173 = tpu.memref_slice %arg10[%dma_wait3A_171, %dma_wait3A_172] : memref<10000x64xf32, #tpu.memory_space<vmem_shared>> -> memref<10000x64xf32, #tpu.memory_space<vmem_shared>>
        tpu.wait_indirect_dma semaphore(%arg12 : memref<!tpu.dma_semaphore, #tpu.memory_space<semaphore_mem>>) src(%dma_wait3A_167 : memref<128x64xf32, #tpu.memory_space<vmem>>) dst(%dma_wait3A_173 : memref<10000x64xf32, #tpu.memory_space<vmem_shared>>)
        %add3A_174 = arith.constant 8 : i32
        %add3A_175 = arith.addi %while3A_132, %add3A_174 : i32
        %sub3A_176 = arith.constant 2 : i32
        %sub3A_177 = arith.subi %add3A_175, %sub3A_176 : i32
        %lt3A_178 = arith.cmpi slt, %sub3A_177, %add3A_8 : i32
        %convert_element_type3A_179 = arith.extui %lt3A_178 : i1 to i32
        %cond3A_180 = arith.constant 0 : i32
        %cond3A_181 = arith.cmpi ne, %convert_element_type3A_179, %cond3A_180 : i32
        scf.if %cond3A_181 {
          %rem3A_182 = arith.constant 8 : i32
          %rem3A_183 = arith.remsi %sub3A_177, %rem3A_182 : i32
          %dma_start3A_184 = arith.constant 0 : i32
          %dma_start3A_185 = arith.constant 0 : i32
          %dma_start3A_186 = tpu.memref_slice %arg9[%rem3A_183, %dma_start3A_184, %dma_start3A_185] : memref<8x128x64xf32, #tpu.memory_space<vmem>> -> memref<1x128x64xf32, #tpu.memory_space<vmem>>
          %dma_start3A_187 = tpu.memref_squeeze %dma_start3A_186 : memref<1x128x64xf32, #tpu.memory_space<vmem>> -> memref<128x64xf32, #tpu.memory_space<vmem>>
          %dma_start3A_188 = arith.constant 0 : i32
          %dma_start3A_189 = tpu.memref_slice %arg7[%sub3A_177, %dma_start3A_188] : memref<79x128xi32, #tpu.memory_space<vmem>> -> memref<1x128xi32, #tpu.memory_space<vmem>>
          %dma_start3A_190 = tpu.memref_squeeze %dma_start3A_189 : memref<1x128xi32, #tpu.memory_space<vmem>> -> memref<128xi32, #tpu.memory_space<vmem>>
          %dma_start3A_191 = arith.constant 0 : i32
          %dma_start3A_192 = arith.constant 0 : i32
          %dma_start3A_193 = tpu.memref_slice %arg2[%dma_start3A_191, %dma_start3A_192] : memref<10000x64xf32, #tpu.memory_space<hbm>> -> memref<10000x64xf32, #tpu.memory_space<hbm>>
          tpu.enqueue_indirect_dma source(%dma_start3A_193 : memref<10000x64xf32, #tpu.memory_space<hbm>>) target(%dma_start3A_187 : memref<128x64xf32, #tpu.memory_space<vmem>>) offsets(%dma_start3A_190 : memref<128xi32, #tpu.memory_space<vmem>>) semaphore(%arg11 : memref<!tpu.dma_semaphore, #tpu.memory_space<semaphore_mem>>)
        } else {
        }
      } else {
      }
      %rem3A = arith.constant 8 : i32
      %rem3A_138 = arith.remsi %while3A_132, %rem3A : i32
      %dma_wait3A = arith.constant 0 : i32
      %dma_wait3A_139 = arith.constant 0 : i32
      %dma_wait3A_140 = tpu.memref_slice %arg9[%rem3A_138, %dma_wait3A, %dma_wait3A_139] : memref<8x128x64xf32, #tpu.memory_space<vmem>> -> memref<1x128x64xf32, #tpu.memory_space<vmem>>
      %dma_wait3A_141 = tpu.memref_squeeze %dma_wait3A_140 : memref<1x128x64xf32, #tpu.memory_space<vmem>> -> memref<128x64xf32, #tpu.memory_space<vmem>>
      %dma_wait3A_142 = arith.constant 0 : i32
      %dma_wait3A_143 = tpu.memref_slice %arg7[%while3A_132, %dma_wait3A_142] : memref<79x128xi32, #tpu.memory_space<vmem>> -> memref<1x128xi32, #tpu.memory_space<vmem>>
      %dma_wait3A_144 = tpu.memref_squeeze %dma_wait3A_143 : memref<1x128xi32, #tpu.memory_space<vmem>> -> memref<128xi32, #tpu.memory_space<vmem>>
      %dma_wait3A_145 = arith.constant 0 : i32
      %dma_wait3A_146 = arith.constant 0 : i32
      %dma_wait3A_147 = tpu.memref_slice %arg2[%dma_wait3A_145, %dma_wait3A_146] : memref<10000x64xf32, #tpu.memory_space<hbm>> -> memref<10000x64xf32, #tpu.memory_space<hbm>>
      tpu.wait_indirect_dma semaphore(%arg11 : memref<!tpu.dma_semaphore, #tpu.memory_space<semaphore_mem>>) src(%dma_wait3A_147 : memref<10000x64xf32, #tpu.memory_space<hbm>>) dst(%dma_wait3A_141 : memref<128x64xf32, #tpu.memory_space<vmem>>)
      %dma_start3A_148 = arith.constant 0 : i32
      %dma_start3A_149 = arith.constant 0 : i32
      %dma_start3A_150 = tpu.memref_slice %arg9[%rem3A_138, %dma_start3A_148, %dma_start3A_149] : memref<8x128x64xf32, #tpu.memory_space<vmem>> -> memref<1x128x64xf32, #tpu.memory_space<vmem>>
      %dma_start3A_151 = tpu.memref_squeeze %dma_start3A_150 : memref<1x128x64xf32, #tpu.memory_space<vmem>> -> memref<128x64xf32, #tpu.memory_space<vmem>>
      %dma_start3A_152 = arith.constant 0 : i32
      %dma_start3A_153 = tpu.memref_slice %arg8[%while3A_132, %dma_start3A_152] : memref<79x128xi32, #tpu.memory_space<vmem>> -> memref<1x128xi32, #tpu.memory_space<vmem>>
      %dma_start3A_154 = tpu.memref_squeeze %dma_start3A_153 : memref<1x128xi32, #tpu.memory_space<vmem>> -> memref<128xi32, #tpu.memory_space<vmem>>
      %dma_start3A_155 = arith.constant 0 : i32
      %dma_start3A_156 = arith.constant 0 : i32
      %dma_start3A_157 = tpu.memref_slice %arg10[%dma_start3A_155, %dma_start3A_156] : memref<10000x64xf32, #tpu.memory_space<vmem_shared>> -> memref<10000x64xf32, #tpu.memory_space<vmem_shared>>
      tpu.enqueue_indirect_dma source(%dma_start3A_151 : memref<128x64xf32, #tpu.memory_space<vmem>>) target(%dma_start3A_157 : memref<10000x64xf32, #tpu.memory_space<vmem_shared>>) offsets(%dma_start3A_154 : memref<128xi32, #tpu.memory_space<vmem>>) semaphore(%arg12 : memref<!tpu.dma_semaphore, #tpu.memory_space<semaphore_mem>>) {add = true}
      %while3A_158 = arith.constant 0 : i32
      scf.yield %while3A_158 : i32
    }
    %scan3A = arith.constant 0 : i32
    %scan3A_121 = arith.constant 0 : i32
    %scan3A_122 = arith.constant 2 : i32
    %scan3A_123 = arith.addi %scan3A_121, %scan3A_122 : i32
    %scan3A_124 = arith.constant 1 : i32
    %scan3A_125 = scf.for %scan3A_132 = %scan3A_121 to %scan3A_123 step %scan3A_124 iter_args(%scan3A_133 = %scan3A) -> (i32)  : i32 {
      %sub3A = arith.constant 2 : i32
      %sub3A_134 = arith.subi %add3A_8, %sub3A : i32
      %add3A_135 = arith.addi %sub3A_134, %scan3A_132 : i32
      %rem3A = arith.constant 8 : i32
      %rem3A_136 = arith.remsi %add3A_135, %rem3A : i32
      %dma_wait3A = arith.constant 0 : i32
      %dma_wait3A_137 = arith.constant 0 : i32
      %dma_wait3A_138 = tpu.memref_slice %arg9[%rem3A_136, %dma_wait3A, %dma_wait3A_137] : memref<8x128x64xf32, #tpu.memory_space<vmem>> -> memref<1x128x64xf32, #tpu.memory_space<vmem>>
      %dma_wait3A_139 = tpu.memref_squeeze %dma_wait3A_138 : memref<1x128x64xf32, #tpu.memory_space<vmem>> -> memref<128x64xf32, #tpu.memory_space<vmem>>
      %dma_wait3A_140 = arith.constant 0 : i32
      %dma_wait3A_141 = tpu.memref_slice %arg8[%add3A_135, %dma_wait3A_140] : memref<79x128xi32, #tpu.memory_space<vmem>> -> memref<1x128xi32, #tpu.memory_space<vmem>>
      %dma_wait3A_142 = tpu.memref_squeeze %dma_wait3A_141 : memref<1x128xi32, #tpu.memory_space<vmem>> -> memref<128xi32, #tpu.memory_space<vmem>>
      %dma_wait3A_143 = arith.constant 0 : i32
      %dma_wait3A_144 = arith.constant 0 : i32
      %dma_wait3A_145 = tpu.memref_slice %arg10[%dma_wait3A_143, %dma_wait3A_144] : memref<10000x64xf32, #tpu.memory_space<vmem_shared>> -> memref<10000x64xf32, #tpu.memory_space<vmem_shared>>
      tpu.wait_indirect_dma semaphore(%arg12 : memref<!tpu.dma_semaphore, #tpu.memory_space<semaphore_mem>>) src(%dma_wait3A_139 : memref<128x64xf32, #tpu.memory_space<vmem>>) dst(%dma_wait3A_145 : memref<10000x64xf32, #tpu.memory_space<vmem_shared>>)
      %scan3A_146 = arith.constant 0 : i32
      scf.yield %scan3A_146 : i32
    }
    %scan3A_126 = arith.constant 2 : i32
    %barrier3A_127 = arith.constant 0 : index
    tpu.barrier barrier_id(%barrier3A_127)
    %mul3A_128 = arith.constant 625 : i32
    %mul3A_129 = arith.muli %arg1, %mul3A_128 : i32
    %mul3A_130 = arith.constant 625 : i32
    %mul3A_131 = arith.muli %arg1, %mul3A_130 : i32
    "tpu.region"() ({
      %run_scoped3A = tpu.sem_alloc : memref<!tpu.dma_semaphore, #tpu.memory_space<semaphore_mem>>
      %dma_start3A_132 = arith.constant 0 : i32
      %dma_start3A_133 = arith.constant 0 : i32
      %dma_start3A_134 = tpu.memref_slice %arg6[%arg0, %dma_start3A_132, %dma_start3A_133] : memref<2x10000x64xf32, #tpu.memory_space<hbm>> -> memref<1x10000x64xf32, #tpu.memory_space<hbm>>
      %dma_start3A_135 = tpu.memref_squeeze %dma_start3A_134 : memref<1x10000x64xf32, #tpu.memory_space<hbm>> -> memref<10000x64xf32, #tpu.memory_space<hbm>>
      %dma_start3A_136 = arith.constant 0 : i32
      %dma_start3A_137 = tpu.memref_slice %dma_start3A_135[%mul3A_131, %dma_start3A_136] : memref<10000x64xf32, #tpu.memory_space<hbm>> -> memref<625x64xf32, #tpu.memory_space<hbm>>
      %dma_start3A_138 = arith.constant 0 : i32
      %dma_start3A_139 = tpu.memref_slice %arg10[%mul3A_129, %dma_start3A_138] : memref<10000x64xf32, #tpu.memory_space<vmem_shared>> -> memref<625x64xf32, #tpu.memory_space<vmem_shared>>
      tpu.enqueue_dma source(%dma_start3A_139 : memref<625x64xf32, #tpu.memory_space<vmem_shared>>) target(%dma_start3A_137 : memref<625x64xf32, #tpu.memory_space<hbm>>) target_semaphore(%run_scoped3A : memref<!tpu.dma_semaphore, #tpu.memory_space<semaphore_mem>>)
      %dma_wait3A = arith.constant 0 : i32
      %dma_wait3A_140 = arith.constant 0 : i32
      %dma_wait3A_141 = tpu.memref_slice %arg6[%arg0, %dma_wait3A, %dma_wait3A_140] : memref<2x10000x64xf32, #tpu.memory_space<hbm>> -> memref<1x10000x64xf32, #tpu.memory_space<hbm>>
      %dma_wait3A_142 = tpu.memref_squeeze %dma_wait3A_141 : memref<1x10000x64xf32, #tpu.memory_space<hbm>> -> memref<10000x64xf32, #tpu.memory_space<hbm>>
      %dma_wait3A_143 = arith.constant 0 : i32
      %dma_wait3A_144 = tpu.memref_slice %dma_wait3A_142[%mul3A_131, %dma_wait3A_143] : memref<10000x64xf32, #tpu.memory_space<hbm>> -> memref<625x64xf32, #tpu.memory_space<hbm>>
      %dma_wait3A_145 = arith.constant 0 : i32
      %dma_wait3A_146 = tpu.memref_slice %arg10[%mul3A_129, %dma_wait3A_145] : memref<10000x64xf32, #tpu.memory_space<vmem_shared>> -> memref<625x64xf32, #tpu.memory_space<vmem_shared>>
      tpu.wait_dma2 semaphore(%run_scoped3A : memref<!tpu.dma_semaphore, #tpu.memory_space<semaphore_mem>>) src(%dma_wait3A_146 : memref<625x64xf32, #tpu.memory_space<vmem_shared>>) dst(%dma_wait3A_144 : memref<625x64xf32, #tpu.memory_space<hbm>>)
      tpu.yield
    }) : () -> ()
    return
  }
}

module attributes {stable_mosaic.version = 14 : i64} {
  func.func @_mm_body(%arg0: i32, %arg1: memref<1000x128xf32, #tpu.memory_space<vmem>>, %arg2: memref<128x64xf32, #tpu.memory_space<vmem>>, %arg3: memref<1000x64xf32, #tpu.memory_space<vmem>>) attributes {dimension_semantics = [#tpu.dimension_semantics<arbitrary>], iteration_bounds = array<i64: 10>, scalar_prefetch = 0 : i64, scratch_operands = 0 : i64, tpu.core_type = #tpu.core_type<tc>, window_params = [{transform_indices = @transform_0, window_bounds = array<i64: 1000, 128>}, {pipeline_mode = #tpu.pipeline_mode<synchronous>, transform_indices = @transform_1, window_bounds = array<i64: 128, 64>}, {transform_indices = @transform_2, window_bounds = array<i64: 1000, 64>}]} {
    %get3A = arith.constant 0 : index
    %get3A_0 = arith.constant 0 : index
    %get3A_1 = vector.load %arg1[%get3A, %get3A_0] : memref<1000x128xf32, #tpu.memory_space<vmem>>, vector<1000x128xf32>
    %get3A_2 = arith.constant 0 : index
    %get3A_3 = arith.constant 0 : index
    %get3A_4 = vector.load %arg2[%get3A_2, %get3A_3] : memref<128x64xf32, #tpu.memory_space<vmem>>, vector<128x64xf32>
    %dot_general3A = arith.constant dense<0.000000e+00> : vector<1000x64xf32>
    %dot_general3A_5 = tpu.matmul %get3A_1, %get3A_4, %dot_general3A {dimension_numbers = #tpu.dot_dimension_numbers<[1], [0], [0], [1], [0, 0, 1, 1], [], []>, transpose_lhs_hint = false} : vector<1000x128xf32>, vector<128x64xf32>, vector<1000x64xf32> -> vector<1000x64xf32>
    %swap3A = arith.constant 0 : index
    %swap3A_6 = arith.constant 0 : index
    %swap3A_7 = vector.load %arg3[%swap3A, %swap3A_6] : memref<1000x64xf32, #tpu.memory_space<vmem>>, vector<1000x64xf32>
    tpu.vector_store %arg3[%swap3A, %swap3A_6], %dot_general3A_5 {strides = array<i32>} : memref<1000x64xf32, #tpu.memory_space<vmem>>, vector<1000x64xf32>,
    return
  }
  func.func @transform_0(%arg0: i32) -> (i32, i32) {
    %c0_i32 = arith.constant 0 : i32
    %c0_i32_0 = arith.constant 0 : i32
    return %arg0, %c0_i32 : i32, i32
  }
  func.func @transform_1(%arg0: i32) -> (i32, i32) {
    %c0_i32 = arith.constant 0 : i32
    %c0_i32_0 = arith.constant 0 : i32
    %c0_i32_1 = arith.constant 0 : i32
    return %c0_i32, %c0_i32_0 : i32, i32
  }
  func.func @transform_2(%arg0: i32) -> (i32, i32) {
    %c0_i32 = arith.constant 0 : i32
    %c0_i32_0 = arith.constant 0 : i32
    return %arg0, %c0_i32 : i32, i32
  }
}

module attributes {stable_mosaic.version = 14 : i64} {
  func.func @_scale_body(%arg0: i32, %arg1: memref<2x1000x16xf32, #tpu.memory_space<vmem>>, %arg2: memref<2x1000x16xf32, #tpu.memory_space<vmem>>, %arg3: memref<1000x64xf32, #tpu.memory_space<vmem>>, %arg4: memref<1000x64xf32, #tpu.memory_space<vmem>>, %arg5: memref<1000x128xf32, #tpu.memory_space<vmem>>, %arg6: memref<1000x128xf32, #tpu.memory_space<vmem>>) attributes {dimension_semantics = [#tpu.dimension_semantics<arbitrary>], iteration_bounds = array<i64: 5>, scalar_prefetch = 0 : i64, scratch_operands = 0 : i64, tpu.core_type = #tpu.core_type<tc>, window_params = [{transform_indices = @transform_0, window_bounds = array<i64: 2, 1000, 16>}, {transform_indices = @transform_1, window_bounds = array<i64: 2, 1000, 16>}, {transform_indices = @transform_2, window_bounds = array<i64: 1000, 64>}, {transform_indices = @transform_3, window_bounds = array<i64: 1000, 64>}, {transform_indices = @transform_4, window_bounds = array<i64: 1000, 128>}, {transform_indices = @transform_5, window_bounds = array<i64: 1000, 128>}]} {
    %get3A = arith.constant 0 : index
    %get3A_0 = arith.constant 0 : index
    %get3A_1 = arith.constant 0 : index
    %get3A_2 = vector.load %arg1[%get3A, %get3A_0, %get3A_1] : memref<2x1000x16xf32, #tpu.memory_space<vmem>>, vector<1x1000x1xf32>
    %get3A_3 = vector.shape_cast %get3A_2 : vector<1x1000x1xf32> to vector<1000x1xf32>
    %get3A_4 = arith.constant 1 : index
    %get3A_5 = arith.constant 0 : index
    %get3A_6 = arith.constant 0 : index
    %get3A_7 = vector.load %arg1[%get3A_4, %get3A_5, %get3A_6] : memref<2x1000x16xf32, #tpu.memory_space<vmem>>, vector<1x1000x1xf32>
    %get3A_8 = vector.shape_cast %get3A_7 : vector<1x1000x1xf32> to vector<1000x1xf32>
    %add3A = arith.addf %get3A_3, %get3A_8 : vector<1000x1xf32>
    %add3A_9 = arith.constant 1.000000e+00 : f32
    %add3A_10 = vector.broadcast %add3A_9 : f32 to vector<1000x1xf32>
    %add3A_11 = arith.addf %add3A, %add3A_10 : vector<1000x1xf32>
    %get3A_12 = arith.constant 0 : index
    %get3A_13 = arith.constant 0 : index
    %get3A_14 = arith.constant 0 : index
    %get3A_15 = vector.load %arg2[%get3A_12, %get3A_13, %get3A_14] : memref<2x1000x16xf32, #tpu.memory_space<vmem>>, vector<1x1000x1xf32>
    %get3A_16 = vector.shape_cast %get3A_15 : vector<1x1000x1xf32> to vector<1000x1xf32>
    %get3A_17 = arith.constant 1 : index
    %get3A_18 = arith.constant 0 : index
    %get3A_19 = arith.constant 0 : index
    %get3A_20 = vector.load %arg2[%get3A_17, %get3A_18, %get3A_19] : memref<2x1000x16xf32, #tpu.memory_space<vmem>>, vector<1x1000x1xf32>
    %get3A_21 = vector.shape_cast %get3A_20 : vector<1x1000x1xf32> to vector<1000x1xf32>
    %add3A_22 = arith.addf %get3A_16, %get3A_21 : vector<1000x1xf32>
    %add3A_23 = arith.constant 1.000000e+00 : f32
    %add3A_24 = vector.broadcast %add3A_23 : f32 to vector<1000x1xf32>
    %add3A_25 = arith.addf %add3A_22, %add3A_24 : vector<1000x1xf32>
    %rsqrt3A = math.rsqrt %add3A_11 : vector<1000x1xf32>
    %rsqrt3A_26 = math.rsqrt %add3A_25 : vector<1000x1xf32>
    %broadcast_in_dim3A = vector.shape_cast %rsqrt3A : vector<1000x1xf32> to vector<1000x1xf32>
    %broadcast_in_dim3A_27 = vector.broadcast %broadcast_in_dim3A : vector<1000x1xf32> to vector<1000x64xf32>
    %broadcast_in_dim3A_28 = vector.shape_cast %rsqrt3A_26 : vector<1000x1xf32> to vector<1000x1xf32>
    %broadcast_in_dim3A_29 = vector.broadcast %broadcast_in_dim3A_28 : vector<1000x1xf32> to vector<1000x64xf32>
    %concatenate3A = tpu.concatenate %broadcast_in_dim3A_27, %broadcast_in_dim3A_29 in 1 : vector<1000x64xf32>, vector<1000x64xf32> -> vector<1000x128xf32>
    %swap3A = arith.constant 0 : index
    %swap3A_30 = arith.constant 0 : index
    %swap3A_31 = vector.load %arg6[%swap3A, %swap3A_30] : memref<1000x128xf32, #tpu.memory_space<vmem>>, vector<1000x128xf32>
    tpu.vector_store %arg6[%swap3A, %swap3A_30], %concatenate3A {strides = array<i32>} : memref<1000x128xf32, #tpu.memory_space<vmem>>, vector<1000x128xf32>,
    %get3A_32 = arith.constant 0 : index
    %get3A_33 = arith.constant 0 : index
    %get3A_34 = vector.load %arg3[%get3A_32, %get3A_33] : memref<1000x64xf32, #tpu.memory_space<vmem>>, vector<1000x64xf32>
    %mul3A = vector.broadcast %rsqrt3A : vector<1000x1xf32> to vector<1000x64xf32>
    %mul3A_35 = arith.mulf %get3A_34, %mul3A : vector<1000x64xf32>
    %get3A_36 = arith.constant 0 : index
    %get3A_37 = arith.constant 0 : index
    %get3A_38 = vector.load %arg4[%get3A_36, %get3A_37] : memref<1000x64xf32, #tpu.memory_space<vmem>>, vector<1000x64xf32>
    %mul3A_39 = vector.broadcast %rsqrt3A_26 : vector<1000x1xf32> to vector<1000x64xf32>
    %mul3A_40 = arith.mulf %get3A_38, %mul3A_39 : vector<1000x64xf32>
    %concatenate3A_41 = tpu.concatenate %mul3A_35, %mul3A_40 in 1 : vector<1000x64xf32>, vector<1000x64xf32> -> vector<1000x128xf32>
    %swap3A_42 = arith.constant 0 : index
    %swap3A_43 = arith.constant 0 : index
    %swap3A_44 = vector.load %arg5[%swap3A_42, %swap3A_43] : memref<1000x128xf32, #tpu.memory_space<vmem>>, vector<1000x128xf32>
    tpu.vector_store %arg5[%swap3A_42, %swap3A_43], %concatenate3A_41 {strides = array<i32>} : memref<1000x128xf32, #tpu.memory_space<vmem>>, vector<1000x128xf32>,
    return
  }
  func.func @transform_0(%arg0: i32) -> (i32, i32, i32) {
    %c0_i32 = arith.constant 0 : i32
    %c0_i32_0 = arith.constant 0 : i32
    %c0_i32_1 = arith.constant 0 : i32
    return %c0_i32, %arg0, %c0_i32_0 : i32, i32, i32
  }
  func.func @transform_1(%arg0: i32) -> (i32, i32, i32) {
    %add3A = arith.constant 5 : i32
    %add3A_0 = arith.addi %arg0, %add3A : i32
    %c0_i32 = arith.constant 0 : i32
    %c0_i32_1 = arith.constant 0 : i32
    %c0_i32_2 = arith.constant 0 : i32
    return %c0_i32, %add3A_0, %c0_i32_1 : i32, i32, i32
  }
  func.func @transform_2(%arg0: i32) -> (i32, i32) {
    %c0_i32 = arith.constant 0 : i32
    %c0_i32_0 = arith.constant 0 : i32
    return %arg0, %c0_i32 : i32, i32
  }
  func.func @transform_3(%arg0: i32) -> (i32, i32) {
    %add3A = arith.constant 5 : i32
    %add3A_0 = arith.addi %arg0, %add3A : i32
    %c0_i32 = arith.constant 0 : i32
    %c0_i32_1 = arith.constant 0 : i32
    return %add3A_0, %c0_i32 : i32, i32
  }
  func.func @transform_4(%arg0: i32) -> (i32, i32) {
    %c0_i32 = arith.constant 0 : i32
    %c0_i32_0 = arith.constant 0 : i32
    return %arg0, %c0_i32 : i32, i32
  }
  func.func @transform_5(%arg0: i32) -> (i32, i32) {
    %c0_i32 = arith.constant 0 : i32
    %c0_i32_0 = arith.constant 0 : i32
    return %arg0, %c0_i32 : i32, i32
  }
}

module attributes {stable_mosaic.version = 14 : i64} {
  func.func @_layer2_body(%arg0: i32, %arg1: memref<2x1000x128xf32, #tpu.memory_space<vmem>>, %arg2: memref<1000x128xf32, #tpu.memory_space<vmem>>, %arg3: memref<1000x128xf32, #tpu.memory_space<vmem>>, %arg4: memref<1x128xf32, #tpu.memory_space<vmem>>, %arg5: memref<128x128xf32, #tpu.memory_space<vmem>>, %arg6: memref<1000x128xf32, #tpu.memory_space<vmem>>) attributes {dimension_semantics = [#tpu.dimension_semantics<arbitrary>], iteration_bounds = array<i64: 5>, scalar_prefetch = 0 : i64, scratch_operands = 0 : i64, tpu.core_type = #tpu.core_type<tc>, window_params = [{transform_indices = @transform_0, window_bounds = array<i64: 2, 1000, 128>}, {transform_indices = @transform_1, window_bounds = array<i64: 1000, 128>}, {transform_indices = @transform_2, window_bounds = array<i64: 1000, 128>}, {pipeline_mode = #tpu.pipeline_mode<synchronous>, transform_indices = @transform_3, window_bounds = array<i64: 1, 128>}, {pipeline_mode = #tpu.pipeline_mode<synchronous>, transform_indices = @transform_4, window_bounds = array<i64: 128, 128>}, {transform_indices = @transform_5, window_bounds = array<i64: 1000, 128>}]} {
    %get3A = arith.constant 0 : index
    %get3A_0 = arith.constant 0 : index
    %get3A_1 = vector.load %arg3[%get3A, %get3A_0] : memref<1000x128xf32, #tpu.memory_space<vmem>>, vector<1000x128xf32>
    %get3A_2 = arith.constant 0 : index
    %get3A_3 = arith.constant 0 : index
    %get3A_4 = arith.constant 0 : index
    %get3A_5 = vector.load %arg1[%get3A_2, %get3A_3, %get3A_4] : memref<2x1000x128xf32, #tpu.memory_space<vmem>>, vector<1x1000x128xf32>
    %get3A_6 = vector.shape_cast %get3A_5 : vector<1x1000x128xf32> to vector<1000x128xf32>
    %get3A_7 = arith.constant 1 : index
    %get3A_8 = arith.constant 0 : index
    %get3A_9 = arith.constant 0 : index
    %get3A_10 = vector.load %arg1[%get3A_7, %get3A_8, %get3A_9] : memref<2x1000x128xf32, #tpu.memory_space<vmem>>, vector<1x1000x128xf32>
    %get3A_11 = vector.shape_cast %get3A_10 : vector<1x1000x128xf32> to vector<1000x128xf32>
    %add3A = arith.addf %get3A_6, %get3A_11 : vector<1000x128xf32>
    %get3A_12 = arith.constant 0 : index
    %get3A_13 = arith.constant 0 : index
    %get3A_14 = vector.load %arg2[%get3A_12, %get3A_13] : memref<1000x128xf32, #tpu.memory_space<vmem>>, vector<1000x128xf32>
    %add3A_15 = arith.addf %add3A, %get3A_14 : vector<1000x128xf32>
    %mul3A = arith.mulf %add3A_15, %get3A_1 : vector<1000x128xf32>
    %get3A_16 = arith.constant 0 : index
    %get3A_17 = arith.constant 0 : index
    %get3A_18 = vector.load %arg4[%get3A_16, %get3A_17] : memref<1x128xf32, #tpu.memory_space<vmem>>, vector<1x128xf32>
    %add3A_19 = vector.broadcast %get3A_18 : vector<1x128xf32> to vector<1000x128xf32>
    %add3A_20 = arith.addf %mul3A, %add3A_19 : vector<1000x128xf32>
    %max3A = arith.constant 0.000000e+00 : f32
    %max3A_21 = vector.broadcast %max3A : f32 to vector<1000x128xf32>
    %max3A_22 = arith.maximumf %add3A_20, %max3A_21 : vector<1000x128xf32>
    %get3A_23 = arith.constant 0 : index
    %get3A_24 = arith.constant 0 : index
    %get3A_25 = vector.load %arg5[%get3A_23, %get3A_24] : memref<128x128xf32, #tpu.memory_space<vmem>>, vector<128x128xf32>
    %dot_general3A = arith.constant dense<0.000000e+00> : vector<1000x128xf32>
    %dot_general3A_26 = tpu.matmul %max3A_22, %get3A_25, %dot_general3A {dimension_numbers = #tpu.dot_dimension_numbers<[1], [0], [0], [1], [0, 0, 1, 1], [], []>, transpose_lhs_hint = false} : vector<1000x128xf32>, vector<128x128xf32>, vector<1000x128xf32> -> vector<1000x128xf32>
    %mul3A_27 = arith.mulf %dot_general3A_26, %get3A_1 : vector<1000x128xf32>
    %swap3A = arith.constant 0 : index
    %swap3A_28 = arith.constant 0 : index
    %swap3A_29 = vector.load %arg6[%swap3A, %swap3A_28] : memref<1000x128xf32, #tpu.memory_space<vmem>>, vector<1000x128xf32>
    tpu.vector_store %arg6[%swap3A, %swap3A_28], %mul3A_27 {strides = array<i32>} : memref<1000x128xf32, #tpu.memory_space<vmem>>, vector<1000x128xf32>,
    return
  }
  func.func @transform_0(%arg0: i32) -> (i32, i32, i32) {
    %c0_i32 = arith.constant 0 : i32
    %c0_i32_0 = arith.constant 0 : i32
    %c0_i32_1 = arith.constant 0 : i32
    return %c0_i32, %arg0, %c0_i32_0 : i32, i32, i32
  }
  func.func @transform_1(%arg0: i32) -> (i32, i32) {
    %c0_i32 = arith.constant 0 : i32
    %c0_i32_0 = arith.constant 0 : i32
    return %arg0, %c0_i32 : i32, i32
  }
  func.func @transform_2(%arg0: i32) -> (i32, i32) {
    %c0_i32 = arith.constant 0 : i32
    %c0_i32_0 = arith.constant 0 : i32
    return %arg0, %c0_i32 : i32, i32
  }
  func.func @transform_3(%arg0: i32) -> (i32, i32) {
    %c0_i32 = arith.constant 0 : i32
    %c0_i32_0 = arith.constant 0 : i32
    %c0_i32_1 = arith.constant 0 : i32
    return %c0_i32, %c0_i32_0 : i32, i32
  }
  func.func @transform_4(%arg0: i32) -> (i32, i32) {
    %c0_i32 = arith.constant 0 : i32
    %c0_i32_0 = arith.constant 0 : i32
    %c0_i32_1 = arith.constant 0 : i32
    return %c0_i32, %c0_i32_0 : i32, i32
  }
  func.func @transform_5(%arg0: i32) -> (i32, i32) {
    %c0_i32 = arith.constant 0 : i32
    %c0_i32_0 = arith.constant 0 : i32
    return %arg0, %c0_i32 : i32, i32
  }
}

module attributes {stable_mosaic.version = 14 : i64} {
  func.func @_final_body(%arg0: i32, %arg1: memref<2x1000x128xf32, #tpu.memory_space<vmem>>, %arg2: memref<1000x128xf32, #tpu.memory_space<vmem>>, %arg3: memref<1000x128xf32, #tpu.memory_space<vmem>>, %arg4: memref<1x128xf32, #tpu.memory_space<vmem>>, %arg5: memref<1000x1xi8, #tpu.memory_space<vmem>>, %arg6: memref<1000x1xi8, #tpu.memory_space<vmem>>, %arg7: memref<64x1xf32, #tpu.memory_space<vmem>>, %arg8: memref<1x1xf32, #tpu.memory_space<vmem>>, %arg9: memref<64x1xf32, #tpu.memory_space<vmem>>, %arg10: memref<64x64xf32, #tpu.memory_space<vmem>>, %arg11: memref<64x1xf32, #tpu.memory_space<vmem>>) attributes {dimension_semantics = [#tpu.dimension_semantics<arbitrary>], iteration_bounds = array<i64: 5>, scalar_prefetch = 0 : i64, scratch_operands = 2 : i64, tpu.core_type = #tpu.core_type<tc>, window_params = [{transform_indices = @transform_0, window_bounds = array<i64: 2, 1000, 128>}, {transform_indices = @transform_1, window_bounds = array<i64: 1000, 128>}, {transform_indices = @transform_2, window_bounds = array<i64: 1000, 128>}, {pipeline_mode = #tpu.pipeline_mode<synchronous>, transform_indices = @transform_3, window_bounds = array<i64: 1, 128>}, {transform_indices = @transform_4, window_bounds = array<i64: 1000, 1>}, {transform_indices = @transform_5, window_bounds = array<i64: 1000, 1>}, {pipeline_mode = #tpu.pipeline_mode<synchronous>, transform_indices = @transform_6, window_bounds = array<i64: 64, 1>}, {pipeline_mode = #tpu.pipeline_mode<synchronous>, transform_indices = @transform_7, window_bounds = array<i64: 1, 1>}, {pipeline_mode = #tpu.pipeline_mode<synchronous>, transform_indices = @transform_8, window_bounds = array<i64: 64, 1>}]} {
    %eq3A = arith.constant 0 : i32
    %eq3A_0 = arith.cmpi eq, %arg0, %eq3A : i32
    %convert_element_type3A = arith.extui %eq3A_0 : i1 to i32
    %cond3A = arith.constant 0 : i32
    %cond3A_1 = arith.cmpi ne, %convert_element_type3A, %cond3A : i32
    scf.if %cond3A_1 {
      %broadcast_in_dim3A_70 = arith.constant 0.000000e+00 : f32
      %broadcast_in_dim3A_71 = vector.broadcast %broadcast_in_dim3A_70 : f32 to vector<64x64xf32>
      %swap3A_72 = arith.constant 0 : index
      %swap3A_73 = arith.constant 0 : index
      %swap3A_74 = vector.load %arg10[%swap3A_72, %swap3A_73] : memref<64x64xf32, #tpu.memory_space<vmem>>, vector<64x64xf32>
      tpu.vector_store %arg10[%swap3A_72, %swap3A_73], %broadcast_in_dim3A_71 {strides = array<i32>} : memref<64x64xf32, #tpu.memory_space<vmem>>, vector<64x64xf32>,
      %broadcast_in_dim3A_75 = arith.constant 0.000000e+00 : f32
      %broadcast_in_dim3A_76 = vector.broadcast %broadcast_in_dim3A_75 : f32 to vector<64x1xf32>
      %swap3A_77 = arith.constant 0 : index
      %swap3A_78 = arith.constant 0 : index
      %swap3A_79 = vector.load %arg11[%swap3A_77, %swap3A_78] : memref<64x1xf32, #tpu.memory_space<vmem>>, vector<64x1xf32>
      tpu.vector_store %arg11[%swap3A_77, %swap3A_78], %broadcast_in_dim3A_76 {strides = array<i32>} : memref<64x1xf32, #tpu.memory_space<vmem>>, vector<64x1xf32>,
    } else {
    }
    %get3A = arith.constant 0 : index
    %get3A_2 = arith.constant 0 : index
    %get3A_3 = arith.constant 0 : index
    %get3A_4 = vector.load %arg1[%get3A, %get3A_2, %get3A_3] : memref<2x1000x128xf32, #tpu.memory_space<vmem>>, vector<1x1000x128xf32>
    %get3A_5 = vector.shape_cast %get3A_4 : vector<1x1000x128xf32> to vector<1000x128xf32>
    %get3A_6 = arith.constant 1 : index
    %get3A_7 = arith.constant 0 : index
    %get3A_8 = arith.constant 0 : index
    %get3A_9 = vector.load %arg1[%get3A_6, %get3A_7, %get3A_8] : memref<2x1000x128xf32, #tpu.memory_space<vmem>>, vector<1x1000x128xf32>
    %get3A_10 = vector.shape_cast %get3A_9 : vector<1x1000x128xf32> to vector<1000x128xf32>
    %add3A = arith.addf %get3A_5, %get3A_10 : vector<1000x128xf32>
    %get3A_11 = arith.constant 0 : index
    %get3A_12 = arith.constant 0 : index
    %get3A_13 = vector.load %arg2[%get3A_11, %get3A_12] : memref<1000x128xf32, #tpu.memory_space<vmem>>, vector<1000x128xf32>
    %add3A_14 = arith.addf %add3A, %get3A_13 : vector<1000x128xf32>
    %get3A_15 = arith.constant 0 : index
    %get3A_16 = arith.constant 0 : index
    %get3A_17 = vector.load %arg3[%get3A_15, %get3A_16] : memref<1000x128xf32, #tpu.memory_space<vmem>>, vector<1000x128xf32>
    %mul3A = arith.mulf %add3A_14, %get3A_17 : vector<1000x128xf32>
    %get3A_18 = arith.constant 0 : index
    %get3A_19 = arith.constant 0 : index
    %get3A_20 = vector.load %arg4[%get3A_18, %get3A_19] : memref<1x128xf32, #tpu.memory_space<vmem>>, vector<1x128xf32>
    %add3A_21 = vector.broadcast %get3A_20 : vector<1x128xf32> to vector<1000x128xf32>
    %add3A_22 = arith.addf %mul3A, %add3A_21 : vector<1000x128xf32>
    %max3A = arith.constant 0.000000e+00 : f32
    %max3A_23 = vector.broadcast %max3A : f32 to vector<1000x128xf32>
    %max3A_24 = arith.maximumf %add3A_22, %max3A_23 : vector<1000x128xf32>
    %slice3A = vector.extract_strided_slice %max3A_24 {offsets = [0, 0], sizes = [1000, 64], strides = [1, 1]} : vector<1000x128xf32> to vector<1000x64xf32>
    %slice3A_25 = vector.extract_strided_slice %max3A_24 {offsets = [0, 64], sizes = [1000, 64], strides = [1, 1]} : vector<1000x128xf32> to vector<1000x64xf32>
    %iota3A = tpu.iota {dimensions = array<i32: 1>} : vector<1x64xi32>
    %get3A_26 = arith.constant 0 : index
    %get3A_27 = arith.constant 0 : index
    %get3A_28 = vector.load %arg5[%get3A_26, %get3A_27] : memref<1000x1xi8, #tpu.memory_space<vmem>>, vector<1000x1xi8>
    %convert_element_type3A_29 = arith.extsi %get3A_28 : vector<1000x1xi8> to vector<1000x1xi32>
    %eq3A_30 = vector.broadcast %convert_element_type3A_29 : vector<1000x1xi32> to vector<1000x64xi32>
    %eq3A_31 = vector.broadcast %iota3A : vector<1x64xi32> to vector<1000x64xi32>
    %eq3A_32 = arith.cmpi eq, %eq3A_30, %eq3A_31 : vector<1000x64xi32>
    %convert_element_type3A_33 = arith.extui %eq3A_32 : vector<1000x64xi1> to vector<1000x64xi32>
    %convert_element_type3A_34 = arith.sitofp %convert_element_type3A_33 : vector<1000x64xi32> to vector<1000x64xf32>
    %get3A_35 = arith.constant 0 : index
    %get3A_36 = arith.constant 0 : index
    %get3A_37 = vector.load %arg6[%get3A_35, %get3A_36] : memref<1000x1xi8, #tpu.memory_space<vmem>>, vector<1000x1xi8>
    %convert_element_type3A_38 = arith.extsi %get3A_37 : vector<1000x1xi8> to vector<1000x1xi32>
    %eq3A_39 = vector.broadcast %convert_element_type3A_38 : vector<1000x1xi32> to vector<1000x64xi32>
    %eq3A_40 = vector.broadcast %iota3A : vector<1x64xi32> to vector<1000x64xi32>
    %eq3A_41 = arith.cmpi eq, %eq3A_39, %eq3A_40 : vector<1000x64xi32>
    %convert_element_type3A_42 = arith.extui %eq3A_41 : vector<1000x64xi1> to vector<1000x64xi32>
    %convert_element_type3A_43 = arith.sitofp %convert_element_type3A_42 : vector<1000x64xi32> to vector<1000x64xf32>
    %get3A_44 = arith.constant 0 : index
    %get3A_45 = arith.constant 0 : index
    %get3A_46 = vector.load %arg10[%get3A_44, %get3A_45] : memref<64x64xf32, #tpu.memory_space<vmem>>, vector<64x64xf32>
    %dot_general3A = arith.constant dense<0.000000e+00> : vector<64x64xf32>
    %dot_general3A_47 = tpu.matmul %convert_element_type3A_34, %slice3A, %dot_general3A {dimension_numbers = #tpu.dot_dimension_numbers<[0], [0], [1], [1], [0, 1, 1, 1], [], []>, transpose_lhs_hint = false} : vector<1000x64xf32>, vector<1000x64xf32>, vector<64x64xf32> -> vector<64x64xf32>
    %dot_general3A_48 = arith.constant dense<0.000000e+00> : vector<64x64xf32>
    %dot_general3A_49 = tpu.matmul %convert_element_type3A_43, %slice3A_25, %dot_general3A_48 {dimension_numbers = #tpu.dot_dimension_numbers<[0], [0], [1], [1], [0, 1, 1, 1], [], []>, transpose_lhs_hint = false} : vector<1000x64xf32>, vector<1000x64xf32>, vector<64x64xf32> -> vector<64x64xf32>
    %add3A_50 = arith.addf %dot_general3A_47, %dot_general3A_49 : vector<64x64xf32>
    %add3A_51 = arith.addf %get3A_46, %add3A_50 : vector<64x64xf32>
    %swap3A = arith.constant 0 : index
    %swap3A_52 = arith.constant 0 : index
    %swap3A_53 = vector.load %arg10[%swap3A, %swap3A_52] : memref<64x64xf32, #tpu.memory_space<vmem>>, vector<64x64xf32>
    tpu.vector_store %arg10[%swap3A, %swap3A_52], %add3A_51 {strides = array<i32>} : memref<64x64xf32, #tpu.memory_space<vmem>>, vector<64x64xf32>,
    %broadcast_in_dim3A = arith.constant 1.000000e+00 : f32
    %broadcast_in_dim3A_54 = vector.broadcast %broadcast_in_dim3A : f32 to vector<1000x1xf32>
    %get3A_55 = arith.constant 0 : index
    %get3A_56 = arith.constant 0 : index
    %get3A_57 = vector.load %arg11[%get3A_55, %get3A_56] : memref<64x1xf32, #tpu.memory_space<vmem>>, vector<64x1xf32>
    %add3A_58 = arith.addf %convert_element_type3A_34, %convert_element_type3A_43 : vector<1000x64xf32>
    %dot_general3A_59 = arith.constant dense<0.000000e+00> : vector<64x1xf32>
    %dot_general3A_60 = tpu.matmul %add3A_58, %broadcast_in_dim3A_54, %dot_general3A_59 {dimension_numbers = #tpu.dot_dimension_numbers<[0], [0], [1], [1], [0, 1, 1, 1], [], []>, transpose_lhs_hint = false} : vector<1000x64xf32>, vector<1000x1xf32>, vector<64x1xf32> -> vector<64x1xf32>
    %add3A_61 = arith.addf %get3A_57, %dot_general3A_60 : vector<64x1xf32>
    %swap3A_62 = arith.constant 0 : index
    %swap3A_63 = arith.constant 0 : index
    %swap3A_64 = vector.load %arg11[%swap3A_62, %swap3A_63] : memref<64x1xf32, #tpu.memory_space<vmem>>, vector<64x1xf32>
    tpu.vector_store %arg11[%swap3A_62, %swap3A_63], %add3A_61 {strides = array<i32>} : memref<64x1xf32, #tpu.memory_space<vmem>>, vector<64x1xf32>,
    %eq3A_65 = arith.constant 4 : i32
    %eq3A_66 = arith.cmpi eq, %arg0, %eq3A_65 : i32
    %convert_element_type3A_67 = arith.extui %eq3A_66 : i1 to i32
    %cond3A_68 = arith.constant 0 : i32
    %cond3A_69 = arith.cmpi ne, %convert_element_type3A_67, %cond3A_68 : i32
    scf.if %cond3A_69 {
      %get3A_70 = arith.constant 0 : index
      %get3A_71 = arith.constant 0 : index
      %get3A_72 = vector.load %arg10[%get3A_70, %get3A_71] : memref<64x64xf32, #tpu.memory_space<vmem>>, vector<64x64xf32>
      %get3A_73 = arith.constant 0 : index
      %get3A_74 = arith.constant 0 : index
      %get3A_75 = vector.load %arg7[%get3A_73, %get3A_74] : memref<64x1xf32, #tpu.memory_space<vmem>>, vector<64x1xf32>
      %dot_general3A_76 = arith.constant dense<0.000000e+00> : vector<64x1xf32>
      %dot_general3A_77 = tpu.matmul %get3A_72, %get3A_75, %dot_general3A_76 {dimension_numbers = #tpu.dot_dimension_numbers<[1], [0], [0], [1], [0, 0, 1, 1], [], []>, transpose_lhs_hint = false} : vector<64x64xf32>, vector<64x1xf32>, vector<64x1xf32> -> vector<64x1xf32>
      %get3A_78 = arith.constant 0 : index
      %get3A_79 = arith.constant 0 : index
      %get3A_80 = vector.load %arg11[%get3A_78, %get3A_79] : memref<64x1xf32, #tpu.memory_space<vmem>>, vector<64x1xf32>
      %max3A_81 = arith.constant 1.000000e+00 : f32
      %max3A_82 = vector.broadcast %max3A_81 : f32 to vector<64x1xf32>
      %max3A_83 = arith.maximumf %get3A_80, %max3A_82 : vector<64x1xf32>
      %div3A = arith.divf %dot_general3A_77, %max3A_83 : vector<64x1xf32>
      %get3A_84 = arith.constant 0 : index
      %get3A_85 = arith.constant 0 : index
      %get3A_86 = vector.load %arg8[%get3A_84, %get3A_85] : memref<1x1xf32, #tpu.memory_space<vmem>>, vector<1x1xf32>
      %add3A_87 = vector.broadcast %get3A_86 : vector<1x1xf32> to vector<64x1xf32>
      %add3A_88 = arith.addf %div3A, %add3A_87 : vector<64x1xf32>
      %swap3A_89 = arith.constant 0 : index
      %swap3A_90 = arith.constant 0 : index
      %swap3A_91 = vector.load %arg9[%swap3A_89, %swap3A_90] : memref<64x1xf32, #tpu.memory_space<vmem>>, vector<64x1xf32>
      tpu.vector_store %arg9[%swap3A_89, %swap3A_90], %add3A_88 {strides = array<i32>} : memref<64x1xf32, #tpu.memory_space<vmem>>, vector<64x1xf32>,
    } else {
    }
    return
  }
  func.func @transform_0(%arg0: i32) -> (i32, i32, i32) {
    %c0_i32 = arith.constant 0 : i32
    %c0_i32_0 = arith.constant 0 : i32
    %c0_i32_1 = arith.constant 0 : i32
    return %c0_i32, %arg0, %c0_i32_0 : i32, i32, i32
  }
  func.func @transform_1(%arg0: i32) -> (i32, i32) {
    %c0_i32 = arith.constant 0 : i32
    %c0_i32_0 = arith.constant 0 : i32
    return %arg0, %c0_i32 : i32, i32
  }
  func.func @transform_2(%arg0: i32) -> (i32, i32) {
    %c0_i32 = arith.constant 0 : i32
    %c0_i32_0 = arith.constant 0 : i32
    return %arg0, %c0_i32 : i32, i32
  }
  func.func @transform_3(%arg0: i32) -> (i32, i32) {
    %c0_i32 = arith.constant 0 : i32
    %c0_i32_0 = arith.constant 0 : i32
    %c0_i32_1 = arith.constant 0 : i32
    return %c0_i32, %c0_i32_0 : i32, i32
  }
  func.func @transform_4(%arg0: i32) -> (i32, i32) {
    %c0_i32 = arith.constant 0 : i32
    %c0_i32_0 = arith.constant 0 : i32
    return %arg0, %c0_i32 : i32, i32
  }
  func.func @transform_5(%arg0: i32) -> (i32, i32) {
    %add3A = arith.constant 5 : i32
    %add3A_0 = arith.addi %arg0, %add3A : i32
    %c0_i32 = arith.constant 0 : i32
    %c0_i32_1 = arith.constant 0 : i32
    return %add3A_0, %c0_i32 : i32, i32
  }
  func.func @transform_6(%arg0: i32) -> (i32, i32) {
    %c0_i32 = arith.constant 0 : i32
    %c0_i32_0 = arith.constant 0 : i32
    %c0_i32_1 = arith.constant 0 : i32
    return %c0_i32, %c0_i32_0 : i32, i32
  }
  func.func @transform_7(%arg0: i32) -> (i32, i32) {
    %c0_i32 = arith.constant 0 : i32
    %c0_i32_0 = arith.constant 0 : i32
    %c0_i32_1 = arith.constant 0 : i32
    return %c0_i32, %c0_i32_0 : i32, i32
  }
  func.func @transform_8(%arg0: i32) -> (i32, i32) {
    %c0_i32 = arith.constant 0 : i32
    %c0_i32_0 = arith.constant 0 : i32
    %c0_i32_1 = arith.constant 0 : i32
    return %c0_i32, %c0_i32_0 : i32, i32
  }
}

</mosaic_0001>

<sc_bundles>
// kernel: kernel.12.cloned.1.call-start
scs
__scs_entry_jumppad:
0x0: {  	(pc) =	sbr.rel $0x88, $3  }
0x1: {  	(tag) =	ssettag $0x0;
	lr =	simm.s32 $0x1  }
0x2: {  	[smem:$0x3F98] =	sst lr;
	_ =	strace $0xD0000000  }
0x3: {  	_ = 	snop  }
0x4: {  	_ = 	snop  }
0x5: {  	_ = 	snop  }
0x6: {  	_ = 	snop  }
0x7: {  	_ = 	snop  }
__scs_overlays_trampoline_lowered:
0x8: {  	[smem:$0x3FA7] =	sst s0  }
0x9: {  	[smem:$0x3FA8] =	sst s1  }
0xa: {  	[smem:$0x3FA9] =	sst s2  }
0xb: {  	[smem:$0x3FAA] =	sst s3  }
0xc: {  	[smem:$0x3FAB] =	sst s4  }
0xd: {  	[smem:$0x3FAC] =	sst s5  }
0xe: {  	[smem:$0x3FAD] =	sst s6  }
0xf: {  	[smem:$0x3FAE] =	sst s7  }
0x10: {  	[smem:$0x3FAF] =	sst s8  }
0x11: {  	[smem:$0x3FB0] =	sst s9;
	s0 =	simm.s32 @!p0 $0x0  }
0x12: {  	s1 =	sld [smem:$0x3F96];
	s0 =	simm.s32 @p0 $0x1  }
0x13: {  	[smem:$0x3FB1] =	sst s0;
	s0 =	simm.s32 @!p1 $0x0  }
0x14: {  	s2 =	sld [smem:$0x3F95];
	s0 =	simm.s32 @p1 $0x1  }
0x15: {  	[smem:$0x3FB2] =	sst s0;
	s0 =	simm.s32 @!p2 $0x0  }
0x16: {  	s3 =	sld [smem:$0x3FDB];
	s0 =	simm.s32 @p2 $0x1  }
0x17: {  	s4 =	simm.s32 $0x1BF5;
	[smem:$0x3FB4] =	sst s0  }
0x18: {  	s0 =	sld [smem:$0x3F97];
	_ =	swait.ge [sflag:s4], $0x0  }
0x19: {  	s7 =	sld [smem:$0x3F98]  }
0x1a: {  	s8 =	sadd.s32 $0xFFFFE003, lr  }
0x1b: {  	s9 =	sadd.s32 $0xFFFFFEF7, lr;
	s5 =	simm.s32 $0xFFFFFFFF;
	p2 =	slt.u32 s8, $0xFFFFF086  }
0x1c: {  	p1 =	slt.u32 s9, $0xF7A;
	s5 =	simm.s32 @!p2 $0x0  }
0x1d: {  	s5 =	simm.s32 @p1 $0x1;
	p0 =	seq.s32 s7, s2  }
0x1e: {  	s7 =	smul.u32 @!p0 $0xF7A, s2;
	p2 =	seq.s32 @!p0 s5, $0x0  }
0x1f: {  	s9 =	smul.u32 $0xF7A, s1;
	s8 =	simm.s32 @!p0 $0x1BF5;
	p2 =	por !p2, p0  }
0x20: {  	[sflag:s8] =	ssyncset.s32 @!p0 $0xFFFFF086;
	s6 =	sadd.s32 @!p0 s3, s7;
	s7 =	simm.s32 @!p0 $0x108  }
0x21: {  	s3 =	sadd.s32 s3, s9;
	s6 =	sadd.s32 @!p0 $0x88, s6;
	s7 =	simm.s32 @p2 $0x1082  }
0x22: {  	[simem:s7], [sflag:s8] =	dma.local @!p0 [hbm:s6], $0xF7A  }
0x23: {  	s9 =	sor.u32 $0xD0000000, s2;
	s6 =	simm.s32 $0x108;
	_ =	swait.ge @!p0 [sflag:s8], $0x0  }
0x24: {  	s3 =	sadd.s32 $0x88, s3;
	s6 =	simm.s32 @!p1 $0x1082;
	[sflag:s4] =	ssyncset.s32 $0xFFFFF086  }
0x25: {  	[simem:s6], [sflag:s4] =	dma.local [hbm:s3], $0xF7A  }
0x26: {  	[smem:$0x3F98] =	sst s1;
	(tag) =	ssettag s2;
	_ =	strace s9  }
0x27: {  	s1 =	sld [smem:$0x3FA8]  }
0x28: {  	s2 =	sld [smem:$0x3FA9]  }
0x29: {  	s4 =	sld [smem:$0x3FAB]  }
0x2a: {  	p0 =	seq.s32 s5, $0x0;
	s5 =	sld [smem:$0x3FAC]  }
0x2b: {  	s6 =	sld [smem:$0x3FAD]  }
0x2c: {  	s7 =	sld [smem:$0x3FAE]  }
0x2d: {  	s3 =	simm.s32 $0x108;
	s8 =	sld [smem:$0x3FAF]  }
0x2e: {  	s3 =	simm.s32 @!p0 $0x1082;
	s9 =	sld [smem:$0x3FB0]  }
0x2f: {  	lr =	sadd.s32 s0, s3;
	s0 =	sld [smem:$0x3FA7]  }
0x30: {  	s3 =	sld [smem:$0x3FAA]  }
0x31: {  	[smem:$0x3FB3] =	sst s10  }
0x32: {  	s10 =	sld [smem:$0x3FB1];
	_ =	sdelay $0x3  }
0x33: {  	p0 =	seq.s32 s10, $0x1;
	s10 =	sld [smem:$0x3FB3];
	_ =	sdelay $0x3  }
0x34: {  	[smem:$0x3FB3] =	sst s10  }
0x35: {  	s10 =	sld [smem:$0x3FB2];
	_ =	sdelay $0x3  }
0x36: {  	p1 =	seq.s32 s10, $0x1;
	s10 =	sld [smem:$0x3FB3];
	_ =	sdelay $0x3  }
0x37: {  	[smem:$0x3FB3] =	sst s10  }
0x38: {  	s10 =	sld [smem:$0x3FB4]  }
0x39: {  	_ = 	snop;
	(pc) =	sbr.ind lr, $3  }
0x3a: {  	_ = 	snop  }
0x3b: {  	_ = 	snop  }
0x3c: {  	p2 =	seq.s32 s10, $0x1;
	s10 =	sld [smem:$0x3FB3]  }
0x3d: {  	_ =	shalt  }
0x3e: {  	_ =	shalt  }
0x3f: {  	_ =	shalt  }
0x40: {  	_ =	shalt  }
0x41: {  	_ =	shalt  }
0x42: {  	_ =	shalt  }
0x43: {  	_ =	shalt  }
0x44: {  	_ =	shalt  }
0x45: {  	_ =	shalt  }
0x46: {  	_ =	shalt  }
0x47: {  	_ =	shalt  }
0x48: {  	_ =	shalt  }
0x49: {  	_ =	shalt  }
0x4a: {  	_ =	shalt  }
0x4b: {  	_ =	shalt  }
0x4c: {  	_ =	shalt  }
0x4d: {  	_ =	shalt  }
0x4e: {  	_ =	shalt  }
0x4f: {  	_ =	shalt  }
0x50: {  	_ =	shalt  }
0x51: {  	_ =	shalt  }
0x52: {  	_ =	shalt  }
0x53: {  	_ =	shalt  }
0x54: {  	_ =	shalt  }
0x55: {  	_ =	shalt  }
0x56: {  	_ =	shalt  }
0x57: {  	_ =	shalt  }
0x58: {  	_ =	shalt  }
0x59: {  	_ =	shalt  }
0x5a: {  	_ =	shalt  }
0x5b: {  	_ =	shalt  }
0x5c: {  	_ =	shalt  }
0x5d: {  	_ =	shalt  }
0x5e: {  	_ =	shalt  }
0x5f: {  	_ =	shalt  }
0x60: {  	_ =	shalt  }
0x61: {  	_ =	shalt  }
0x62: {  	_ =	shalt  }
0x63: {  	_ =	shalt  }
0x64: {  	_ =	shalt  }
0x65: {  	_ =	shalt  }
0x66: {  	_ =	shalt  }
0x67: {  	_ =	shalt  }
0x68: {  	_ =	shalt  }
0x69: {  	_ =	shalt  }
0x6a: {  	_ =	shalt  }
0x6b: {  	_ =	shalt  }
0x6c: {  	_ =	shalt  }
0x6d: {  	_ =	shalt  }
0x6e: {  	_ =	shalt  }
0x6f: {  	_ =	shalt  }
0x70: {  	_ =	shalt  }
0x71: {  	_ =	shalt  }
0x72: {  	_ =	shalt  }
0x73: {  	_ =	shalt  }
0x74: {  	_ =	shalt  }
0x75: {  	_ =	shalt  }
0x76: {  	_ =	shalt  }
0x77: {  	_ =	shalt  }
0x78: {  	_ =	shalt  }
0x79: {  	_ =	shalt  }
0x7a: {  	_ =	shalt  }
0x7b: {  	_ =	shalt  }
0x7c: {  	_ =	shalt  }
0x7d: {  	_ =	shalt  }
0x7e: {  	_ =	shalt  }
0x7f: {  	_ =	shalt  }
0x80: {  	_ =	shalt  }
0x81: {  	_ =	shalt  }
0x82: {  	_ =	shalt  }
0x83: {  	_ =	shalt  }
0x84: {  	_ =	shalt  }
0x85: {  	_ =	shalt  }
0x86: {  	_ =	shalt  }
0x87: {  	_ =	shalt  }
.Lfunc_end0:
.L_simem_size_0:
called_computation.1_lowered:
.L_overlay_start_0:
0x88: {  	s2 =	sld [smem:$0x3FD9]  }
0x89: {  	s3 =	sld [smem:$0x3FFE];
	_ =	sdelay $0x1  }
0x8a: {  	s1 =	srdreg.scid  }
0x8b: {  	s0 =	sand.u32 $0x1, s1  }
0x8c: {  	s16 =	sshll.u32 s0, $0xA;
	s2 =	sadd.s32 s3, s2  }
0x8d: {  	s2 =	sadd.s32 s2, s16  }
0x8e: {  	[smem:$0x3FBF] =	sst s2  }
0x8f: {  	_ = 	snop  }
0x90: {  	(tm) =	ssettm $0x1  }
0x91: {  	s17 =	sld [smem:$0x3FFB];
	_ =	sdelay $0x3  }
0x92: {  	_ =	strace s17  }
0x93: {  	s2 =	sld [smem:$0x3FFC];
	_ =	sdelay $0x3  }
0x94: {  	_ =	strace s2  }
0x95: {  	s2 =	sld [smem:$0x3FFD];
	_ =	sdelay $0x3  }
0x96: {  	_ =	strace s2  }
0x97: {  	_ =	strace $0x8FFFFFFF  }
0x98: {  	s18 =	sld [smem:$0x3FDB];
	_ =	sdelay $0x1  }
0x99: {  	s19 =	simm.s32 $_scs_section_size  }
0x9a: {  	s4 =	simm.s32 $_size__tile_overlayer_lowered;
	s5 =	simm.s32 $_tile_overlayer_lowered  }
0x9b: {  	s22 =	simm.s32 $0x1BFF;
	s21 =	sshll.u32 s5, $0x1;
	s2 =	sadd.s32 s19, s18  }
0x9c: {  	s6 =	simm.s32 $0x0;
	s20 =	sshll.u32 s4, $0x1;
	s4 =	sadd.s32 s21, s2  }
0x9d: {  	[timem:s6], [sflag:s22] =	dma.local [hbm:s4], s20  }
0x9e: {  	_ =	swait.ge [sflag:s22], s20  }
0x9f: {  	s3 =	ssub.s32 $0x0, s20;
	[sflag:s22] =	ssyncset.done $0x0  }
0xa0: {  	[sflag:s22] =	ssyncadd.s32 s3;
	_ =	sdelay $0x1  }
0xa1: {  	s23 =	simm.s32 $0x1B8B  }
0xa2: {  	_ =	swait.ge [sflag:s23], $0x1  }
0xa3: {  	[sflag:s23] =	ssyncset.done $0x0  }
0xa4: {  	s25 =	simm.s32 $0x1B8E;
	s24 =	sld [smem:$0x3FFE];
	[sflag:s23] =	ssyncadd.s32 $0xFFFFFFFF  }
0xa5: {  	s26 =	simm.s32 $execute0_lowered;
	[smem:$0x3FD2] =	sst s25  }
0xa6: {  	s4 =	sshll.u32 s26, $0x1;
	_ =	strace $0x80000049;
	[dreg:$0x1] =	wrdreg $0xFFFFFFFF  }
0xa7: {  	s28 =	simm.s32 $_size_execute0_lowered;
	s2 =	sadd.s32 s2, s4;
	[dreg:$0x0] =	wrdreg $0x0  }
0xa8: {  	s4 =	sshll.u32 s28, $0x1;
	[dreg:$0x2] =	wrdreg s2  }
0xa9: {  	[dreg:$0x3] =	wrdreg s4  }
0xaa: {  	[dreg:$0x4] =	wrdreg $0xC0  }
0xab: {  	_ =	task [dreg:s6], $0x5FFFF  }
0xac: {  	[dreg:$0x1] =	wrdreg $0xFFFFFFFF  }
0xad: {  	[dreg:$0x0] =	wrdreg $0x60  }
0xae: {  	[dreg:$0x2] =	wrdreg s24  }
0xaf: {  	[dreg:$0x3] =	wrdreg $0x14F000  }
0xb0: {  	[dreg:$0x4] =	wrdreg $0x9  }
0xb1: {  	_ =	task.clear_ibuf [dreg:s6], $0x5FFFF;
	_ =	strace $0x90000049  }
0xb2: {  	s29 =	simm.s32 $0x9;
	_ =	strace $0x8000004B  }
0xb3: {  	_ =	swait.ge [sflag:s29], $0x1  }
0xb4: {  	[sflag:s29] =	ssyncadd.s32 $0xFFFFFFFF  }
0xb5: {  	_ =	strace $0x9000004B  }
0xb6: {  	_ =	sfence  }
0xb7: {  	s30 =	sld [smem:$0x0];
	_ =	sdelay $0x2  }
0xb8: {  	s31 =	sshll.u32 s1, $0xD;
	s1 =	sshrl.u32 s1, $0x2  }
0xb9: {  	s3 =	sand.u32 $0x4000, s31;
	s1 =	sadd.s32 s1, s30  }
0xba: {  	s0 =	sor.u32 s3, s0;
	s1 =	sshll.u32 s1, $0x11  }
0xbb: {  	s0 =	sor.u32 s1, s0  }
0xbc: {  	s0 =	sadd.s32 $0x8F2B, s0  }
0xbd: {  	[sflag:s0] =	ssyncadd.remote.s32 $0x1  }
0xbe: {  	_ =	sfence.sel $0xFFFF  }
0xbf: {  	[dreg:$0x0] =	wrdreg $0xFFFFFFFF;
	(pc) =	sbr.abs _section_cstart, $3  }
0xc0: {  	[dreg:$0x1] =	wrdreg $0xFFFFFFFF  }
0xc1: {  	_ =	task.clear_ibuf [dreg:s6], $0x2FFFF;
	_ =	strace $0x9FFFFFFF  }
0xc2: {  	(tm) =	ssettm $0x7FFFFFFF  }
0xc3: {  	_ =	shalt  }
tec
execute0_lowered:
.L_overlay_start_1:
0x0: {  	(tag) =	ssettag $0x1  }
0x1: {  	s0 =	rddreg [dreg:$0x0]  }
0x2: {  	s1 =	rddreg [dreg:$0x1];
	s3 =	simm.s32 $0x0;
	s14 =	stileid.u32  }
0x3: {  	s2 =	srdreg.scid;
	s17 =	simm.s32 $0x80;
	s18 =	simm.s32 $0x4F00  }
0x4: {  	s19 =	simm.s32 $0x6F00;
	s21 =	simm.s32 $0x2800;
	s22 =	simm.s32 $0x2  }
0x5: {  	s23 =	simm.s32 $0x0;
	[smem:$0x7FF] =	sst s3;
	s4 =	sadd.s32 $0x2E00, s0  }
0x6: {  	s10 =	smul.u32 $0x9C40, s14;
	s2 =	sand.u32 $0x1, s2;
	s8 =	sadd.s32 $0x25600, s0  }
0x7: {  	s9 =	sadd.s32 $0x2F400, s0;
	s31 =	sshll.u32 s14, $0x6;
	_ =	strace $0x8000004A  }
0x8: {  	s5 =	sshll.u32 s2, $0x4;
	s6 =	smul.u32 $0x13880, s2;
	s2 =	ssub.s32 $0x2, s2  }
0x9: {  	s15 =	sor.u32 $0x1C03, s31;
	s20 =	sshrl.u32 s10, $0x3;
	s13 =	sor.u32 s14, s5  }
0xa: {  	s30 =	sshrl.u32 s2, $0x1;
	s16 =	sadd.s32 s10, s1;
	s14 =	simm.s32 $0x2780  }
0xb: {  	s11 =	sadd.s32 s20, s0;
	s5 =	smul.u32 $0x4E, s13;
	s0 =	sadd.s32 s6, s0  }
0xc: {  	s7 =	smin.u32 s13, $0x4;
	p0 =	slt.u32 s13, $0x4;
	s2 =	ssub.s32 s2, s30  }
0xd: {  	s16 =	sshrl.u32 s16, $0x3;
	s10 =	sadd.s32 $0x39200, s11;
	s0 =	sadd.s32 $0x4CC00, s0  }
0xe: {  	s11 =	smax.u32 s2, $0x1;
	s7 =	sadd.s32 s7, s5;
	s5 =	simm.s32 $0x4F  }
0xf: {  	s24 =	sadd.s32 s20, s0;
	s20 =	simm.s32 $0x1;
	s5 =	simm.s32 @!p0 $0x4E  }
0x10: {  	s12 =	sshll.u32 s7, $0x4;
	p0 =	sgt.u32 s13, $0x3;
	s13 =	simm.s32 $0x3  }
0x11: {  	s6 =	sadd.s32 s8, s12;
	s7 =	sadd.s32 s9, s12;
	s12 =	sadd.s32 $0x4E0, s12  }
0x12: {  	s8 =	sadd.s32 s8, s12;
	s9 =	sadd.s32 s9, s12;
	s12 =	sadd.s32 $0xFFFFFFFE, s5  }
.LBB2_1:
0x13: {  	[tilespmem:s3], [sflag:$0x3] =	stream.linear.gather [hbm4b:s6+s3], $0x2700, $0x38;
	[tilespmem:$0x1EB40] =	vst v63  }
0x14: {  	_ =	swait.ge [sflag:s13], $0x2700  }
0x15: {  	[sflag:s13] =	ssyncset.done $0x0  }
0x16: {  	[sflag:s13] =	ssyncadd.s32 $0xFFFFD900  }
0x17: {  	[tilespmem:s14], [sflag:$0x3] =	stream.linear.gather [hbm4b:s7+s3], $0x2700, $0x38;
	[tilespmem:$0x1EB40] =	vst v63  }
0x18: {  	_ =	swait.ge [sflag:s13], $0x2700  }
0x19: {  	[sflag:s13] =	ssyncset.done $0x0  }
0x1a: {  	s25 =	simm.s32 @!p0 $0x0;
	s26 =	simm.s32 @!p0 $0x2700;
	[sflag:s13] =	ssyncadd.s32 $0xFFFFD900  }
0x1b: {  	[tilespmem:s26], [sflag:$0x3] =	stream.linear.gather @!p0 [hbm4b:s8+s25], $0x80, $0x38;
	[tilespmem:$0x1EB40] =	vst v63  }
0x1c: {  	s26 =	simm.s32 @!p0 $0x3  }
0x1d: {  	_ =	swait.ge @!p0 [sflag:s26], $0x80  }
0x1e: {  	[sflag:s26] =	ssyncset.done @!p0 $0x0  }
0x1f: {  	s28 =	simm.s32 @!p0 $0x4E80;
	[sflag:s26] =	ssyncadd.s32 @!p0 $0xFFFFFF80  }
0x20: {  	[tilespmem:s28], [sflag:$0x3] =	stream.linear.gather @!p0 [hbm4b:s9+s25], $0x80, $0x38;
	[tilespmem:$0x1EB40] =	vst v63  }
0x21: {  	_ =	swait.ge @!p0 [sflag:s26], $0x80  }
0x22: {  	[sflag:s26] =	ssyncset.done @!p0 $0x0  }
0x23: {  	[sflag:s26] =	ssyncadd.s32 @!p0 $0xFFFFFF80  }
0x24: {  	[spmem:s16], [sflag:s15] =	dma.local [hbm:s10], $0x1388  }
0x25: {  	_ =	swait.ge [sflag:s13], $0x1388  }
0x26: {  	[sflag:s13] =	ssyncset.done $0x0  }
0x27: {  	[sflag:s13] =	ssyncadd.s32 $0xFFFFEC78  }
0x28: {  	[bflag:$0x0] =	sbarrier.arrive $0xFFFF  }
0x29: {  	[tilespmem:s18], [sflag:$0x1] =	stream.indirect.gather [hbm4b:s4+s17], $0x40, s3, s17, $0xb8;
	[tilespmem:$0x1EB40] =	vst v63  }
0x2a: {  	_ = 	snop  }
0x2b: {  	[tilespmem:s19], [sflag:$0x1] =	stream.indirect.gather [hbm4b:s4+s17], $0x40, s17, s17, $0xb8;
	[tilespmem:$0x1EB40] =	vst v63  }
0x2c: {  	s0 =	simm.s32 $0x100;
	s2 =	simm.s32 $0x8F00  }
0x2d: {  	[tilespmem:s2], [sflag:$0x1] =	stream.indirect.gather [hbm4b:s4+s17], $0x40, s0, s17, $0xb8;
	[tilespmem:$0x1EB40] =	vst v63  }
0x2e: {  	s25 =	simm.s32 $0x180;
	s26 =	simm.s32 $0xAF00  }
0x2f: {  	[tilespmem:s26], [sflag:$0x1] =	stream.indirect.gather [hbm4b:s4+s17], $0x40, s25, s17, $0xb8;
	[tilespmem:$0x1EB40] =	vst v63  }
0x30: {  	s25 =	simm.s32 $0x200;
	s26 =	simm.s32 $0xCF00  }
0x31: {  	[tilespmem:s26], [sflag:$0x1] =	stream.indirect.gather [hbm4b:s4+s17], $0x40, s25, s17, $0xb8;
	[tilespmem:$0x1EB40] =	vst v63  }
0x32: {  	s25 =	simm.s32 $0x280;
	s26 =	simm.s32 $0xEF00  }
0x33: {  	[tilespmem:s26], [sflag:$0x1] =	stream.indirect.gather [hbm4b:s4+s17], $0x40, s25, s17, $0xb8;
	[tilespmem:$0x1EB40] =	vst v63  }
0x34: {  	s25 =	simm.s32 $0x300;
	s26 =	simm.s32 $0x10F00  }
0x35: {  	[tilespmem:s26], [sflag:$0x1] =	stream.indirect.gather [hbm4b:s4+s17], $0x40, s25, s17, $0xb8;
	[tilespmem:$0x1EB40] =	vst v63  }
0x36: {  	s25 =	simm.s32 $0x380;
	s26 =	simm.s32 $0x12F00  }
0x37: {  	[tilespmem:s26], [sflag:$0x1] =	stream.indirect.gather [hbm4b:s4+s17], $0x40, s25, s17, $0xb8;
	[tilespmem:$0x1EB40] =	vst v63  }
0x38: {  	_ =	swait.ge [sflag:s20], $0x2000  }
0x39: {  	[sflag:s20] =	ssyncset.done $0x0  }
0x3a: {  	[sflag:s20] =	ssyncadd.s32 $0xFFFFE000  }
0x3b: {  	[spmem:s1] =	stream.indirect.scatter.add.f32 [tilespmem:s18], [sflag:$0x2], $0x40, s14, s17, $0xb8;
	[tilespmem:$0x1EB40] =	vst v63  }
0x3c: {  	s29 =	simm.s32 $0x400;
	p2 =	sle.u32 s5, $0x8;
	_ =	swait.ge [sflag:s20], $0x2000  }
0x3d: {  	p1 =	sne.s32 s12, $0x1;
	s28 =	simm.s32 $0x40000;
	[sflag:s20] =	ssyncset.done $0x0  }
0x3e: {  	s30 =	simm.s32 $0x10000;
	s28 =	sand.u32 @!p2 $0x38000, s28;
	[sflag:s20] =	ssyncadd.s32 $0xFFFFE000  }
0x3f: {  	[spmem:s1] =	stream.indirect.scatter.add.f32 [tilespmem:s19], [sflag:$0x2], $0x40, s21, s17, $0xb8;
	[tilespmem:$0x1EB40] =	vst v63  }
0x40: {  	s31 =	simm.s32 @!p2 $0x80;
	s28 =	sshrl.u32 @!p2 s28, $0x2;
	_ =	swait.ge [sflag:s22], $0x2000  }
0x41: {  	s28 =	sadd.s32 @!p2 $0x4F00, s28;
	s25 =	simm.s32 $0x2880;
	[sflag:s22] =	ssyncset.done $0x0  }
.Ltmp0:
0x42: {  	s26 =	simm.s32 $0x1;
	[sflag:s22] =	ssyncadd.s32 $0xFFFFE000;
	(pc) =	sbr.rel @!p1 .LBB2_3-.Ltmp0, $4  }
0x43: {  	[tilespmem:s28], [sflag:$0x1] =	stream.indirect.gather @!p2 [hbm4b:s4+s31], $0x40, s29, s31, $0xb8;
	[tilespmem:$0x1EB40] =	vst v63  }
0x44: {  	s29 =	sand.u32 $0x38000, s30;
	s28 =	simm.s32 $0x480;
	_ =	swait.ge [sflag:s20], $0x2000  }
0x45: {  	s30 =	sshrl.u32 s29, $0x2;
	s29 =	simm.s32 $0x48000;
	[sflag:s20] =	ssyncset.done $0x0  }
0x46: {  	s31 =	sadd.s32 $0x4F00, s30;
	s30 =	simm.s32 $0x2900;
	[sflag:s20] =	ssyncadd.s32 $0xFFFFE000  }
.LBB2_2:
0x47: {  	[spmem:s1] =	stream.indirect.scatter.add.f32 [tilespmem:s31], [sflag:$0x2], $0x40, s25, s17, $0xb8;
	[tilespmem:$0x1EB40] =	vst v63  }
0x48: {  	s31 =	sadd.s32 $0x8, s26;
	s26 =	sadd.s32 $0x1, s26;
	s25 =	smov.u32 s30  }
0x49: {  	p2 =	sge.u32 s31, s5;
	p1 =	sne.s32 s12, s26  }
0x4a: {  	s0 =	sadd.s32 $0xFFFD0000, s29;
	s31 =	sand.u32 @!p2 $0x38000, s29;
	_ =	swait.ge [sflag:s22], $0x2000  }
0x4b: {  	s2 =	simm.s32 @!p2 $0x80;
	s31 =	sshrl.u32 @!p2 s31, $0x2;
	[sflag:s22] =	ssyncset.done $0x0  }
.Ltmp1:
0x4c: {  	s31 =	sadd.s32 @!p2 $0x4F00, s31;
	[sflag:s22] =	ssyncadd.s32 $0xFFFFE000;
	(pc) =	sbr.rel @p1 .LBB2_2-.Ltmp1, $4  }
0x4d: {  	[tilespmem:s31], [sflag:$0x1] =	stream.indirect.gather @!p2 [hbm4b:s4+s2], $0x40, s28, s2, $0xb8;
	[tilespmem:$0x1EB40] =	vst v63  }
0x4e: {  	s0 =	sand.u32 $0x38000, s0;
	s28 =	sadd.s32 $0x80, s28;
	_ =	swait.ge [sflag:s20], $0x2000  }
0x4f: {  	s0 =	sshrl.u32 s0, $0x2;
	s29 =	sadd.s32 $0x8000, s29;
	[sflag:s20] =	ssyncset.done $0x0  }
0x50: {  	s30 =	sadd.s32 $0x80, s30;
	s31 =	sadd.s32 $0x4F00, s0;
	[sflag:s20] =	ssyncadd.s32 $0xFFFFE000  }
.LBB2_3:
0x51: {  	[spmem:s1] =	stream.indirect.scatter.add.f32 [tilespmem:s31], [sflag:$0x2], $0x40, s25, s17, $0xb8;
	[tilespmem:$0x1EB40] =	vst v63  }
0x52: {  	_ =	swait.ge [sflag:s22], $0x2000  }
0x53: {  	[sflag:s22] =	ssyncset.done $0x0  }
0x54: {  	[sflag:s22] =	ssyncadd.s32 $0xFFFFE000  }
0x55: {  	_ =	swait.ge [sflag:s22], $0x2000  }
0x56: {  	s23 =	sadd.s32 $0x1, s23;
	[sflag:s22] =	ssyncset.done $0x0  }
0x57: {  	p1 =	sne.s32 s23, s11;
	[sflag:s22] =	ssyncadd.s32 $0xFFFFE000  }
.Ltmp2:
0x58: {  	[bflag:$0x0] =	sbarrier.arrive $0xFFFF;
	(pc) =	sbr.rel @p1 .LBB2_1-.Ltmp2, $4  }
0x59: {  	[hbm:s24], [sflag:s15] =	dma.local [spmem:s16], $0x1388  }
0x5a: {  	_ =	swait.ge [sflag:s13], $0x1388  }
0x5b: {  	[sflag:s13] =	ssyncset.done $0x0  }
0x5c: {  	[sflag:s13] =	ssyncadd.s32 $0xFFFFEC78  }
0x5d: {  	_ =	sfence.sel $0x180000  }
0x5e: {  	[bflag:$0x0] =	sbarrier.arrive $0xFFFF  }
0x5f: {  	_ =	strace $0x9000004A  }
0x60: {  	s0 =	stileid.u32;
	[bflag:$0x2] =	sbarrier.arrive $0xFFFF  }
0x61: {  	p0 =	sne.s32 s0, $0x0;
	s0 =	rddreg [dreg:$0x2]  }
0x62: {  	s0 =	sadd.s32 @!p0 $0x100000, s0  }
0x63: {  	[sflag:s0] =	ssyncadd.tile.s32 @!p0 $0x1;
	_ =	shalt  }
.Lfunc_end2:
_tile_overlayer_lowered:
.L_overlay_start_2:
0x64: {  	(tag) =	ssettag $0x2  }
0x65: {  	s0 =	rddreg [dreg:$0x0];
	s2 =	stileid.u32  }
0x66: {  	s1 =	rddreg [dreg:$0x1];
	p0 =	sne.s32 s2, $0x0  }
0x67: {  	s3 =	rddreg [dreg:$0x2];
	[bflag:$0x3] =	sbarrier.arrive $0xFFFF;
	s2 =	simm.s32 @!p0 $0x1C03  }
0x68: {  	[timem:s3], [sflag:s2] =	dma.local @!p0 [hbm:s0], s1  }
0x69: {  	s0 =	simm.s32 @!p0 $0x3  }
0x6a: {  	_ =	swait.ge @!p0 [sflag:s0], s1  }
0x6b: {  	s1 =	ssub.s32 @!p0 $0x0, s1;
	[sflag:s0] =	ssyncset.done @!p0 $0x0  }
0x6c: {  	[sflag:s0] =	ssyncadd.s32 @!p0 s1  }
0x6d: {  	[bflag:$0x3] =	sbarrier.arrive $0xFFFF  }
0x6e: {  	_ =	shalt  }

// kernel: kernel.15.cloned.1.call-start
scs
__scs_entry_jumppad:
0x0: {  	(pc) =	sbr.rel $0x88, $3  }
0x1: {  	(tag) =	ssettag $0x0;
	lr =	simm.s32 $0x1  }
0x2: {  	[smem:$0x3F98] =	sst lr;
	_ =	strace $0xD0000000  }
0x3: {  	_ = 	snop  }
0x4: {  	_ = 	snop  }
0x5: {  	_ = 	snop  }
0x6: {  	_ = 	snop  }
0x7: {  	_ = 	snop  }
__scs_overlays_trampoline_lowered:
0x8: {  	[smem:$0x3FA7] =	sst s0  }
0x9: {  	[smem:$0x3FA8] =	sst s1  }
0xa: {  	[smem:$0x3FA9] =	sst s2  }
0xb: {  	[smem:$0x3FAA] =	sst s3  }
0xc: {  	[smem:$0x3FAB] =	sst s4  }
0xd: {  	[smem:$0x3FAC] =	sst s5  }
0xe: {  	[smem:$0x3FAD] =	sst s6  }
0xf: {  	[smem:$0x3FAE] =	sst s7  }
0x10: {  	[smem:$0x3FAF] =	sst s8  }
0x11: {  	[smem:$0x3FB0] =	sst s9;
	s0 =	simm.s32 @!p0 $0x0  }
0x12: {  	s1 =	sld [smem:$0x3F96];
	s0 =	simm.s32 @p0 $0x1  }
0x13: {  	[smem:$0x3FB1] =	sst s0;
	s0 =	simm.s32 @!p1 $0x0  }
0x14: {  	s2 =	sld [smem:$0x3F95];
	s0 =	simm.s32 @p1 $0x1  }
0x15: {  	[smem:$0x3FB2] =	sst s0;
	s0 =	simm.s32 @!p2 $0x0  }
0x16: {  	s3 =	sld [smem:$0x3FDB];
	s0 =	simm.s32 @p2 $0x1  }
0x17: {  	s4 =	simm.s32 $0x1BF5;
	[smem:$0x3FB4] =	sst s0  }
0x18: {  	s0 =	sld [smem:$0x3F97];
	_ =	swait.ge [sflag:s4], $0x0  }
0x19: {  	s7 =	sld [smem:$0x3F98]  }
0x1a: {  	s8 =	sadd.s32 $0xFFFFE003, lr  }
0x1b: {  	s9 =	sadd.s32 $0xFFFFFEF7, lr;
	s5 =	simm.s32 $0xFFFFFFFF;
	p2 =	slt.u32 s8, $0xFFFFF086  }
0x1c: {  	p1 =	slt.u32 s9, $0xF7A;
	s5 =	simm.s32 @!p2 $0x0  }
0x1d: {  	s5 =	simm.s32 @p1 $0x1;
	p0 =	seq.s32 s7, s2  }
0x1e: {  	s7 =	smul.u32 @!p0 $0xF7A, s2;
	p2 =	seq.s32 @!p0 s5, $0x0  }
0x1f: {  	s9 =	smul.u32 $0xF7A, s1;
	s8 =	simm.s32 @!p0 $0x1BF5;
	p2 =	por !p2, p0  }
0x20: {  	[sflag:s8] =	ssyncset.s32 @!p0 $0xFFFFF086;
	s6 =	sadd.s32 @!p0 s3, s7;
	s7 =	simm.s32 @!p0 $0x108  }
0x21: {  	s3 =	sadd.s32 s3, s9;
	s6 =	sadd.s32 @!p0 $0x88, s6;
	s7 =	simm.s32 @p2 $0x1082  }
0x22: {  	[simem:s7], [sflag:s8] =	dma.local @!p0 [hbm:s6], $0xF7A  }
0x23: {  	s9 =	sor.u32 $0xD0000000, s2;
	s6 =	simm.s32 $0x108;
	_ =	swait.ge @!p0 [sflag:s8], $0x0  }
0x24: {  	s3 =	sadd.s32 $0x88, s3;
	s6 =	simm.s32 @!p1 $0x1082;
	[sflag:s4] =	ssyncset.s32 $0xFFFFF086  }
0x25: {  	[simem:s6], [sflag:s4] =	dma.local [hbm:s3], $0xF7A  }
0x26: {  	[smem:$0x3F98] =	sst s1;
	(tag) =	ssettag s2;
	_ =	strace s9  }
0x27: {  	s1 =	sld [smem:$0x3FA8]  }
0x28: {  	s2 =	sld [smem:$0x3FA9]  }
0x29: {  	s4 =	sld [smem:$0x3FAB]  }
0x2a: {  	p0 =	seq.s32 s5, $0x0;
	s5 =	sld [smem:$0x3FAC]  }
0x2b: {  	s6 =	sld [smem:$0x3FAD]  }
0x2c: {  	s7 =	sld [smem:$0x3FAE]  }
0x2d: {  	s3 =	simm.s32 $0x108;
	s8 =	sld [smem:$0x3FAF]  }
0x2e: {  	s3 =	simm.s32 @!p0 $0x1082;
	s9 =	sld [smem:$0x3FB0]  }
0x2f: {  	lr =	sadd.s32 s0, s3;
	s0 =	sld [smem:$0x3FA7]  }
0x30: {  	s3 =	sld [smem:$0x3FAA]  }
0x31: {  	[smem:$0x3FB3] =	sst s10  }
0x32: {  	s10 =	sld [smem:$0x3FB1];
	_ =	sdelay $0x3  }
0x33: {  	p0 =	seq.s32 s10, $0x1;
	s10 =	sld [smem:$0x3FB3];
	_ =	sdelay $0x3  }
0x34: {  	[smem:$0x3FB3] =	sst s10  }
0x35: {  	s10 =	sld [smem:$0x3FB2];
	_ =	sdelay $0x3  }
0x36: {  	p1 =	seq.s32 s10, $0x1;
	s10 =	sld [smem:$0x3FB3];
	_ =	sdelay $0x3  }
0x37: {  	[smem:$0x3FB3] =	sst s10  }
0x38: {  	s10 =	sld [smem:$0x3FB4]  }
0x39: {  	_ = 	snop;
	(pc) =	sbr.ind lr, $3  }
0x3a: {  	_ = 	snop  }
0x3b: {  	_ = 	snop  }
0x3c: {  	p2 =	seq.s32 s10, $0x1;
	s10 =	sld [smem:$0x3FB3]  }
0x3d: {  	_ =	shalt  }
0x3e: {  	_ =	shalt  }
0x3f: {  	_ =	shalt  }
0x40: {  	_ =	shalt  }
0x41: {  	_ =	shalt  }
0x42: {  	_ =	shalt  }
0x43: {  	_ =	shalt  }
0x44: {  	_ =	shalt  }
0x45: {  	_ =	shalt  }
0x46: {  	_ =	shalt  }
0x47: {  	_ =	shalt  }
0x48: {  	_ =	shalt  }
0x49: {  	_ =	shalt  }
0x4a: {  	_ =	shalt  }
0x4b: {  	_ =	shalt  }
0x4c: {  	_ =	shalt  }
0x4d: {  	_ =	shalt  }
0x4e: {  	_ =	shalt  }
0x4f: {  	_ =	shalt  }
0x50: {  	_ =	shalt  }
0x51: {  	_ =	shalt  }
0x52: {  	_ =	shalt  }
0x53: {  	_ =	shalt  }
0x54: {  	_ =	shalt  }
0x55: {  	_ =	shalt  }
0x56: {  	_ =	shalt  }
0x57: {  	_ =	shalt  }
0x58: {  	_ =	shalt  }
0x59: {  	_ =	shalt  }
0x5a: {  	_ =	shalt  }
0x5b: {  	_ =	shalt  }
0x5c: {  	_ =	shalt  }
0x5d: {  	_ =	shalt  }
0x5e: {  	_ =	shalt  }
0x5f: {  	_ =	shalt  }
0x60: {  	_ =	shalt  }
0x61: {  	_ =	shalt  }
0x62: {  	_ =	shalt  }
0x63: {  	_ =	shalt  }
0x64: {  	_ =	shalt  }
0x65: {  	_ =	shalt  }
0x66: {  	_ =	shalt  }
0x67: {  	_ =	shalt  }
0x68: {  	_ =	shalt  }
0x69: {  	_ =	shalt  }
0x6a: {  	_ =	shalt  }
0x6b: {  	_ =	shalt  }
0x6c: {  	_ =	shalt  }
0x6d: {  	_ =	shalt  }
0x6e: {  	_ =	shalt  }
0x6f: {  	_ =	shalt  }
0x70: {  	_ =	shalt  }
0x71: {  	_ =	shalt  }
0x72: {  	_ =	shalt  }
0x73: {  	_ =	shalt  }
0x74: {  	_ =	shalt  }
0x75: {  	_ =	shalt  }
0x76: {  	_ =	shalt  }
0x77: {  	_ =	shalt  }
0x78: {  	_ =	shalt  }
0x79: {  	_ =	shalt  }
0x7a: {  	_ =	shalt  }
0x7b: {  	_ =	shalt  }
0x7c: {  	_ =	shalt  }
0x7d: {  	_ =	shalt  }
0x7e: {  	_ =	shalt  }
0x7f: {  	_ =	shalt  }
0x80: {  	_ =	shalt  }
0x81: {  	_ =	shalt  }
0x82: {  	_ =	shalt  }
0x83: {  	_ =	shalt  }
0x84: {  	_ =	shalt  }
0x85: {  	_ =	shalt  }
0x86: {  	_ =	shalt  }
0x87: {  	_ =	shalt  }
.Lfunc_end0:
.L_simem_size_0:
called_computation.2_lowered:
.L_overlay_start_0:
0x88: {  	s2 =	sld [smem:$0x3FD9]  }
0x89: {  	s3 =	sld [smem:$0x3FFE];
	_ =	sdelay $0x1  }
0x8a: {  	s1 =	srdreg.scid  }
0x8b: {  	s0 =	sand.u32 $0x1, s1  }
0x8c: {  	s16 =	sshll.u32 s0, $0xA;
	s2 =	sadd.s32 s3, s2  }
0x8d: {  	s2 =	sadd.s32 s2, s16  }
0x8e: {  	[smem:$0x3FBF] =	sst s2  }
0x8f: {  	_ = 	snop  }
0x90: {  	(tm) =	ssettm $0x1  }
0x91: {  	s17 =	sld [smem:$0x3FFB];
	_ =	sdelay $0x3  }
0x92: {  	_ =	strace s17  }
0x93: {  	s2 =	sld [smem:$0x3FFC];
	_ =	sdelay $0x3  }
0x94: {  	_ =	strace s2  }
0x95: {  	s2 =	sld [smem:$0x3FFD];
	_ =	sdelay $0x3  }
0x96: {  	_ =	strace s2  }
0x97: {  	_ =	strace $0x8FFFFFFF  }
0x98: {  	s18 =	sld [smem:$0x3FDB];
	_ =	sdelay $0x1  }
0x99: {  	s19 =	simm.s32 $_scs_section_size  }
0x9a: {  	s4 =	simm.s32 $_size__tile_overlayer_lowered;
	s5 =	simm.s32 $_tile_overlayer_lowered  }
0x9b: {  	s22 =	simm.s32 $0x1BFF;
	s21 =	sshll.u32 s5, $0x1;
	s2 =	sadd.s32 s19, s18  }
0x9c: {  	s6 =	simm.s32 $0x0;
	s20 =	sshll.u32 s4, $0x1;
	s4 =	sadd.s32 s21, s2  }
0x9d: {  	[timem:s6], [sflag:s22] =	dma.local [hbm:s4], s20  }
0x9e: {  	_ =	swait.ge [sflag:s22], s20  }
0x9f: {  	s3 =	ssub.s32 $0x0, s20;
	[sflag:s22] =	ssyncset.done $0x0  }
0xa0: {  	[sflag:s22] =	ssyncadd.s32 s3;
	_ =	sdelay $0x1  }
0xa1: {  	s23 =	simm.s32 $0x1B8B  }
0xa2: {  	_ =	swait.ge [sflag:s23], $0x1  }
0xa3: {  	[sflag:s23] =	ssyncset.done $0x0  }
0xa4: {  	s25 =	simm.s32 $0x1B8E;
	s24 =	sld [smem:$0x3FFE];
	[sflag:s23] =	ssyncadd.s32 $0xFFFFFFFF  }
0xa5: {  	s26 =	simm.s32 $execute0_lowered;
	[smem:$0x3FD2] =	sst s25  }
0xa6: {  	s4 =	sshll.u32 s26, $0x1;
	_ =	strace $0x8000004C;
	[dreg:$0x1] =	wrdreg $0xFFFFFFFF  }
0xa7: {  	s28 =	simm.s32 $_size_execute0_lowered;
	s2 =	sadd.s32 s2, s4;
	[dreg:$0x0] =	wrdreg $0x0  }
0xa8: {  	s4 =	sshll.u32 s28, $0x1;
	[dreg:$0x2] =	wrdreg s2  }
0xa9: {  	[dreg:$0x3] =	wrdreg s4  }
0xaa: {  	[dreg:$0x4] =	wrdreg $0xC0  }
0xab: {  	_ =	task [dreg:s6], $0x5FFFF  }
0xac: {  	[dreg:$0x1] =	wrdreg $0xFFFFFFFF  }
0xad: {  	[dreg:$0x0] =	wrdreg $0x60  }
0xae: {  	[dreg:$0x2] =	wrdreg s24  }
0xaf: {  	[dreg:$0x3] =	wrdreg $0x14F000  }
0xb0: {  	[dreg:$0x4] =	wrdreg $0x9  }
0xb1: {  	_ =	task.clear_ibuf [dreg:s6], $0x5FFFF;
	_ =	strace $0x9000004C  }
0xb2: {  	s29 =	simm.s32 $0x9;
	_ =	strace $0x8000004E  }
0xb3: {  	_ =	swait.ge [sflag:s29], $0x1  }
0xb4: {  	[sflag:s29] =	ssyncadd.s32 $0xFFFFFFFF  }
0xb5: {  	_ =	strace $0x9000004E  }
0xb6: {  	_ =	sfence  }
0xb7: {  	s30 =	sld [smem:$0x0];
	_ =	sdelay $0x2  }
0xb8: {  	s31 =	sshll.u32 s1, $0xD;
	s1 =	sshrl.u32 s1, $0x2  }
0xb9: {  	s3 =	sand.u32 $0x4000, s31;
	s1 =	sadd.s32 s1, s30  }
0xba: {  	s0 =	sor.u32 s3, s0;
	s1 =	sshll.u32 s1, $0x11  }
0xbb: {  	s0 =	sor.u32 s1, s0  }
0xbc: {  	s0 =	sadd.s32 $0x8F2B, s0  }
0xbd: {  	[sflag:s0] =	ssyncadd.remote.s32 $0x1  }
0xbe: {  	_ =	sfence.sel $0xFFFF  }
0xbf: {  	[dreg:$0x0] =	wrdreg $0xFFFFFFFF;
	(pc) =	sbr.abs _section_cstart, $3  }
0xc0: {  	[dreg:$0x1] =	wrdreg $0xFFFFFFFF  }
0xc1: {  	_ =	task.clear_ibuf [dreg:s6], $0x2FFFF;
	_ =	strace $0x9FFFFFFF  }
0xc2: {  	(tm) =	ssettm $0x7FFFFFFF  }
0xc3: {  	_ =	shalt  }
tec
execute0_lowered:
.L_overlay_start_1:
0x0: {  	(tag) =	ssettag $0x1  }
0x1: {  	s0 =	rddreg [dreg:$0x0]  }
0x2: {  	s1 =	rddreg [dreg:$0x1];
	s3 =	simm.s32 $0x0;
	s14 =	stileid.u32  }
0x3: {  	s2 =	srdreg.scid;
	s17 =	simm.s32 $0x80;
	s18 =	simm.s32 $0x4F00  }
0x4: {  	s19 =	simm.s32 $0x6F00;
	s21 =	simm.s32 $0x2800;
	s22 =	simm.s32 $0x2  }
0x5: {  	s23 =	simm.s32 $0x0;
	[smem:$0x7FF] =	sst s3;
	s4 =	sadd.s32 $0x2E00, s0  }
0x6: {  	s10 =	smul.u32 $0x9C40, s14;
	s2 =	sand.u32 $0x1, s2;
	s8 =	sadd.s32 $0x25600, s0  }
0x7: {  	s9 =	sadd.s32 $0x2F400, s0;
	s31 =	sshll.u32 s14, $0x6;
	_ =	strace $0x8000004D  }
0x8: {  	s5 =	sshll.u32 s2, $0x4;
	s6 =	smul.u32 $0x13880, s2;
	s2 =	ssub.s32 $0x2, s2  }
0x9: {  	s15 =	sor.u32 $0x1C03, s31;
	s20 =	sshrl.u32 s10, $0x3;
	s13 =	sor.u32 s14, s5  }
0xa: {  	s30 =	sshrl.u32 s2, $0x1;
	s16 =	sadd.s32 s10, s1;
	s14 =	simm.s32 $0x2780  }
0xb: {  	s11 =	sadd.s32 s20, s0;
	s5 =	smul.u32 $0x4E, s13;
	s0 =	sadd.s32 s6, s0  }
0xc: {  	s7 =	smin.u32 s13, $0x4;
	p0 =	slt.u32 s13, $0x4;
	s2 =	ssub.s32 s2, s30  }
0xd: {  	s16 =	sshrl.u32 s16, $0x3;
	s10 =	sadd.s32 $0x39200, s11;
	s0 =	sadd.s32 $0x4CC00, s0  }
0xe: {  	s11 =	smax.u32 s2, $0x1;
	s7 =	sadd.s32 s7, s5;
	s5 =	simm.s32 $0x4F  }
0xf: {  	s24 =	sadd.s32 s20, s0;
	s20 =	simm.s32 $0x1;
	s5 =	simm.s32 @!p0 $0x4E  }
0x10: {  	s12 =	sshll.u32 s7, $0x4;
	p0 =	sgt.u32 s13, $0x3;
	s13 =	simm.s32 $0x3  }
0x11: {  	s6 =	sadd.s32 s8, s12;
	s7 =	sadd.s32 s9, s12;
	s12 =	sadd.s32 $0x4E0, s12  }
0x12: {  	s8 =	sadd.s32 s8, s12;
	s9 =	sadd.s32 s9, s12;
	s12 =	sadd.s32 $0xFFFFFFFE, s5  }
.LBB2_1:
0x13: {  	[tilespmem:s3], [sflag:$0x3] =	stream.linear.gather [hbm4b:s6+s3], $0x2700, $0x38;
	[tilespmem:$0x1EB40] =	vst v63  }
0x14: {  	_ =	swait.ge [sflag:s13], $0x2700  }
0x15: {  	[sflag:s13] =	ssyncset.done $0x0  }
0x16: {  	[sflag:s13] =	ssyncadd.s32 $0xFFFFD900  }
0x17: {  	[tilespmem:s14], [sflag:$0x3] =	stream.linear.gather [hbm4b:s7+s3], $0x2700, $0x38;
	[tilespmem:$0x1EB40] =	vst v63  }
0x18: {  	_ =	swait.ge [sflag:s13], $0x2700  }
0x19: {  	[sflag:s13] =	ssyncset.done $0x0  }
0x1a: {  	s25 =	simm.s32 @!p0 $0x0;
	s26 =	simm.s32 @!p0 $0x2700;
	[sflag:s13] =	ssyncadd.s32 $0xFFFFD900  }
0x1b: {  	[tilespmem:s26], [sflag:$0x3] =	stream.linear.gather @!p0 [hbm4b:s8+s25], $0x80, $0x38;
	[tilespmem:$0x1EB40] =	vst v63  }
0x1c: {  	s26 =	simm.s32 @!p0 $0x3  }
0x1d: {  	_ =	swait.ge @!p0 [sflag:s26], $0x80  }
0x1e: {  	[sflag:s26] =	ssyncset.done @!p0 $0x0  }
0x1f: {  	s28 =	simm.s32 @!p0 $0x4E80;
	[sflag:s26] =	ssyncadd.s32 @!p0 $0xFFFFFF80  }
0x20: {  	[tilespmem:s28], [sflag:$0x3] =	stream.linear.gather @!p0 [hbm4b:s9+s25], $0x80, $0x38;
	[tilespmem:$0x1EB40] =	vst v63  }
0x21: {  	_ =	swait.ge @!p0 [sflag:s26], $0x80  }
0x22: {  	[sflag:s26] =	ssyncset.done @!p0 $0x0  }
0x23: {  	[sflag:s26] =	ssyncadd.s32 @!p0 $0xFFFFFF80  }
0x24: {  	[spmem:s16], [sflag:s15] =	dma.local [hbm:s10], $0x1388  }
0x25: {  	_ =	swait.ge [sflag:s13], $0x1388  }
0x26: {  	[sflag:s13] =	ssyncset.done $0x0  }
0x27: {  	[sflag:s13] =	ssyncadd.s32 $0xFFFFEC78  }
0x28: {  	[bflag:$0x0] =	sbarrier.arrive $0xFFFF  }
0x29: {  	[tilespmem:s18], [sflag:$0x1] =	stream.indirect.gather [hbm4b:s4+s17], $0x40, s3, s17, $0xb8;
	[tilespmem:$0x1EB40] =	vst v63  }
0x2a: {  	_ = 	snop  }
0x2b: {  	[tilespmem:s19], [sflag:$0x1] =	stream.indirect.gather [hbm4b:s4+s17], $0x40, s17, s17, $0xb8;
	[tilespmem:$0x1EB40] =	vst v63  }
0x2c: {  	s0 =	simm.s32 $0x100;
	s2 =	simm.s32 $0x8F00  }
0x2d: {  	[tilespmem:s2], [sflag:$0x1] =	stream.indirect.gather [hbm4b:s4+s17], $0x40, s0, s17, $0xb8;
	[tilespmem:$0x1EB40] =	vst v63  }
0x2e: {  	s25 =	simm.s32 $0x180;
	s26 =	simm.s32 $0xAF00  }
0x2f: {  	[tilespmem:s26], [sflag:$0x1] =	stream.indirect.gather [hbm4b:s4+s17], $0x40, s25, s17, $0xb8;
	[tilespmem:$0x1EB40] =	vst v63  }
0x30: {  	s25 =	simm.s32 $0x200;
	s26 =	simm.s32 $0xCF00  }
0x31: {  	[tilespmem:s26], [sflag:$0x1] =	stream.indirect.gather [hbm4b:s4+s17], $0x40, s25, s17, $0xb8;
	[tilespmem:$0x1EB40] =	vst v63  }
0x32: {  	s25 =	simm.s32 $0x280;
	s26 =	simm.s32 $0xEF00  }
0x33: {  	[tilespmem:s26], [sflag:$0x1] =	stream.indirect.gather [hbm4b:s4+s17], $0x40, s25, s17, $0xb8;
	[tilespmem:$0x1EB40] =	vst v63  }
0x34: {  	s25 =	simm.s32 $0x300;
	s26 =	simm.s32 $0x10F00  }
0x35: {  	[tilespmem:s26], [sflag:$0x1] =	stream.indirect.gather [hbm4b:s4+s17], $0x40, s25, s17, $0xb8;
	[tilespmem:$0x1EB40] =	vst v63  }
0x36: {  	s25 =	simm.s32 $0x380;
	s26 =	simm.s32 $0x12F00  }
0x37: {  	[tilespmem:s26], [sflag:$0x1] =	stream.indirect.gather [hbm4b:s4+s17], $0x40, s25, s17, $0xb8;
	[tilespmem:$0x1EB40] =	vst v63  }
0x38: {  	_ =	swait.ge [sflag:s20], $0x2000  }
0x39: {  	[sflag:s20] =	ssyncset.done $0x0  }
0x3a: {  	[sflag:s20] =	ssyncadd.s32 $0xFFFFE000  }
0x3b: {  	[spmem:s1] =	stream.indirect.scatter.add.f32 [tilespmem:s18], [sflag:$0x2], $0x40, s14, s17, $0xb8;
	[tilespmem:$0x1EB40] =	vst v63  }
0x3c: {  	s29 =	simm.s32 $0x400;
	p2 =	sle.u32 s5, $0x8;
	_ =	swait.ge [sflag:s20], $0x2000  }
0x3d: {  	p1 =	sne.s32 s12, $0x1;
	s28 =	simm.s32 $0x40000;
	[sflag:s20] =	ssyncset.done $0x0  }
0x3e: {  	s30 =	simm.s32 $0x10000;
	s28 =	sand.u32 @!p2 $0x38000, s28;
	[sflag:s20] =	ssyncadd.s32 $0xFFFFE000  }
0x3f: {  	[spmem:s1] =	stream.indirect.scatter.add.f32 [tilespmem:s19], [sflag:$0x2], $0x40, s21, s17, $0xb8;
	[tilespmem:$0x1EB40] =	vst v63  }
0x40: {  	s31 =	simm.s32 @!p2 $0x80;
	s28 =	sshrl.u32 @!p2 s28, $0x2;
	_ =	swait.ge [sflag:s22], $0x2000  }
0x41: {  	s28 =	sadd.s32 @!p2 $0x4F00, s28;
	s25 =	simm.s32 $0x2880;
	[sflag:s22] =	ssyncset.done $0x0  }
.Ltmp0:
0x42: {  	s26 =	simm.s32 $0x1;
	[sflag:s22] =	ssyncadd.s32 $0xFFFFE000;
	(pc) =	sbr.rel @!p1 .LBB2_3-.Ltmp0, $4  }
0x43: {  	[tilespmem:s28], [sflag:$0x1] =	stream.indirect.gather @!p2 [hbm4b:s4+s31], $0x40, s29, s31, $0xb8;
	[tilespmem:$0x1EB40] =	vst v63  }
0x44: {  	s29 =	sand.u32 $0x38000, s30;
	s28 =	simm.s32 $0x480;
	_ =	swait.ge [sflag:s20], $0x2000  }
0x45: {  	s30 =	sshrl.u32 s29, $0x2;
	s29 =	simm.s32 $0x48000;
	[sflag:s20] =	ssyncset.done $0x0  }
0x46: {  	s31 =	sadd.s32 $0x4F00, s30;
	s30 =	simm.s32 $0x2900;
	[sflag:s20] =	ssyncadd.s32 $0xFFFFE000  }
.LBB2_2:
0x47: {  	[spmem:s1] =	stream.indirect.scatter.add.f32 [tilespmem:s31], [sflag:$0x2], $0x40, s25, s17, $0xb8;
	[tilespmem:$0x1EB40] =	vst v63  }
0x48: {  	s31 =	sadd.s32 $0x8, s26;
	s26 =	sadd.s32 $0x1, s26;
	s25 =	smov.u32 s30  }
0x49: {  	p2 =	sge.u32 s31, s5;
	p1 =	sne.s32 s12, s26  }
0x4a: {  	s0 =	sadd.s32 $0xFFFD0000, s29;
	s31 =	sand.u32 @!p2 $0x38000, s29;
	_ =	swait.ge [sflag:s22], $0x2000  }
0x4b: {  	s2 =	simm.s32 @!p2 $0x80;
	s31 =	sshrl.u32 @!p2 s31, $0x2;
	[sflag:s22] =	ssyncset.done $0x0  }
.Ltmp1:
0x4c: {  	s31 =	sadd.s32 @!p2 $0x4F00, s31;
	[sflag:s22] =	ssyncadd.s32 $0xFFFFE000;
	(pc) =	sbr.rel @p1 .LBB2_2-.Ltmp1, $4  }
0x4d: {  	[tilespmem:s31], [sflag:$0x1] =	stream.indirect.gather @!p2 [hbm4b:s4+s2], $0x40, s28, s2, $0xb8;
	[tilespmem:$0x1EB40] =	vst v63  }
0x4e: {  	s0 =	sand.u32 $0x38000, s0;
	s28 =	sadd.s32 $0x80, s28;
	_ =	swait.ge [sflag:s20], $0x2000  }
0x4f: {  	s0 =	sshrl.u32 s0, $0x2;
	s29 =	sadd.s32 $0x8000, s29;
	[sflag:s20] =	ssyncset.done $0x0  }
0x50: {  	s30 =	sadd.s32 $0x80, s30;
	s31 =	sadd.s32 $0x4F00, s0;
	[sflag:s20] =	ssyncadd.s32 $0xFFFFE000  }
.LBB2_3:
0x51: {  	[spmem:s1] =	stream.indirect.scatter.add.f32 [tilespmem:s31], [sflag:$0x2], $0x40, s25, s17, $0xb8;
	[tilespmem:$0x1EB40] =	vst v63  }
0x52: {  	_ =	swait.ge [sflag:s22], $0x2000  }
0x53: {  	[sflag:s22] =	ssyncset.done $0x0  }
0x54: {  	[sflag:s22] =	ssyncadd.s32 $0xFFFFE000  }
0x55: {  	_ =	swait.ge [sflag:s22], $0x2000  }
0x56: {  	s23 =	sadd.s32 $0x1, s23;
	[sflag:s22] =	ssyncset.done $0x0  }
0x57: {  	p1 =	sne.s32 s23, s11;
	[sflag:s22] =	ssyncadd.s32 $0xFFFFE000  }
.Ltmp2:
0x58: {  	[bflag:$0x0] =	sbarrier.arrive $0xFFFF;
	(pc) =	sbr.rel @p1 .LBB2_1-.Ltmp2, $4  }
0x59: {  	[hbm:s24], [sflag:s15] =	dma.local [spmem:s16], $0x1388  }
0x5a: {  	_ =	swait.ge [sflag:s13], $0x1388  }
0x5b: {  	[sflag:s13] =	ssyncset.done $0x0  }
0x5c: {  	[sflag:s13] =	ssyncadd.s32 $0xFFFFEC78  }
0x5d: {  	_ =	sfence.sel $0x180000  }
0x5e: {  	[bflag:$0x0] =	sbarrier.arrive $0xFFFF  }
0x5f: {  	_ =	strace $0x9000004D  }
0x60: {  	s0 =	stileid.u32;
	[bflag:$0x2] =	sbarrier.arrive $0xFFFF  }
0x61: {  	p0 =	sne.s32 s0, $0x0;
	s0 =	rddreg [dreg:$0x2]  }
0x62: {  	s0 =	sadd.s32 @!p0 $0x100000, s0  }
0x63: {  	[sflag:s0] =	ssyncadd.tile.s32 @!p0 $0x1;
	_ =	shalt  }
.Lfunc_end2:
_tile_overlayer_lowered:
.L_overlay_start_2:
0x64: {  	(tag) =	ssettag $0x2  }
0x65: {  	s0 =	rddreg [dreg:$0x0];
	s2 =	stileid.u32  }
0x66: {  	s1 =	rddreg [dreg:$0x1];
	p0 =	sne.s32 s2, $0x0  }
0x67: {  	s3 =	rddreg [dreg:$0x2];
	[bflag:$0x3] =	sbarrier.arrive $0xFFFF;
	s2 =	simm.s32 @!p0 $0x1C03  }
0x68: {  	[timem:s3], [sflag:s2] =	dma.local @!p0 [hbm:s0], s1  }
0x69: {  	s0 =	simm.s32 @!p0 $0x3  }
0x6a: {  	_ =	swait.ge @!p0 [sflag:s0], s1  }
0x6b: {  	s1 =	ssub.s32 @!p0 $0x0, s1;
	[sflag:s0] =	ssyncset.done @!p0 $0x0  }
0x6c: {  	[sflag:s0] =	ssyncadd.s32 @!p0 s1  }
0x6d: {  	[bflag:$0x3] =	sbarrier.arrive $0xFFFF  }
0x6e: {  	_ =	shalt  }

// kernel: kernel.9.cloned.1.call-start
scs
__scs_entry_jumppad:
0x0: {  	(pc) =	sbr.rel $0x88, $3  }
0x1: {  	(tag) =	ssettag $0x0;
	lr =	simm.s32 $0x1  }
0x2: {  	[smem:$0x3F98] =	sst lr;
	_ =	strace $0xD0000000  }
0x3: {  	_ = 	snop  }
0x4: {  	_ = 	snop  }
0x5: {  	_ = 	snop  }
0x6: {  	_ = 	snop  }
0x7: {  	_ = 	snop  }
__scs_overlays_trampoline_lowered:
0x8: {  	[smem:$0x3FA7] =	sst s0  }
0x9: {  	[smem:$0x3FA8] =	sst s1  }
0xa: {  	[smem:$0x3FA9] =	sst s2  }
0xb: {  	[smem:$0x3FAA] =	sst s3  }
0xc: {  	[smem:$0x3FAB] =	sst s4  }
0xd: {  	[smem:$0x3FAC] =	sst s5  }
0xe: {  	[smem:$0x3FAD] =	sst s6  }
0xf: {  	[smem:$0x3FAE] =	sst s7  }
0x10: {  	[smem:$0x3FAF] =	sst s8  }
0x11: {  	[smem:$0x3FB0] =	sst s9;
	s0 =	simm.s32 @!p0 $0x0  }
0x12: {  	s1 =	sld [smem:$0x3F96];
	s0 =	simm.s32 @p0 $0x1  }
0x13: {  	[smem:$0x3FB1] =	sst s0;
	s0 =	simm.s32 @!p1 $0x0  }
0x14: {  	s2 =	sld [smem:$0x3F95];
	s0 =	simm.s32 @p1 $0x1  }
0x15: {  	[smem:$0x3FB2] =	sst s0;
	s0 =	simm.s32 @!p2 $0x0  }
0x16: {  	s3 =	sld [smem:$0x3FDB];
	s0 =	simm.s32 @p2 $0x1  }
0x17: {  	s4 =	simm.s32 $0x1BF5;
	[smem:$0x3FB4] =	sst s0  }
0x18: {  	s0 =	sld [smem:$0x3F97];
	_ =	swait.ge [sflag:s4], $0x0  }
0x19: {  	s7 =	sld [smem:$0x3F98]  }
0x1a: {  	s8 =	sadd.s32 $0xFFFFE003, lr  }
0x1b: {  	s9 =	sadd.s32 $0xFFFFFEF7, lr;
	s5 =	simm.s32 $0xFFFFFFFF;
	p2 =	slt.u32 s8, $0xFFFFF086  }
0x1c: {  	p1 =	slt.u32 s9, $0xF7A;
	s5 =	simm.s32 @!p2 $0x0  }
0x1d: {  	s5 =	simm.s32 @p1 $0x1;
	p0 =	seq.s32 s7, s2  }
0x1e: {  	s7 =	smul.u32 @!p0 $0xF7A, s2;
	p2 =	seq.s32 @!p0 s5, $0x0  }
0x1f: {  	s9 =	smul.u32 $0xF7A, s1;
	s8 =	simm.s32 @!p0 $0x1BF5;
	p2 =	por !p2, p0  }
0x20: {  	[sflag:s8] =	ssyncset.s32 @!p0 $0xFFFFF086;
	s6 =	sadd.s32 @!p0 s3, s7;
	s7 =	simm.s32 @!p0 $0x108  }
0x21: {  	s3 =	sadd.s32 s3, s9;
	s6 =	sadd.s32 @!p0 $0x88, s6;
	s7 =	simm.s32 @p2 $0x1082  }
0x22: {  	[simem:s7], [sflag:s8] =	dma.local @!p0 [hbm:s6], $0xF7A  }
0x23: {  	s9 =	sor.u32 $0xD0000000, s2;
	s6 =	simm.s32 $0x108;
	_ =	swait.ge @!p0 [sflag:s8], $0x0  }
0x24: {  	s3 =	sadd.s32 $0x88, s3;
	s6 =	simm.s32 @!p1 $0x1082;
	[sflag:s4] =	ssyncset.s32 $0xFFFFF086  }
0x25: {  	[simem:s6], [sflag:s4] =	dma.local [hbm:s3], $0xF7A  }
0x26: {  	[smem:$0x3F98] =	sst s1;
	(tag) =	ssettag s2;
	_ =	strace s9  }
0x27: {  	s1 =	sld [smem:$0x3FA8]  }
0x28: {  	s2 =	sld [smem:$0x3FA9]  }
0x29: {  	s4 =	sld [smem:$0x3FAB]  }
0x2a: {  	p0 =	seq.s32 s5, $0x0;
	s5 =	sld [smem:$0x3FAC]  }
0x2b: {  	s6 =	sld [smem:$0x3FAD]  }
0x2c: {  	s7 =	sld [smem:$0x3FAE]  }
0x2d: {  	s3 =	simm.s32 $0x108;
	s8 =	sld [smem:$0x3FAF]  }
0x2e: {  	s3 =	simm.s32 @!p0 $0x1082;
	s9 =	sld [smem:$0x3FB0]  }
0x2f: {  	lr =	sadd.s32 s0, s3;
	s0 =	sld [smem:$0x3FA7]  }
0x30: {  	s3 =	sld [smem:$0x3FAA]  }
0x31: {  	[smem:$0x3FB3] =	sst s10  }
0x32: {  	s10 =	sld [smem:$0x3FB1];
	_ =	sdelay $0x3  }
0x33: {  	p0 =	seq.s32 s10, $0x1;
	s10 =	sld [smem:$0x3FB3];
	_ =	sdelay $0x3  }
0x34: {  	[smem:$0x3FB3] =	sst s10  }
0x35: {  	s10 =	sld [smem:$0x3FB2];
	_ =	sdelay $0x3  }
0x36: {  	p1 =	seq.s32 s10, $0x1;
	s10 =	sld [smem:$0x3FB3];
	_ =	sdelay $0x3  }
0x37: {  	[smem:$0x3FB3] =	sst s10  }
0x38: {  	s10 =	sld [smem:$0x3FB4]  }
0x39: {  	_ = 	snop;
	(pc) =	sbr.ind lr, $3  }
0x3a: {  	_ = 	snop  }
0x3b: {  	_ = 	snop  }
0x3c: {  	p2 =	seq.s32 s10, $0x1;
	s10 =	sld [smem:$0x3FB3]  }
0x3d: {  	_ =	shalt  }
0x3e: {  	_ =	shalt  }
0x3f: {  	_ =	shalt  }
0x40: {  	_ =	shalt  }
0x41: {  	_ =	shalt  }
0x42: {  	_ =	shalt  }
0x43: {  	_ =	shalt  }
0x44: {  	_ =	shalt  }
0x45: {  	_ =	shalt  }
0x46: {  	_ =	shalt  }
0x47: {  	_ =	shalt  }
0x48: {  	_ =	shalt  }
0x49: {  	_ =	shalt  }
0x4a: {  	_ =	shalt  }
0x4b: {  	_ =	shalt  }
0x4c: {  	_ =	shalt  }
0x4d: {  	_ =	shalt  }
0x4e: {  	_ =	shalt  }
0x4f: {  	_ =	shalt  }
0x50: {  	_ =	shalt  }
0x51: {  	_ =	shalt  }
0x52: {  	_ =	shalt  }
0x53: {  	_ =	shalt  }
0x54: {  	_ =	shalt  }
0x55: {  	_ =	shalt  }
0x56: {  	_ =	shalt  }
0x57: {  	_ =	shalt  }
0x58: {  	_ =	shalt  }
0x59: {  	_ =	shalt  }
0x5a: {  	_ =	shalt  }
0x5b: {  	_ =	shalt  }
0x5c: {  	_ =	shalt  }
0x5d: {  	_ =	shalt  }
0x5e: {  	_ =	shalt  }
0x5f: {  	_ =	shalt  }
0x60: {  	_ =	shalt  }
0x61: {  	_ =	shalt  }
0x62: {  	_ =	shalt  }
0x63: {  	_ =	shalt  }
0x64: {  	_ =	shalt  }
0x65: {  	_ =	shalt  }
0x66: {  	_ =	shalt  }
0x67: {  	_ =	shalt  }
0x68: {  	_ =	shalt  }
0x69: {  	_ =	shalt  }
0x6a: {  	_ =	shalt  }
0x6b: {  	_ =	shalt  }
0x6c: {  	_ =	shalt  }
0x6d: {  	_ =	shalt  }
0x6e: {  	_ =	shalt  }
0x6f: {  	_ =	shalt  }
0x70: {  	_ =	shalt  }
0x71: {  	_ =	shalt  }
0x72: {  	_ =	shalt  }
0x73: {  	_ =	shalt  }
0x74: {  	_ =	shalt  }
0x75: {  	_ =	shalt  }
0x76: {  	_ =	shalt  }
0x77: {  	_ =	shalt  }
0x78: {  	_ =	shalt  }
0x79: {  	_ =	shalt  }
0x7a: {  	_ =	shalt  }
0x7b: {  	_ =	shalt  }
0x7c: {  	_ =	shalt  }
0x7d: {  	_ =	shalt  }
0x7e: {  	_ =	shalt  }
0x7f: {  	_ =	shalt  }
0x80: {  	_ =	shalt  }
0x81: {  	_ =	shalt  }
0x82: {  	_ =	shalt  }
0x83: {  	_ =	shalt  }
0x84: {  	_ =	shalt  }
0x85: {  	_ =	shalt  }
0x86: {  	_ =	shalt  }
0x87: {  	_ =	shalt  }
.Lfunc_end0:
.L_simem_size_0:
called_computation_lowered:
.L_overlay_start_0:
0x88: {  	s2 =	sld [smem:$0x3FD9]  }
0x89: {  	s3 =	sld [smem:$0x3FFE];
	_ =	sdelay $0x1  }
0x8a: {  	s1 =	srdreg.scid  }
0x8b: {  	s0 =	sand.u32 $0x1, s1  }
0x8c: {  	s16 =	sshll.u32 s0, $0xA;
	s2 =	sadd.s32 s3, s2  }
0x8d: {  	s2 =	sadd.s32 s2, s16  }
0x8e: {  	[smem:$0x3FBF] =	sst s2  }
0x8f: {  	_ = 	snop  }
0x90: {  	(tm) =	ssettm $0x1  }
0x91: {  	s17 =	sld [smem:$0x3FFB];
	_ =	sdelay $0x3  }
0x92: {  	_ =	strace s17  }
0x93: {  	s2 =	sld [smem:$0x3FFC];
	_ =	sdelay $0x3  }
0x94: {  	_ =	strace s2  }
0x95: {  	s2 =	sld [smem:$0x3FFD];
	_ =	sdelay $0x3  }
0x96: {  	_ =	strace s2  }
0x97: {  	_ =	strace $0x8FFFFFFF  }
0x98: {  	s18 =	sld [smem:$0x3FDB];
	_ =	sdelay $0x1  }
0x99: {  	s19 =	simm.s32 $_scs_section_size  }
0x9a: {  	s4 =	simm.s32 $_size__tile_overlayer_lowered;
	s5 =	simm.s32 $_tile_overlayer_lowered  }
0x9b: {  	s22 =	simm.s32 $0x1BFF;
	s21 =	sshll.u32 s5, $0x1;
	s2 =	sadd.s32 s19, s18  }
0x9c: {  	s6 =	simm.s32 $0x0;
	s20 =	sshll.u32 s4, $0x1;
	s4 =	sadd.s32 s21, s2  }
0x9d: {  	[timem:s6], [sflag:s22] =	dma.local [hbm:s4], s20  }
0x9e: {  	_ =	swait.ge [sflag:s22], s20  }
0x9f: {  	s3 =	ssub.s32 $0x0, s20;
	[sflag:s22] =	ssyncset.done $0x0  }
0xa0: {  	[sflag:s22] =	ssyncadd.s32 s3;
	_ =	sdelay $0x1  }
0xa1: {  	s23 =	simm.s32 $0x1B8B  }
0xa2: {  	_ =	swait.ge [sflag:s23], $0x1  }
0xa3: {  	[sflag:s23] =	ssyncset.done $0x0  }
0xa4: {  	s25 =	simm.s32 $0x1B8E;
	s24 =	sld [smem:$0x3FFE];
	[sflag:s23] =	ssyncadd.s32 $0xFFFFFFFF  }
0xa5: {  	s26 =	simm.s32 $execute0_lowered;
	[smem:$0x3FD2] =	sst s25  }
0xa6: {  	s4 =	sshll.u32 s26, $0x1;
	_ =	strace $0x80000046;
	[dreg:$0x1] =	wrdreg $0xFFFFFFFF  }
0xa7: {  	s28 =	simm.s32 $_size_execute0_lowered;
	s2 =	sadd.s32 s2, s4;
	[dreg:$0x0] =	wrdreg $0x0  }
0xa8: {  	s4 =	sshll.u32 s28, $0x1;
	[dreg:$0x2] =	wrdreg s2  }
0xa9: {  	[dreg:$0x3] =	wrdreg s4  }
0xaa: {  	[dreg:$0x4] =	wrdreg $0xC0  }
0xab: {  	_ =	task [dreg:s6], $0x5FFFF  }
0xac: {  	[dreg:$0x1] =	wrdreg $0xFFFFFFFF  }
0xad: {  	[dreg:$0x0] =	wrdreg $0x60  }
0xae: {  	[dreg:$0x2] =	wrdreg s24  }
0xaf: {  	[dreg:$0x3] =	wrdreg $0x7E800  }
0xb0: {  	[dreg:$0x4] =	wrdreg $0x9  }
0xb1: {  	_ =	task.clear_ibuf [dreg:s6], $0x5FFFF;
	_ =	strace $0x90000046  }
0xb2: {  	s29 =	simm.s32 $0x9;
	_ =	strace $0x80000048  }
0xb3: {  	_ =	swait.ge [sflag:s29], $0x1  }
0xb4: {  	[sflag:s29] =	ssyncadd.s32 $0xFFFFFFFF  }
0xb5: {  	_ =	strace $0x90000048  }
0xb6: {  	_ =	sfence  }
0xb7: {  	s30 =	sld [smem:$0x0];
	_ =	sdelay $0x2  }
0xb8: {  	s31 =	sshll.u32 s1, $0xD;
	s1 =	sshrl.u32 s1, $0x2  }
0xb9: {  	s3 =	sand.u32 $0x4000, s31;
	s1 =	sadd.s32 s1, s30  }
0xba: {  	s0 =	sor.u32 s3, s0;
	s1 =	sshll.u32 s1, $0x11  }
0xbb: {  	s0 =	sor.u32 s1, s0  }
0xbc: {  	s0 =	sadd.s32 $0x8F2B, s0  }
0xbd: {  	[sflag:s0] =	ssyncadd.remote.s32 $0x1  }
0xbe: {  	_ =	sfence.sel $0xFFFF  }
0xbf: {  	[dreg:$0x0] =	wrdreg $0xFFFFFFFF;
	(pc) =	sbr.abs _section_cstart, $3  }
0xc0: {  	[dreg:$0x1] =	wrdreg $0xFFFFFFFF  }
0xc1: {  	_ =	task.clear_ibuf [dreg:s6], $0x2FFFF;
	_ =	strace $0x9FFFFFFF  }
0xc2: {  	(tm) =	ssettm $0x7FFFFFFF  }
0xc3: {  	_ =	shalt  }
tec
execute0_lowered:
.L_overlay_start_1:
0x0: {  	(tag) =	ssettag $0x1  }
0x1: {  	s0 =	rddreg [dreg:$0x0]  }
0x2: {  	s2 =	rddreg [dreg:$0x1];
	s3 =	simm.s32 $0x0  }
0x3: {  	s1 =	stileid.u32;
	s4 =	srdreg.scid;
	s19 =	simm.s32 $0x7680  }
0x4: {  	s20 =	simm.s32 $0x1;
	s23 =	simm.s32 $0x0;
	[smem:$0x7FF] =	sst s3  }
0x5: {  	s9 =	smul.u32 $0x2710, s1;
	s4 =	sand.u32 $0x1, s4;
	s7 =	sadd.s32 $0x2E00, s0  }
0x6: {  	s13 =	sadd.s32 $0x25600, s0;
	_ =	strace $0x80000047;
	s5 =	smul.u32 $0x4E20, s4  }
0x7: {  	s6 =	sshll.u32 s4, $0x4;
	s4 =	ssub.s32 $0x2, s4;
	s17 =	sshrl.u32 s9, $0x3  }
0x8: {  	s16 =	sor.u32 s1, s6;
	s8 =	sshrl.u32 s4, $0x1;
	s9 =	sadd.s32 s9, s2  }
0x9: {  	s10 =	sadd.s32 s17, s0;
	s15 =	sadd.s32 s5, s0;
	s30 =	smul.u32 $0x4E, s16  }
0xa: {  	s18 =	ssub.s32 s4, s8;
	p0 =	slt.u32 s16, $0x4;
	s4 =	simm.s32 $0x4F  }
0xb: {  	s6 =	smin.u32 s16, $0x4;
	s0 =	sadd.s32 $0x2F400, s0;
	s4 =	simm.s32 @!p0 $0x4E  }
0xc: {  	s10 =	sadd.s32 $0x16800, s10;
	s31 =	sadd.s32 $0x1B800, s15;
	s15 =	smax.u32 s18, $0x1  }
0xd: {  	p0 =	sgt.u32 s16, $0x3;
	s16 =	simm.s32 $0x2;
	s5 =	sadd.s32 s6, s30  }
0xe: {  	s18 =	simm.s32 $0x80;
	s22 =	sadd.s32 s17, s31;
	s12 =	sshll.u32 s5, $0x4  }
0xf: {  	s5 =	sadd.s32 s7, s12;
	s14 =	sadd.s32 $0x4E0, s12;
	s11 =	sadd.s32 s13, s12  }
0x10: {  	s12 =	sadd.s32 s0, s12;
	s6 =	sadd.s32 $0x9C40, s5;
	s7 =	sadd.s32 s7, s14  }
0x11: {  	v0 =	vimm.f32 $1.000000000e+00;
	s8 =	sadd.s32 $0xA120, s5;
	s13 =	sadd.s32 s13, s14;
	s14 =	sadd.s32 s0, s14  }
.LBB2_1:
0x12: {  	[tilespmem:s3], [sflag:$0x2] =	stream.linear.gather [hbm4b:s5+s3], $0x2700, $0x38;
	[tilespmem:$0xA590] =	vst v63  }
0x13: {  	_ =	swait.ge [sflag:s16], $0x2700  }
0x14: {  	[sflag:s16] =	ssyncset.done $0x0  }
0x15: {  	s0 =	simm.s32 $0x2780;
	[sflag:s16] =	ssyncadd.s32 $0xFFFFD900  }
0x16: {  	[tilespmem:s0], [sflag:$0x2] =	stream.linear.gather [hbm4b:s6+s3], $0x2700, $0x38;
	[tilespmem:$0xA590] =	vst v63  }
0x17: {  	_ =	swait.ge [sflag:s16], $0x2700  }
0x18: {  	[sflag:s16] =	ssyncset.done $0x0  }
0x19: {  	s17 =	simm.s32 @!p0 $0x2700;
	s0 =	simm.s32 @!p0 $0x0;
	[sflag:s16] =	ssyncadd.s32 $0xFFFFD900  }
0x1a: {  	[tilespmem:s17], [sflag:$0x2] =	stream.linear.gather @!p0 [hbm4b:s7+s0], $0x80, $0x38;
	[tilespmem:$0xA590] =	vst v63  }
0x1b: {  	s17 =	simm.s32 @!p0 $0x2  }
0x1c: {  	_ =	swait.ge @!p0 [sflag:s17], $0x80  }
0x1d: {  	[sflag:s17] =	ssyncset.done @!p0 $0x0  }
0x1e: {  	s24 =	simm.s32 @!p0 $0x4E80;
	[sflag:s17] =	ssyncadd.s32 @!p0 $0xFFFFFF80  }
0x1f: {  	[tilespmem:s24], [sflag:$0x2] =	stream.linear.gather @!p0 [hbm4b:s8+s0], $0x80, $0x38;
	[tilespmem:$0xA590] =	vst v63  }
0x20: {  	_ =	swait.ge @!p0 [sflag:s17], $0x80  }
0x21: {  	[sflag:s17] =	ssyncset.done @!p0 $0x0  }
0x22: {  	s0 =	simm.s32 $0x40;
	[sflag:s17] =	ssyncadd.s32 @!p0 $0xFFFFFF80;
	s17 =	simm.s32 $0x0  }
.LBB2_2:
0x23: {  	p1 =	sne.s32 s0, $0x1FC0;
	[tilespmem:s17+$0x7680] =	vst v0;
	s17 =	smov.u32 s0;
	s0 =	sadd.s32 $0x40, s0  }
.Ltmp0:
0x24: {  	(pc) =	sbr.rel @p1 .LBB2_2-.Ltmp0, $2  }
0x25: {  	_ =	sdelay $0x2  }
0x26: {  	s17 =	sshra.s32 s17, $0x2  }
0x27: {  	s0 =	sshll.u32 s1, $0x6  }
0x28: {  	[tilespmem:s17+$0x7680] =	vst v0;
	s25 =	sshrl.u32 s9, $0x3;
	p2 =	sne.s32 s4, $0x1;
	s24 =	sor.u32 $0x1C02, s0  }
0x29: {  	[spmem:s25], [sflag:s24] =	dma.local [hbm:s10], $0x4E2  }
.Ltmp1:
0x2a: {  	_ =	swait.ge [sflag:s16], $0x4E2;
	(pc) =	sbr.rel @!p2 .LBB2_4-.Ltmp1, $4  }
0x2b: {  	[sflag:s16] =	ssyncset.done $0x0  }
0x2c: {  	[sflag:s16] =	ssyncadd.s32 $0xFFFFFB1E  }
0x2d: {  	s26 =	simm.s32 $0x2780;
	s29 =	simm.s32 $0x40;
	[bflag:$0x0] =	sbarrier.arrive $0xFFFF  }
0x2e: {  	p3 =	por $0x1, $0x1;
	p1 =	por $0x0, $0x0;
	s0 =	simm.s32 $0x4F40  }
0x2f: {  	s17 =	simm.s32 @!p3 $0x1  }
0x30: {  	_ =	swait.ge @!p3 [sflag:s17], $0x800  }
0x31: {  	[sflag:s17] =	ssyncset.done @!p3 $0x0  }
0x32: {  	[sflag:s17] =	ssyncadd.s32 @!p3 $0xFFFFF800  }
0x33: {  	[spmem:s2] =	stream.indirect.scatter.add.f32 [tilespmem:s19], [sflag:$0x1], $0x10, s26, s18, $0xb8;
	[tilespmem:$0xA590] =	vst v63  }
0x34: {  	v1 =	vld [tilespmem:s29+$0xFFFFFFC0];
	_ =	sdelay $0x4  }
0x35: {  	v2 =	vshll.u32 v1, $0x1  }
0x36: {  	vm0 =	vgt.s32 v1, $0x1387;
	v1 =	vadd.s32 $0xFFFFD8F1, v2  }
0x37: {  	v1 =	vsel vm0, v1, v2  }
0x38: {  	[tilespmem:s29+$0xFFFFFFC0] =	vst v1  }
0x39: {  	v1 =	vld [tilespmem:s26+$0x0];
	_ =	sdelay $0x4  }
0x3a: {  	v2 =	vshll.u32 v1, $0x1  }
0x3b: {  	vm13 =	vgt.s32 v1, $0x1387;
	v1 =	vadd.s32 $0xFFFFD8F1, v2  }
0x3c: {  	v1 =	vsel vm13, v1, v2  }
0x3d: {  	[tilespmem:s0+$0xFFFFFFC0] =	vst v1  }
0x3e: {  	v1 =	vld [tilespmem:s29+$0xFFFFFFD0];
	_ =	sdelay $0x4  }
0x3f: {  	v2 =	vshll.u32 v1, $0x1  }
0x40: {  	vm14 =	vgt.s32 v1, $0x1387;
	v1 =	vadd.s32 $0xFFFFD8F1, v2  }
0x41: {  	v1 =	vsel vm14, v1, v2  }
0x42: {  	[tilespmem:s29+$0xFFFFFFD0] =	vst v1  }
0x43: {  	v1 =	vld [tilespmem:s26+$0x10];
	_ =	sdelay $0x4  }
0x44: {  	v2 =	vshll.u32 v1, $0x1  }
0x45: {  	vm15 =	vgt.s32 v1, $0x1387;
	v1 =	vadd.s32 $0xFFFFD8F1, v2  }
0x46: {  	v1 =	vsel vm15, v1, v2  }
0x47: {  	[tilespmem:s0+$0xFFFFFFD0] =	vst v1  }
0x48: {  	v1 =	vld [tilespmem:s29+$0xFFFFFFE0];
	_ =	sdelay $0x4  }
0x49: {  	v2 =	vshll.u32 v1, $0x1  }
0x4a: {  	vm4 =	vgt.s32 v1, $0x1387;
	v1 =	vadd.s32 $0xFFFFD8F1, v2  }
0x4b: {  	v1 =	vsel vm4, v1, v2  }
0x4c: {  	[tilespmem:s29+$0xFFFFFFE0] =	vst v1  }
0x4d: {  	v1 =	vld [tilespmem:s26+$0x20];
	_ =	sdelay $0x4  }
0x4e: {  	v2 =	vshll.u32 v1, $0x1  }
0x4f: {  	vm5 =	vgt.s32 v1, $0x1387;
	v1 =	vadd.s32 $0xFFFFD8F1, v2  }
0x50: {  	v1 =	vsel vm5, v1, v2  }
0x51: {  	[tilespmem:s0+$0xFFFFFFE0] =	vst v1  }
0x52: {  	v1 =	vld [tilespmem:s29+$0xFFFFFFF0];
	_ =	sdelay $0x4  }
0x53: {  	v2 =	vshll.u32 v1, $0x1  }
0x54: {  	vm6 =	vgt.s32 v1, $0x1387;
	v1 =	vadd.s32 $0xFFFFD8F1, v2  }
0x55: {  	v1 =	vsel vm6, v1, v2  }
0x56: {  	[tilespmem:s29+$0xFFFFFFF0] =	vst v1  }
0x57: {  	v1 =	vld [tilespmem:s26+$0x30];
	_ =	sdelay $0x4  }
0x58: {  	v2 =	vshll.u32 v1, $0x1  }
0x59: {  	vm7 =	vgt.s32 v1, $0x1387;
	v1 =	vadd.s32 $0xFFFFD8F1, v2  }
0x5a: {  	v1 =	vsel vm7, v1, v2  }
0x5b: {  	[tilespmem:s0+$0xFFFFFFF0] =	vst v1  }
0x5c: {  	v1 =	vld [tilespmem:s29+$0x0];
	_ =	sdelay $0x4  }
0x5d: {  	v2 =	vshll.u32 v1, $0x1  }
0x5e: {  	vm8 =	vgt.s32 v1, $0x1387;
	v1 =	vadd.s32 $0xFFFFD8F1, v2  }
0x5f: {  	v1 =	vsel vm8, v1, v2  }
0x60: {  	[tilespmem:s29+$0x0] =	vst v1  }
0x61: {  	v1 =	vld [tilespmem:s26+$0x40];
	_ =	sdelay $0x4  }
0x62: {  	v2 =	vshll.u32 v1, $0x1  }
0x63: {  	vm9 =	vgt.s32 v1, $0x1387;
	v1 =	vadd.s32 $0xFFFFD8F1, v2  }
0x64: {  	v1 =	vsel vm9, v1, v2  }
0x65: {  	[tilespmem:s0+$0x0] =	vst v1  }
0x66: {  	v1 =	vld [tilespmem:s29+$0x10];
	_ =	sdelay $0x4  }
0x67: {  	v2 =	vshll.u32 v1, $0x1  }
0x68: {  	vm10 =	vgt.s32 v1, $0x1387;
	v1 =	vadd.s32 $0xFFFFD8F1, v2  }
0x69: {  	v1 =	vsel vm10, v1, v2  }
0x6a: {  	[tilespmem:s29+$0x10] =	vst v1  }
0x6b: {  	v1 =	vld [tilespmem:s26+$0x50];
	_ =	sdelay $0x4  }
0x6c: {  	v2 =	vshll.u32 v1, $0x1  }
0x6d: {  	vm11 =	vgt.s32 v1, $0x1387;
	v1 =	vadd.s32 $0xFFFFD8F1, v2  }
0x6e: {  	v1 =	vsel vm11, v1, v2  }
0x6f: {  	[tilespmem:s0+$0x10] =	vst v1  }
0x70: {  	v1 =	vld [tilespmem:s29+$0x20];
	_ =	sdelay $0x4  }
0x71: {  	v2 =	vshll.u32 v1, $0x1  }
0x72: {  	vm12 =	vgt.s32 v1, $0x1387;
	v1 =	vadd.s32 $0xFFFFD8F1, v2  }
0x73: {  	v1 =	vsel vm12, v1, v2  }
0x74: {  	[tilespmem:s29+$0x20] =	vst v1  }
0x75: {  	v1 =	vld [tilespmem:s26+$0x60];
	_ =	sdelay $0x4  }
0x76: {  	v2 =	vshll.u32 v1, $0x1  }
0x77: {  	vm13 =	vgt.s32 v1, $0x1387;
	v1 =	vadd.s32 $0xFFFFD8F1, v2  }
0x78: {  	v1 =	vsel vm13, v1, v2  }
0x79: {  	[tilespmem:s0+$0x20] =	vst v1  }
0x7a: {  	v1 =	vld [tilespmem:s29+$0x30];
	_ =	sdelay $0x4  }
0x7b: {  	v2 =	vshll.u32 v1, $0x1  }
0x7c: {  	vm14 =	vgt.s32 v1, $0x1387;
	v1 =	vadd.s32 $0xFFFFD8F1, v2  }
0x7d: {  	v1 =	vsel vm14, v1, v2  }
0x7e: {  	[tilespmem:s29+$0x30] =	vst v1  }
0x7f: {  	v1 =	vld [tilespmem:s26+$0x70];
	_ =	sdelay $0x1  }
0x80: {  	p2 =	sne.s32 s4, $0x2  }
.Ltmp2:
0x81: {  	_ = 	snop;
	(pc) =	sbr.rel @!p2 .LBB2_6-.Ltmp2, $4  }
0x82: {  	_ = 	snop  }
0x83: {  	v2 =	vshll.u32 v1, $0x1  }
0x84: {  	s31 =	simm.s32 $0x2;
	s28 =	simm.s32 $0x4FC0;
	p1 =	por $0x1, $0x1;
	vm15 =	vgt.s32 v1, $0x1387;
	v1 =	vadd.s32 $0xFFFFD8F1, v2  }
0x85: {  	s30 =	simm.s32 $0x2780;
	p3 =	por $0x1, $0x1;
	s29 =	simm.s32 $0xC0;
	v1 =	vsel vm15, v1, v2  }
.LBB2_7:
0x86: {  	s21 =	simm.s32 @!p3 $0x1;
	s30 =	sadd.s32 $0x80, s30  }
0x87: {  	[tilespmem:s0+$0x30] =	vst v1;
	s17 =	smov.u32 s31;
	s31 =	sadd.s32 $0x1, s31;
	s0 =	smov.u32 s28  }
0x88: {  	p2 =	sne.s32 s4, s31;
	_ =	swait.ge @!p3 [sflag:s21], $0x800  }
0x89: {  	[sflag:s21] =	ssyncset.done @!p3 $0x0  }
0x8a: {  	[sflag:s21] =	ssyncadd.s32 @!p3 $0xFFFFF800  }
0x8b: {  	[spmem:s2] =	stream.indirect.scatter.add.f32 [tilespmem:s19], [sflag:$0x1], $0x10, s30, s18, $0xb8;
	[tilespmem:$0xA590] =	vst v63  }
0x8c: {  	v1 =	vld [tilespmem:s29+$0xFFFFFFC0];
	_ =	sdelay $0x4  }
0x8d: {  	v2 =	vshll.u32 v1, $0x1  }
0x8e: {  	vm0 =	vgt.s32 v1, $0x1387;
	v1 =	vadd.s32 $0xFFFFD8F1, v2  }
0x8f: {  	v1 =	vsel vm0, v1, v2  }
0x90: {  	[tilespmem:s29+$0xFFFFFFC0] =	vst v1  }
0x91: {  	v1 =	vld [tilespmem:s30+$0x0];
	_ =	sdelay $0x4  }
0x92: {  	v2 =	vshll.u32 v1, $0x1  }
0x93: {  	vm0 =	vgt.s32 v1, $0x1387;
	v1 =	vadd.s32 $0xFFFFD8F1, v2  }
0x94: {  	v1 =	vsel vm0, v1, v2  }
0x95: {  	[tilespmem:s28+$0xFFFFFFC0] =	vst v1  }
0x96: {  	v1 =	vld [tilespmem:s29+$0xFFFFFFD0];
	_ =	sdelay $0x4  }
0x97: {  	v2 =	vshll.u32 v1, $0x1  }
0x98: {  	vm0 =	vgt.s32 v1, $0x1387;
	v1 =	vadd.s32 $0xFFFFD8F1, v2  }
0x99: {  	v1 =	vsel vm0, v1, v2  }
0x9a: {  	[tilespmem:s29+$0xFFFFFFD0] =	vst v1  }
0x9b: {  	v1 =	vld [tilespmem:s30+$0x10];
	_ =	sdelay $0x4  }
0x9c: {  	v2 =	vshll.u32 v1, $0x1  }
0x9d: {  	vm0 =	vgt.s32 v1, $0x1387;
	v1 =	vadd.s32 $0xFFFFD8F1, v2  }
0x9e: {  	v1 =	vsel vm0, v1, v2  }
0x9f: {  	[tilespmem:s28+$0xFFFFFFD0] =	vst v1  }
0xa0: {  	v1 =	vld [tilespmem:s29+$0xFFFFFFE0];
	_ =	sdelay $0x4  }
0xa1: {  	v2 =	vshll.u32 v1, $0x1  }
0xa2: {  	vm0 =	vgt.s32 v1, $0x1387;
	v1 =	vadd.s32 $0xFFFFD8F1, v2  }
0xa3: {  	v1 =	vsel vm0, v1, v2  }
0xa4: {  	[tilespmem:s29+$0xFFFFFFE0] =	vst v1  }
0xa5: {  	v1 =	vld [tilespmem:s30+$0x20];
	_ =	sdelay $0x4  }
0xa6: {  	v2 =	vshll.u32 v1, $0x1  }
0xa7: {  	vm0 =	vgt.s32 v1, $0x1387;
	v1 =	vadd.s32 $0xFFFFD8F1, v2  }
0xa8: {  	v1 =	vsel vm0, v1, v2  }
0xa9: {  	[tilespmem:s28+$0xFFFFFFE0] =	vst v1  }
0xaa: {  	v1 =	vld [tilespmem:s29+$0xFFFFFFF0];
	_ =	sdelay $0x4  }
0xab: {  	v2 =	vshll.u32 v1, $0x1  }
0xac: {  	vm0 =	vgt.s32 v1, $0x1387;
	v1 =	vadd.s32 $0xFFFFD8F1, v2  }
0xad: {  	v1 =	vsel vm0, v1, v2  }
0xae: {  	[tilespmem:s29+$0xFFFFFFF0] =	vst v1  }
0xaf: {  	v1 =	vld [tilespmem:s30+$0x30];
	_ =	sdelay $0x4  }
0xb0: {  	v2 =	vshll.u32 v1, $0x1  }
0xb1: {  	vm0 =	vgt.s32 v1, $0x1387;
	v1 =	vadd.s32 $0xFFFFD8F1, v2  }
0xb2: {  	v1 =	vsel vm0, v1, v2  }
0xb3: {  	[tilespmem:s28+$0xFFFFFFF0] =	vst v1  }
0xb4: {  	v1 =	vld [tilespmem:s29+$0x0];
	_ =	sdelay $0x4  }
0xb5: {  	v2 =	vshll.u32 v1, $0x1  }
0xb6: {  	vm0 =	vgt.s32 v1, $0x1387;
	v1 =	vadd.s32 $0xFFFFD8F1, v2  }
0xb7: {  	v1 =	vsel vm0, v1, v2  }
0xb8: {  	[tilespmem:s29+$0x0] =	vst v1  }
0xb9: {  	v1 =	vld [tilespmem:s30+$0x40];
	_ =	sdelay $0x4  }
0xba: {  	v2 =	vshll.u32 v1, $0x1  }
0xbb: {  	vm0 =	vgt.s32 v1, $0x1387;
	v1 =	vadd.s32 $0xFFFFD8F1, v2  }
0xbc: {  	v1 =	vsel vm0, v1, v2  }
0xbd: {  	[tilespmem:s28+$0x0] =	vst v1  }
0xbe: {  	v1 =	vld [tilespmem:s29+$0x10];
	_ =	sdelay $0x4  }
0xbf: {  	v2 =	vshll.u32 v1, $0x1  }
0xc0: {  	vm0 =	vgt.s32 v1, $0x1387;
	v1 =	vadd.s32 $0xFFFFD8F1, v2  }
0xc1: {  	v1 =	vsel vm0, v1, v2  }
0xc2: {  	[tilespmem:s29+$0x10] =	vst v1  }
0xc3: {  	v1 =	vld [tilespmem:s30+$0x50];
	_ =	sdelay $0x4  }
0xc4: {  	v2 =	vshll.u32 v1, $0x1  }
0xc5: {  	vm0 =	vgt.s32 v1, $0x1387;
	v1 =	vadd.s32 $0xFFFFD8F1, v2  }
0xc6: {  	v1 =	vsel vm0, v1, v2  }
0xc7: {  	[tilespmem:s28+$0x10] =	vst v1  }
0xc8: {  	v1 =	vld [tilespmem:s29+$0x20];
	_ =	sdelay $0x4  }
0xc9: {  	v2 =	vshll.u32 v1, $0x1  }
0xca: {  	vm0 =	vgt.s32 v1, $0x1387;
	v1 =	vadd.s32 $0xFFFFD8F1, v2  }
0xcb: {  	v1 =	vsel vm0, v1, v2  }
0xcc: {  	[tilespmem:s29+$0x20] =	vst v1  }
0xcd: {  	v1 =	vld [tilespmem:s30+$0x60];
	_ =	sdelay $0x4  }
0xce: {  	v2 =	vshll.u32 v1, $0x1  }
0xcf: {  	vm0 =	vgt.s32 v1, $0x1387;
	v1 =	vadd.s32 $0xFFFFD8F1, v2  }
0xd0: {  	v1 =	vsel vm0, v1, v2  }
0xd1: {  	[tilespmem:s28+$0x20] =	vst v1  }
0xd2: {  	v1 =	vld [tilespmem:s29+$0x30];
	_ =	sdelay $0x4  }
0xd3: {  	v2 =	vshll.u32 v1, $0x1  }
0xd4: {  	vm0 =	vgt.s32 v1, $0x1387;
	v1 =	vadd.s32 $0xFFFFD8F1, v2  }
0xd5: {  	v1 =	vsel vm0, v1, v2  }
0xd6: {  	[tilespmem:s29+$0x30] =	vst v1  }
0xd7: {  	v1 =	vld [tilespmem:s30+$0x70];
	_ =	sdelay $0x2  }
.Ltmp3:
0xd8: {  	(pc) =	sbr.rel @p2 .LBB2_7-.Ltmp3, $4  }
0xd9: {  	_ = 	snop  }
0xda: {  	v2 =	vshll.u32 v1, $0x1  }
0xdb: {  	vm0 =	vgt.s32 v1, $0x1387;
	v1 =	vadd.s32 $0xFFFFD8F1, v2  }
0xdc: {  	p3 =	slt.u32 s17, $0x4;
	s28 =	sadd.s32 $0x80, s28;
	s29 =	sadd.s32 $0x80, s29;
	v1 =	vsel vm0, v1, v2  }
0xdd: {  	s17 =	smov.u32 s0;
	s0 =	smov.u32 s28  }
.LBB2_9:
0xde: {  	s21 =	simm.s32 @!p3 $0x1;
	[tilespmem:s17+$0x30] =	vst @p1 v1  }
0xdf: {  	_ =	swait.ge @!p3 [sflag:s21], $0x800  }
0xe0: {  	s17 =	sadd.s32 @p1 $0x80, s30;
	[sflag:s21] =	ssyncset.done @!p3 $0x0  }
0xe1: {  	s26 =	smov.u32 @p1 s17;
	[sflag:s21] =	ssyncadd.s32 @!p3 $0xFFFFF800  }
0xe2: {  	[spmem:s2] =	stream.indirect.scatter.add.f32 [tilespmem:s19], [sflag:$0x1], $0x10, s26, s18, $0xb8;
	[tilespmem:$0xA590] =	vst v63  }
0xe3: {  	v1 =	vld [tilespmem:s29+$0xFFFFFFC0];
	_ =	sdelay $0x4  }
0xe4: {  	v2 =	vshll.u32 v1, $0x1  }
0xe5: {  	vm0 =	vgt.s32 v1, $0x1387;
	v1 =	vadd.s32 $0xFFFFD8F1, v2  }
0xe6: {  	v1 =	vsel vm0, v1, v2  }
0xe7: {  	[tilespmem:s29+$0xFFFFFFC0] =	vst v1  }
0xe8: {  	v1 =	vld [tilespmem:s26+$0x0];
	_ =	sdelay $0x4  }
0xe9: {  	v2 =	vshll.u32 v1, $0x1  }
0xea: {  	vm13 =	vgt.s32 v1, $0x1387;
	v1 =	vadd.s32 $0xFFFFD8F1, v2  }
0xeb: {  	v1 =	vsel vm13, v1, v2  }
0xec: {  	[tilespmem:s0+$0xFFFFFFC0] =	vst v1  }
0xed: {  	v1 =	vld [tilespmem:s29+$0xFFFFFFD0];
	_ =	sdelay $0x4  }
0xee: {  	v2 =	vshll.u32 v1, $0x1  }
0xef: {  	vm14 =	vgt.s32 v1, $0x1387;
	v1 =	vadd.s32 $0xFFFFD8F1, v2  }
0xf0: {  	v1 =	vsel vm14, v1, v2  }
0xf1: {  	[tilespmem:s29+$0xFFFFFFD0] =	vst v1  }
0xf2: {  	v1 =	vld [tilespmem:s26+$0x10];
	_ =	sdelay $0x4  }
0xf3: {  	v2 =	vshll.u32 v1, $0x1  }
0xf4: {  	vm15 =	vgt.s32 v1, $0x1387;
	v1 =	vadd.s32 $0xFFFFD8F1, v2  }
0xf5: {  	v1 =	vsel vm15, v1, v2  }
0xf6: {  	[tilespmem:s0+$0xFFFFFFD0] =	vst v1  }
0xf7: {  	v1 =	vld [tilespmem:s29+$0xFFFFFFE0];
	_ =	sdelay $0x4  }
0xf8: {  	v2 =	vshll.u32 v1, $0x1  }
0xf9: {  	vm4 =	vgt.s32 v1, $0x1387;
	v1 =	vadd.s32 $0xFFFFD8F1, v2  }
0xfa: {  	v1 =	vsel vm4, v1, v2  }
0xfb: {  	[tilespmem:s29+$0xFFFFFFE0] =	vst v1  }
0xfc: {  	v1 =	vld [tilespmem:s26+$0x20];
	_ =	sdelay $0x4  }
0xfd: {  	v2 =	vshll.u32 v1, $0x1  }
0xfe: {  	vm5 =	vgt.s32 v1, $0x1387;
	v1 =	vadd.s32 $0xFFFFD8F1, v2  }
0xff: {  	v1 =	vsel vm5, v1, v2  }
0x100: {  	[tilespmem:s0+$0xFFFFFFE0] =	vst v1  }
0x101: {  	v1 =	vld [tilespmem:s29+$0xFFFFFFF0];
	_ =	sdelay $0x4  }
0x102: {  	v2 =	vshll.u32 v1, $0x1  }
0x103: {  	vm6 =	vgt.s32 v1, $0x1387;
	v1 =	vadd.s32 $0xFFFFD8F1, v2  }
0x104: {  	v1 =	vsel vm6, v1, v2  }
0x105: {  	[tilespmem:s29+$0xFFFFFFF0] =	vst v1  }
0x106: {  	v1 =	vld [tilespmem:s26+$0x30];
	_ =	sdelay $0x4  }
0x107: {  	v2 =	vshll.u32 v1, $0x1  }
0x108: {  	vm7 =	vgt.s32 v1, $0x1387;
	v1 =	vadd.s32 $0xFFFFD8F1, v2  }
0x109: {  	v1 =	vsel vm7, v1, v2  }
0x10a: {  	[tilespmem:s0+$0xFFFFFFF0] =	vst v1  }
0x10b: {  	v1 =	vld [tilespmem:s29+$0x0];
	_ =	sdelay $0x4  }
0x10c: {  	v2 =	vshll.u32 v1, $0x1  }
0x10d: {  	vm8 =	vgt.s32 v1, $0x1387;
	v1 =	vadd.s32 $0xFFFFD8F1, v2  }
0x10e: {  	v1 =	vsel vm8, v1, v2  }
0x10f: {  	[tilespmem:s29+$0x0] =	vst v1  }
0x110: {  	v1 =	vld [tilespmem:s26+$0x40];
	_ =	sdelay $0x4  }
0x111: {  	v2 =	vshll.u32 v1, $0x1  }
0x112: {  	vm9 =	vgt.s32 v1, $0x1387;
	v1 =	vadd.s32 $0xFFFFD8F1, v2  }
0x113: {  	v1 =	vsel vm9, v1, v2  }
0x114: {  	[tilespmem:s0+$0x0] =	vst v1  }
0x115: {  	v1 =	vld [tilespmem:s29+$0x10];
	_ =	sdelay $0x4  }
0x116: {  	v2 =	vshll.u32 v1, $0x1  }
0x117: {  	vm10 =	vgt.s32 v1, $0x1387;
	v1 =	vadd.s32 $0xFFFFD8F1, v2  }
0x118: {  	v1 =	vsel vm10, v1, v2  }
0x119: {  	[tilespmem:s29+$0x10] =	vst v1  }
0x11a: {  	v1 =	vld [tilespmem:s26+$0x50];
	_ =	sdelay $0x4  }
0x11b: {  	v2 =	vshll.u32 v1, $0x1  }
0x11c: {  	vm11 =	vgt.s32 v1, $0x1387;
	v1 =	vadd.s32 $0xFFFFD8F1, v2  }
0x11d: {  	v1 =	vsel vm11, v1, v2  }
0x11e: {  	[tilespmem:s0+$0x10] =	vst v1  }
0x11f: {  	v1 =	vld [tilespmem:s29+$0x20];
	_ =	sdelay $0x4  }
0x120: {  	v2 =	vshll.u32 v1, $0x1  }
0x121: {  	vm12 =	vgt.s32 v1, $0x1387;
	v1 =	vadd.s32 $0xFFFFD8F1, v2  }
0x122: {  	v1 =	vsel vm12, v1, v2  }
0x123: {  	[tilespmem:s29+$0x20] =	vst v1  }
0x124: {  	v1 =	vld [tilespmem:s26+$0x60];
	_ =	sdelay $0x4  }
0x125: {  	v2 =	vshll.u32 v1, $0x1  }
0x126: {  	vm13 =	vgt.s32 v1, $0x1387;
	v1 =	vadd.s32 $0xFFFFD8F1, v2  }
0x127: {  	v1 =	vsel vm13, v1, v2  }
0x128: {  	[tilespmem:s0+$0x20] =	vst v1  }
0x129: {  	v1 =	vld [tilespmem:s29+$0x30];
	_ =	sdelay $0x4  }
0x12a: {  	v2 =	vshll.u32 v1, $0x1  }
0x12b: {  	vm14 =	vgt.s32 v1, $0x1387;
	v1 =	vadd.s32 $0xFFFFD8F1, v2  }
0x12c: {  	v1 =	vsel vm14, v1, v2  }
0x12d: {  	[tilespmem:s29+$0x30] =	vst v1  }
0x12e: {  	v1 =	vld [tilespmem:s26+$0x70];
	_ =	sdelay $0x4  }
0x12f: {  	v2 =	vshll.u32 v1, $0x1  }
0x130: {  	vm15 =	vgt.s32 v1, $0x1387;
	v1 =	vadd.s32 $0xFFFFD8F1, v2  }
0x131: {  	v1 =	vsel vm15, v1, v2  }
0x132: {  	[tilespmem:s0+$0x30] =	vst v1  }
0x133: {  	_ =	swait.ge [sflag:s20], $0x800  }
0x134: {  	[sflag:s20] =	ssyncset.done $0x0  }
0x135: {  	[sflag:s20] =	ssyncadd.s32 $0xFFFFF800  }
0x136: {  	_ =	swait.ge [sflag:s20], $0x800  }
0x137: {  	[sflag:s20] =	ssyncset.done $0x0  }
0x138: {  	[sflag:s20] =	ssyncadd.s32 $0xFFFFF800  }
0x139: {  	_ =	swait.ge [sflag:s20], $0x800  }
0x13a: {  	[sflag:s20] =	ssyncset.done $0x0  }
0x13b: {  	[sflag:s20] =	ssyncadd.s32 $0xFFFFF800  }
0x13c: {  	_ =	swait.ge [sflag:s20], $0x800  }
0x13d: {  	[sflag:s20] =	ssyncset.done $0x0  }
0x13e: {  	[sflag:s20] =	ssyncadd.s32 $0xFFFFF800  }
0x13f: {  	[hbm4b:s11+s3] =	stream.linear.scatter [tilespmem:s3], [sflag:$0x2], $0x2700, $0x38;
	[tilespmem:$0xA590] =	vst v63  }
0x140: {  	_ =	swait.ge [sflag:s16], $0x2700  }
0x141: {  	[sflag:s16] =	ssyncset.done $0x0  }
0x142: {  	s31 =	simm.s32 $0x4F00;
	[sflag:s16] =	ssyncadd.s32 $0xFFFFD900  }
0x143: {  	[hbm4b:s12+s3] =	stream.linear.scatter [tilespmem:s31], [sflag:$0x2], $0x2700, $0x38;
	[tilespmem:$0xA590] =	vst v63  }
0x144: {  	_ =	swait.ge [sflag:s16], $0x2700  }
0x145: {  	[sflag:s16] =	ssyncset.done $0x0  }
0x146: {  	s17 =	simm.s32 @!p0 $0x2700;
	s0 =	simm.s32 @!p0 $0x0;
	[sflag:s16] =	ssyncadd.s32 $0xFFFFD900  }
0x147: {  	[hbm4b:s13+s0] =	stream.linear.scatter @!p0 [tilespmem:s17], [sflag:$0x2], $0x80, $0x38;
	[tilespmem:$0xA590] =	vst v63  }
0x148: {  	s17 =	simm.s32 @!p0 $0x2  }
0x149: {  	_ =	swait.ge @!p0 [sflag:s17], $0x80  }
0x14a: {  	[sflag:s17] =	ssyncset.done @!p0 $0x0  }
0x14b: {  	s21 =	simm.s32 @!p0 $0x7600;
	[sflag:s17] =	ssyncadd.s32 @!p0 $0xFFFFFF80  }
0x14c: {  	[hbm4b:s14+s0] =	stream.linear.scatter @!p0 [tilespmem:s21], [sflag:$0x2], $0x80, $0x38;
	[tilespmem:$0xA590] =	vst v63  }
0x14d: {  	_ =	swait.ge @!p0 [sflag:s17], $0x80  }
0x14e: {  	[sflag:s17] =	ssyncset.done @!p0 $0x0  }
0x14f: {  	s23 =	sadd.s32 $0x1, s23;
	[sflag:s17] =	ssyncadd.s32 @!p0 $0xFFFFFF80  }
0x150: {  	p1 =	sne.s32 s23, s15;
	[bflag:$0x0] =	sbarrier.arrive $0xFFFF  }
0x151: {  	[hbm:s22], [sflag:s24] =	dma.local [spmem:s25], $0x4E2  }
.Ltmp4:
0x152: {  	_ = 	snop;
	(pc) =	sbr.rel @p1 .LBB2_1-.Ltmp4, $4  }
.Ltmp5:
0x153: {  	_ = 	snop;
	(pc) =	sbr.rel @!p1 .LBB2_10-.Ltmp5, $4  }
0x154: {  	_ =	swait.ge [sflag:s16], $0x4E2  }
0x155: {  	[sflag:s16] =	ssyncset.done $0x0  }
0x156: {  	[sflag:s16] =	ssyncadd.s32 $0xFFFFFB1E  }
0x157: {  	_ = 	snop  }
.LBB2_4:
.Ltmp6:
0x158: {  	(pc) =	sbr.rel .LBB2_9-.Ltmp6, $2  }
0x159: {  	_ =	sdelay $0x2  }
0x15a: {  	s30 =	simm.s32 $0x2780  }
.LBB2_6:
.Ltmp7:
0x15b: {  	(pc) =	sbr.rel .LBB2_9-.Ltmp7, $2  }
0x15c: {  	_ =	sdelay $0x2  }
0x15d: {  	s17 =	simm.s32 $0x4F40;
	s30 =	simm.s32 $0x2780;
	s0 =	simm.s32 $0x4FC0  }
.LBB2_10:
0x15e: {  	_ =	sfence.sel $0x180000  }
0x15f: {  	[bflag:$0x0] =	sbarrier.arrive $0xFFFF  }
0x160: {  	_ =	strace $0x90000047  }
0x161: {  	[bflag:$0x2] =	sbarrier.arrive $0xFFFF  }
0x162: {  	p0 =	sne.s32 s1, $0x0;
	s0 =	rddreg [dreg:$0x2]  }
0x163: {  	s0 =	sadd.s32 @!p0 $0x100000, s0  }
0x164: {  	[sflag:s0] =	ssyncadd.tile.s32 @!p0 $0x1;
	_ =	shalt  }
.Lfunc_end2:
_tile_overlayer_lowered:
.L_overlay_start_2:
0x165: {  	(tag) =	ssettag $0x2  }
0x166: {  	s0 =	rddreg [dreg:$0x0];
	s2 =	stileid.u32  }
0x167: {  	s1 =	rddreg [dreg:$0x1];
	p0 =	sne.s32 s2, $0x0  }
0x168: {  	s3 =	rddreg [dreg:$0x2];
	[bflag:$0x3] =	sbarrier.arrive $0xFFFF;
	s2 =	simm.s32 @!p0 $0x1C02  }
0x169: {  	[timem:s3], [sflag:s2] =	dma.local @!p0 [hbm:s0], s1  }
0x16a: {  	s0 =	simm.s32 @!p0 $0x2  }
0x16b: {  	_ =	swait.ge @!p0 [sflag:s0], s1  }
0x16c: {  	s1 =	ssub.s32 @!p0 $0x0, s1;
	[sflag:s0] =	ssyncset.done @!p0 $0x0  }
0x16d: {  	[sflag:s0] =	ssyncadd.s32 @!p0 s1  }
0x16e: {  	[bflag:$0x3] =	sbarrier.arrive $0xFFFF  }
0x16f: {  	_ =	shalt  }

</sc_bundles>
